<compile_context>
chip_gen: v7x
topology: tpu7x:2x2x1
jax: 0.10.2.dev20260603
libtpu: 0.0.44.dev20260713+nightly
codegen_flags: <defaults>
</compile_context>

<pallas_src>
import jax
import jax.numpy as jnp
from jax import lax
from jax.experimental import pallas as pl
from jax.experimental.pallas import tpu as pltpu
from jax.experimental.pallas import tpu_sc as plsc

B = 4096
F = 26
V = 100000
D = 16
DD = 13

NC = 2
NS = 16
NW = NC * NS
ROWS = B // NW


def _sc_body(o2_hbm, lin_hbm, x_hbm, s_hbm, v2_hbm, ling_hbm,
             x_v, idx_v, rows_v, lin_v, s_v, v2_v, sem_g, sem_l):
    wid = lax.axis_index("s") * NC + lax.axis_index("c")
    base = wid * ROWS

    pltpu.sync_copy(x_hbm.at[pl.ds(base, ROWS)], x_v)
    lanes = lax.iota(jnp.int32, 16)

    def tidx_body(i, carry):
        f = i // (ROWS // 16)
        g = i % (ROWS // 16)
        v = plsc.load_gather(x_v, [g * 16 + lanes, jnp.full((16,), f,
                                                           jnp.int32)])
        idx_v[f, pl.ds(g * 16, 16)] = v
        return carry

    lax.fori_loop(0, F * (ROWS // 16), tidx_body, 0)

    o2_copies = []
    lin_copies = []
    for f in range(F):
        o2_copies.append(pltpu.async_copy(
            o2_hbm.at[f].at[idx_v.at[f]],
            rows_v.at[pl.ds(f * ROWS, ROWS)], sem_g))
        lin_copies.append(pltpu.async_copy(
            lin_hbm.at[f].at[idx_v.at[f]],
            lin_v.at[pl.ds(f * ROWS, ROWS)], sem_l))
    for c in o2_copies:
        c.wait()
    for c in lin_copies:
        c.wait()

    def row_body(r, carry):
        s = jnp.zeros((16,), jnp.float32)
        qv = jnp.zeros((16,), jnp.float32)
        for f in range(F):
            e = rows_v[f * ROWS + r]
            s = s + e
            qv = qv + e * e
        v2_v[pl.ds(r * D, 16)] = 0.5 * (s * s - qv)
        s_v[r] = s
        return carry

    lax.fori_loop(0, ROWS, row_body, 0)

    pltpu.sync_copy(s_v, s_hbm.at[pl.ds(base, ROWS)])
    pltpu.sync_copy(v2_v, v2_hbm.at[pl.ds(base * D, ROWS * D)])
    pltpu.sync_copy(lin_v, ling_hbm.at[wid])


_sc_gather = pl.kernel(
    _sc_body,
    out_type=(
        jax.ShapeDtypeStruct((B, D), jnp.float32),
        jax.ShapeDtypeStruct((B * D,), jnp.float32),
        jax.ShapeDtypeStruct((NW, F * ROWS), jnp.float32),
    ),
    mesh=plsc.VectorSubcoreMesh(
        core_axis_name="c", subcore_axis_name="s", num_cores=NC,
        num_subcores=NS),
    scratch_types=[
        pltpu.VMEM((ROWS, F), jnp.int32),
        pltpu.VMEM((F, ROWS), jnp.int32),
        pltpu.VMEM((F * ROWS, D), jnp.float32),
        pltpu.VMEM((F * ROWS,), jnp.float32),
        pltpu.VMEM((ROWS, D), jnp.float32),
        pltpu.VMEM((ROWS * D,), jnp.float32),
        pltpu.SemaphoreType.DMA,
        pltpu.SemaphoreType.DMA,
    ],
    compiler_params=pltpu.CompilerParams(use_tc_tiling_on_sc=False,
                                         needs_layout_passes=False),
)


def _tc_body(xd_ref, s_ref, v2_ref, lg_ref, w2_ref, b2_ref, dw_ref, db_ref,
             o_ref):
    xd = xd_ref[...]
    W = w2_ref[...]
    bb = b2_ref[...]
    s_de = jnp.dot(xd, W, preferred_element_type=jnp.float32)
    s_de = s_de + jnp.sum(bb, axis=0, keepdims=True)
    sw2 = jnp.sum(W * W, axis=1, keepdims=True)
    swb = jnp.sum(W * bb, axis=1, keepdims=True)
    sb2 = jnp.sum(bb * bb, keepdims=True)
    q_de = (jnp.dot(xd * xd, sw2, preferred_element_type=jnp.float32)
            + 2.0 * jnp.dot(xd, swb, preferred_element_type=jnp.float32)
            + sb2)
    lin_de = jnp.dot(xd, dw_ref[...], preferred_element_type=jnp.float32)
    s_sp = s_ref[...]
    lin_sp = jnp.sum(lg_ref[...], axis=1, keepdims=True)
    o_ref[...] = (jnp.sum(v2_ref[...], axis=1, keepdims=True)
                  + jnp.sum(s_sp * s_de, axis=1, keepdims=True)
                  + 0.5 * (jnp.sum(s_de * s_de, axis=1, keepdims=True) - q_de)
                  + lin_sp + lin_de + db_ref[...])


_tc_combine = pl.pallas_call(
    _tc_body,
    out_shape=jax.ShapeDtypeStruct((B, 1), jnp.float32),
)


def kernel(x_sparse, x_dense, lin_tables, o2_tables, dense_W, dense_b,
           o2d_W, o2d_b):
    lin2d = jnp.sum(lin_tables, axis=2)
    s_all, v2_flat, ling = _sc_gather(o2_tables, lin2d, x_sparse)
    v2_all = v2_flat.reshape(B, D)
    lin_bf = ling.reshape(NW, F, ROWS).transpose(0, 2, 1).reshape(B, F)
    return _tc_combine(x_dense, s_all, v2_all, lin_bf, o2d_W, o2d_b, dense_W,
                       dense_b.reshape(1, 1))

# --- scband reference (transcript-rebuilt; emitter-appended) ---
"""Pipeline reference for scband-fm-37357625541091 (READ-ONLY COPY).

The authoritative reference and input builder live on the scoring server;
editing this copy changes nothing except your own understanding.
"""

import jax, jax.numpy as jnp
import numpy as np

B = 4096
F = 26
V = 100000
D = 16
DD = 13


def setup_inputs(seed: int = 0) -> dict:
    key = jax.random.key(seed)
    ks = jax.random.split(key, 8)
    x_sparse = jax.random.randint(ks[0], (B, F), 0, V, dtype=jnp.int32)
    x_dense = jax.random.uniform(ks[1], (B, DD), dtype=jnp.float32)
    lin_tables = jax.random.normal(ks[2], (F, V, 1), dtype=jnp.float32) * 0.01
    o2_tables = jax.random.normal(ks[3], (F, V, D), dtype=jnp.float32) * 0.01
    dense_W = jax.random.normal(ks[4], (DD, 1), dtype=jnp.float32) * 0.01
    dense_b = jnp.zeros((1,), dtype=jnp.float32)
    o2d_W = jax.random.normal(ks[5], (DD, D), dtype=jnp.float32) * 0.01
    o2d_b = jnp.zeros((DD, D), dtype=jnp.float32)
    return {
        "x_sparse": x_sparse,
        "x_dense": x_dense,
        "lin_tables": lin_tables,
        "o2_tables": o2_tables,
        "dense_W": dense_W,
        "dense_b": dense_b,
        "o2d_W": o2d_W,
        "o2d_b": o2d_b,
    }


def reference(x_sparse, x_dense, lin_tables, o2_tables, dense_W, dense_b, o2d_W, o2d_b):
    # first-order sparse: gather 1-dim embeddings per field and sum over fields
    fidx = jnp.arange(F)[None, :]  # [1, F]
    lin_emb = lin_tables[fidx, x_sparse]          # [B, F, 1]
    linear_part = jnp.sum(lin_emb, axis=1)        # [B, 1]
    # first-order dense
    linear_part = linear_part + x_dense @ dense_W + dense_b  # [B, 1]
    # second-order sparse embeddings
    o2_sparse = o2_tables[fidx, x_sparse]         # [B, F, D]
    # second-order dense: per-dense-feature Linear(1 -> D): x * w + b
    o2_dense = x_dense[:, :, None] * o2d_W[None, :, :] + o2d_b[None, :, :]  # [B, DD, D]
    o2 = jnp.concatenate([o2_sparse, o2_dense], axis=1)  # [B, F+DD, D]
    square_of_sum = jnp.sum(o2, axis=1) ** 2      # [B, D]
    sum_of_square = jnp.sum(o2 ** 2, axis=1)      # [B, D]
    cross_part = 0.5 * jnp.sum(square_of_sum - sum_of_square, axis=1, keepdims=True)  # [B, 1]
    return linear_part + cross_part

if __name__ == "__main__":
    import jax
    _d = setup_inputs()
    print(jax.jit(kernel)(*tuple(_d.values())))

</pallas_src>

<mosaic_0001>
#map = affine_map<(d0, d1) -> (0, 0, 0)>
#map1 = affine_map<(d0, d1) -> (0, 0)>
#map2 = affine_map<(d0, d1) -> (0)>
module attributes {stable_mosaic.version = 14 : i64} {
  func.func @_sc_body(%arg0: i32, %arg1: i32, %arg2: memref<26x100000x16xf32, #tpu.memory_space<hbm>>, %arg3: memref<26x100000xf32, #tpu.memory_space<hbm>>, %arg4: memref<4096x26xi32, #tpu.memory_space<hbm>>, %arg5: memref<4096x16xf32, #tpu.memory_space<hbm>>, %arg6: memref<65536xf32, #tpu.memory_space<hbm>>, %arg7: memref<32x3328xf32, #tpu.memory_space<hbm>>, %arg8: memref<128x26xi32, #tpu.memory_space<vmem>>, %arg9: memref<26x128xi32, #tpu.memory_space<vmem>>, %arg10: memref<3328x16xf32, #tpu.memory_space<vmem>>, %arg11: memref<3328xf32, #tpu.memory_space<vmem>>, %arg12: memref<128x16xf32, #tpu.memory_space<vmem>>, %arg13: memref<2048xf32, #tpu.memory_space<vmem>>, %arg14: memref<!tpu.dma_semaphore, #tpu.memory_space<semaphore_mem>>, %arg15: memref<!tpu.dma_semaphore, #tpu.memory_space<semaphore_mem>>) attributes {dimension_semantics = [#tpu.dimension_semantics<core_parallel>, #tpu.dimension_semantics<subcore_parallel>], iteration_bounds = array<i64: 2, 16>, scalar_prefetch = 0 : i64, scratch_operands = 8 : i64, tpu.core_type = #tpu.core_type<sc_vector_subcore>, window_params = [{transform_indices = #map}, {transform_indices = #map1}, {transform_indices = #map1}, {transform_indices = #map1}, {transform_indices = #map2}, {transform_indices = #map1}]} {
    %mul3A = arith.constant 2 : i32
    %mul3A_0 = arith.muli %arg1, %mul3A : i32
    %add3A = arith.addi %mul3A_0, %arg0 : i32
    %mul3A_1 = arith.constant 128 : i32
    %mul3A_2 = arith.muli %add3A, %mul3A_1 : i32
    "tpu.region"() ({
      %run_scoped3A = tpu.sem_alloc : memref<!tpu.dma_semaphore, #tpu.memory_space<semaphore_mem>>
      %dma_start3A_1418 = arith.constant 0 : i32
      %dma_start3A_1419 = tpu.memref_slice %arg4[%mul3A_2, %dma_start3A_1418] : memref<4096x26xi32, #tpu.memory_space<hbm>> -> memref<128x26xi32, #tpu.memory_space<hbm>>
      %dma_start3A_1420 = arith.constant 0 : i32
      %dma_start3A_1421 = tpu.memref_slice %arg4[%mul3A_2, %dma_start3A_1420] : memref<4096x26xi32, #tpu.memory_space<hbm>> -> memref<128x26xi32, #tpu.memory_space<hbm>>
      tpu.enqueue_dma source(%dma_start3A_1421 : memref<128x26xi32, #tpu.memory_space<hbm>>) target(%arg8 : memref<128x26xi32, #tpu.memory_space<vmem>>) target_semaphore(%run_scoped3A : memref<!tpu.dma_semaphore, #tpu.memory_space<semaphore_mem>>)
      %dma_wait3A_1422 = arith.constant 0 : i32
      %dma_wait3A_1423 = tpu.memref_slice %arg4[%mul3A_2, %dma_wait3A_1422] : memref<4096x26xi32, #tpu.memory_space<hbm>> -> memref<128x26xi32, #tpu.memory_space<hbm>>
      %dma_wait3A_1424 = arith.constant 0 : i32
      %dma_wait3A_1425 = tpu.memref_slice %arg4[%mul3A_2, %dma_wait3A_1424] : memref<4096x26xi32, #tpu.memory_space<hbm>> -> memref<128x26xi32, #tpu.memory_space<hbm>>
      tpu.wait_dma2 semaphore(%run_scoped3A : memref<!tpu.dma_semaphore, #tpu.memory_space<semaphore_mem>>) src(%dma_wait3A_1425 : memref<128x26xi32, #tpu.memory_space<hbm>>) dst(%arg8 : memref<128x26xi32, #tpu.memory_space<vmem>>)
      tpu.yield
    }) : () -> ()
    %iota3A = tpu.iota {dimensions = array<i32: 0>} : vector<16xi32>
    %scan3A = arith.constant 0 : i32
    %scan3A_3 = arith.constant 0 : i32
    %scan3A_4 = arith.constant 208 : i32
    %scan3A_5 = arith.addi %scan3A_3, %scan3A_4 : i32
    %scan3A_6 = arith.constant 1 : i32
    scf.for %scan3A_1418 = %scan3A_3 to %scan3A_5 step %scan3A_6  : i32 {
      %jit3A = arith.constant 8 : i32
      %div3A = arith.divsi %scan3A_1418, %jit3A : i32
      %sign3A = arith.constant 0 : i32
      %sign3A_1419 = arith.cmpi sgt, %scan3A_1418, %sign3A : i32
      %sign3A_1420 = arith.extui %sign3A_1419 : i1 to i32
      %sign3A_1421 = arith.constant 0 : i32
      %sign3A_1422 = arith.cmpi slt, %scan3A_1418, %sign3A_1421 : i32
      %sign3A_1423 = arith.extui %sign3A_1422 : i1 to i32
      %sign3A_1424 = arith.subi %sign3A_1420, %sign3A_1423 : i32
      %sign3A_1425 = arith.constant 0 : i32
      %sign3A_1426 = arith.cmpi sgt, %jit3A, %sign3A_1425 : i32
      %sign3A_1427 = arith.extui %sign3A_1426 : i1 to i32
      %sign3A_1428 = arith.constant 0 : i32
      %sign3A_1429 = arith.cmpi slt, %jit3A, %sign3A_1428 : i32
      %sign3A_1430 = arith.extui %sign3A_1429 : i1 to i32
      %sign3A_1431 = arith.subi %sign3A_1427, %sign3A_1430 : i32
      %ne3A = arith.cmpi ne, %sign3A_1424, %sign3A_1431 : i32
      %rem3A = arith.remsi %scan3A_1418, %jit3A : i32
      %ne3A_1432 = arith.constant 0 : i32
      %ne3A_1433 = arith.cmpi ne, %rem3A, %ne3A_1432 : i32
      %and3A = arith.andi %ne3A, %ne3A_1433 : i1
      %sub3A = arith.constant 1 : i32
      %sub3A_1434 = arith.subi %div3A, %sub3A : i32
      %select_n3A = arith.select %and3A, %sub3A_1434, %div3A : i32
      %jit3A_1435 = arith.constant 8 : i32
      %eq3A = arith.constant 0 : i32
      %eq3A_1436 = arith.cmpi eq, %jit3A_1435, %eq3A : i32
      %jit3A_1437 = arith.constant 1 : i32
      %select_n3A_1438 = arith.select %eq3A_1436, %jit3A_1437, %jit3A_1435 : i32
      %rem3A_1439 = arith.remsi %scan3A_1418, %select_n3A_1438 : i32
      %ne3A_1440 = arith.constant 0 : i32
      %ne3A_1441 = arith.cmpi ne, %rem3A_1439, %ne3A_1440 : i32
      %lt3A = arith.constant 0 : i32
      %lt3A_1442 = arith.cmpi slt, %rem3A_1439, %lt3A : i32
      %lt3A_1443 = arith.constant 0 : i32
      %lt3A_1444 = arith.cmpi slt, %select_n3A_1438, %lt3A_1443 : i32
      %ne3A_1445 = arith.xori %lt3A_1442, %lt3A_1444 : i1
      %and3A_1446 = arith.andi %ne3A_1445, %ne3A_1441 : i1
      %add3A_1447 = arith.addi %rem3A_1439, %select_n3A_1438 : i32
      %select_n3A_1448 = arith.select %and3A_1446, %add3A_1447, %rem3A_1439 : i32
      %mul3A_1449 = arith.constant 16 : i32
      %mul3A_1450 = arith.muli %select_n3A_1448, %mul3A_1449 : i32
      %add3A_1451 = vector.broadcast %mul3A_1450 : i32 to vector<16xi32>
      %add3A_1452 = arith.addi %add3A_1451, %iota3A : vector<16xi32>
      %broadcast_in_dim3A = vector.broadcast %select_n3A : i32 to vector<16xi32>
      %gather3A = tpu.vector_load_idx %arg8[%add3A_1452, %broadcast_in_dim3A] : memref<128x26xi32, #tpu.memory_space<vmem>>[vector<16xi32>, vector<16xi32>], vector<16xi32>,
      %mul3A_1453 = arith.constant 16 : i32
      %mul3A_1454 = arith.muli %select_n3A_1448, %mul3A_1453 : i32
      %swap3A = arith.index_cast %select_n3A : i32 to index
      %swap3A_1455 = arith.index_cast %mul3A_1454 : i32 to index
      %swap3A_1456 = tpu.vector_load %arg9[%swap3A, %swap3A_1455] {strides = array<i32>} : memref<26x128xi32, #tpu.memory_space<vmem>>, vector<16xi32>,
      tpu.vector_store %arg9[%swap3A, %swap3A_1455], %gather3A {strides = array<i32>} : memref<26x128xi32, #tpu.memory_space<vmem>>, vector<16xi32>,
    }
    %scan3A_7 = arith.constant 208 : i32
    %dma_start3A = arith.constant 0 : i32
    %dma_start3A_8 = arith.constant 0 : i32
    %dma_start3A_9 = arith.constant 0 : i32
    %dma_start3A_10 = arith.constant 0 : i32
    %dma_start3A_11 = tpu.memref_slice %arg10[%dma_start3A_9, %dma_start3A_10] : memref<3328x16xf32, #tpu.memory_space<vmem>> -> memref<128x16xf32, #tpu.memory_space<vmem>>
    %dma_start3A_12 = arith.constant 0 : i32
    %dma_start3A_13 = tpu.memref_slice %arg9[%dma_start3A_8, %dma_start3A_12] : memref<26x128xi32, #tpu.memory_space<vmem>> -> memref<1x128xi32, #tpu.memory_space<vmem>>
    %dma_start3A_14 = tpu.memref_squeeze %dma_start3A_13 : memref<1x128xi32, #tpu.memory_space<vmem>> -> memref<128xi32, #tpu.memory_space<vmem>>
    %dma_start3A_15 = arith.constant 0 : i32
    %dma_start3A_16 = arith.constant 0 : i32
    %dma_start3A_17 = tpu.memref_slice %arg2[%dma_start3A, %dma_start3A_15, %dma_start3A_16] : memref<26x100000x16xf32, #tpu.memory_space<hbm>> -> memref<1x100000x16xf32, #tpu.memory_space<hbm>>
    %dma_start3A_18 = tpu.memref_squeeze %dma_start3A_17 : memref<1x100000x16xf32, #tpu.memory_space<hbm>> -> memref<100000x16xf32, #tpu.memory_space<hbm>>
    %dma_start3A_19 = arith.constant 0 : i32
    %dma_start3A_20 = arith.constant 0 : i32
    %dma_start3A_21 = tpu.memref_slice %dma_start3A_18[%dma_start3A_19, %dma_start3A_20] : memref<100000x16xf32, #tpu.memory_space<hbm>> -> memref<100000x16xf32, #tpu.memory_space<hbm>>
    tpu.enqueue_indirect_dma source(%dma_start3A_21 : memref<100000x16xf32, #tpu.memory_space<hbm>>) target(%dma_start3A_11 : memref<128x16xf32, #tpu.memory_space<vmem>>) offsets(%dma_start3A_14 : memref<128xi32, #tpu.memory_space<vmem>>) semaphore(%arg14 : memref<!tpu.dma_semaphore, #tpu.memory_space<semaphore_mem>>)
    %dma_start3A_22 = arith.constant 0 : i32
    %dma_start3A_23 = arith.constant 0 : i32
    %dma_start3A_24 = arith.constant 0 : i32
    %dma_start3A_25 = tpu.memref_slice %arg11[%dma_start3A_24] : memref<3328xf32, #tpu.memory_space<vmem>> -> memref<128xf32, #tpu.memory_space<vmem>>
    %dma_start3A_26 = arith.constant 0 : i32
    %dma_start3A_27 = tpu.memref_slice %arg9[%dma_start3A_23, %dma_start3A_26] : memref<26x128xi32, #tpu.memory_space<vmem>> -> memref<1x128xi32, #tpu.memory_space<vmem>>
    %dma_start3A_28 = tpu.memref_squeeze %dma_start3A_27 : memref<1x128xi32, #tpu.memory_space<vmem>> -> memref<128xi32, #tpu.memory_space<vmem>>
    %dma_start3A_29 = arith.constant 0 : i32
    %dma_start3A_30 = tpu.memref_slice %arg3[%dma_start3A_22, %dma_start3A_29] : memref<26x100000xf32, #tpu.memory_space<hbm>> -> memref<1x100000xf32, #tpu.memory_space<hbm>>
    %dma_start3A_31 = tpu.memref_squeeze %dma_start3A_30 : memref<1x100000xf32, #tpu.memory_space<hbm>> -> memref<100000xf32, #tpu.memory_space<hbm>>
    %dma_start3A_32 = arith.constant 0 : i32
    %dma_start3A_33 = tpu.memref_slice %dma_start3A_31[%dma_start3A_32] : memref<100000xf32, #tpu.memory_space<hbm>> -> memref<100000xf32, #tpu.memory_space<hbm>>
    tpu.enqueue_indirect_dma source(%dma_start3A_33 : memref<100000xf32, #tpu.memory_space<hbm>>) target(%dma_start3A_25 : memref<128xf32, #tpu.memory_space<vmem>>) offsets(%dma_start3A_28 : memref<128xi32, #tpu.memory_space<vmem>>) semaphore(%arg15 : memref<!tpu.dma_semaphore, #tpu.memory_space<semaphore_mem>>)
    %dma_start3A_34 = arith.constant 1 : i32
    %dma_start3A_35 = arith.constant 1 : i32
    %dma_start3A_36 = arith.constant 128 : i32
    %dma_start3A_37 = arith.constant 0 : i32
    %dma_start3A_38 = tpu.memref_slice %arg10[%dma_start3A_36, %dma_start3A_37] : memref<3328x16xf32, #tpu.memory_space<vmem>> -> memref<128x16xf32, #tpu.memory_space<vmem>>
    %dma_start3A_39 = arith.constant 0 : i32
    %dma_start3A_40 = tpu.memref_slice %arg9[%dma_start3A_35, %dma_start3A_39] : memref<26x128xi32, #tpu.memory_space<vmem>> -> memref<1x128xi32, #tpu.memory_space<vmem>>
    %dma_start3A_41 = tpu.memref_squeeze %dma_start3A_40 : memref<1x128xi32, #tpu.memory_space<vmem>> -> memref<128xi32, #tpu.memory_space<vmem>>
    %dma_start3A_42 = arith.constant 0 : i32
    %dma_start3A_43 = arith.constant 0 : i32
    %dma_start3A_44 = tpu.memref_slice %arg2[%dma_start3A_34, %dma_start3A_42, %dma_start3A_43] : memref<26x100000x16xf32, #tpu.memory_space<hbm>> -> memref<1x100000x16xf32, #tpu.memory_space<hbm>>
    %dma_start3A_45 = tpu.memref_squeeze %dma_start3A_44 : memref<1x100000x16xf32, #tpu.memory_space<hbm>> -> memref<100000x16xf32, #tpu.memory_space<hbm>>
    %dma_start3A_46 = arith.constant 0 : i32
    %dma_start3A_47 = arith.constant 0 : i32
    %dma_start3A_48 = tpu.memref_slice %dma_start3A_45[%dma_start3A_46, %dma_start3A_47] : memref<100000x16xf32, #tpu.memory_space<hbm>> -> memref<100000x16xf32, #tpu.memory_space<hbm>>
    tpu.enqueue_indirect_dma source(%dma_start3A_48 : memref<100000x16xf32, #tpu.memory_space<hbm>>) target(%dma_start3A_38 : memref<128x16xf32, #tpu.memory_space<vmem>>) offsets(%dma_start3A_41 : memref<128xi32, #tpu.memory_space<vmem>>) semaphore(%arg14 : memref<!tpu.dma_semaphore, #tpu.memory_space<semaphore_mem>>)
    %dma_start3A_49 = arith.constant 1 : i32
    %dma_start3A_50 = arith.constant 1 : i32
    %dma_start3A_51 = arith.constant 128 : i32
    %dma_start3A_52 = tpu.memref_slice %arg11[%dma_start3A_51] : memref<3328xf32, #tpu.memory_space<vmem>> -> memref<128xf32, #tpu.memory_space<vmem>>
    %dma_start3A_53 = arith.constant 0 : i32
    %dma_start3A_54 = tpu.memref_slice %arg9[%dma_start3A_50, %dma_start3A_53] : memref<26x128xi32, #tpu.memory_space<vmem>> -> memref<1x128xi32, #tpu.memory_space<vmem>>
    %dma_start3A_55 = tpu.memref_squeeze %dma_start3A_54 : memref<1x128xi32, #tpu.memory_space<vmem>> -> memref<128xi32, #tpu.memory_space<vmem>>
    %dma_start3A_56 = arith.constant 0 : i32
    %dma_start3A_57 = tpu.memref_slice %arg3[%dma_start3A_49, %dma_start3A_56] : memref<26x100000xf32, #tpu.memory_space<hbm>> -> memref<1x100000xf32, #tpu.memory_space<hbm>>
    %dma_start3A_58 = tpu.memref_squeeze %dma_start3A_57 : memref<1x100000xf32, #tpu.memory_space<hbm>> -> memref<100000xf32, #tpu.memory_space<hbm>>
    %dma_start3A_59 = arith.constant 0 : i32
    %dma_start3A_60 = tpu.memref_slice %dma_start3A_58[%dma_start3A_59] : memref<100000xf32, #tpu.memory_space<hbm>> -> memref<100000xf32, #tpu.memory_space<hbm>>
    tpu.enqueue_indirect_dma source(%dma_start3A_60 : memref<100000xf32, #tpu.memory_space<hbm>>) target(%dma_start3A_52 : memref<128xf32, #tpu.memory_space<vmem>>) offsets(%dma_start3A_55 : memref<128xi32, #tpu.memory_space<vmem>>) semaphore(%arg15 : memref<!tpu.dma_semaphore, #tpu.memory_space<semaphore_mem>>)
    %dma_start3A_61 = arith.constant 2 : i32
    %dma_start3A_62 = arith.constant 2 : i32
    %dma_start3A_63 = arith.constant 256 : i32
    %dma_start3A_64 = arith.constant 0 : i32
    %dma_start3A_65 = tpu.memref_slice %arg10[%dma_start3A_63, %dma_start3A_64] : memref<3328x16xf32, #tpu.memory_space<vmem>> -> memref<128x16xf32, #tpu.memory_space<vmem>>
    %dma_start3A_66 = arith.constant 0 : i32
    %dma_start3A_67 = tpu.memref_slice %arg9[%dma_start3A_62, %dma_start3A_66] : memref<26x128xi32, #tpu.memory_space<vmem>> -> memref<1x128xi32, #tpu.memory_space<vmem>>
    %dma_start3A_68 = tpu.memref_squeeze %dma_start3A_67 : memref<1x128xi32, #tpu.memory_space<vmem>> -> memref<128xi32, #tpu.memory_space<vmem>>
    %dma_start3A_69 = arith.constant 0 : i32
    %dma_start3A_70 = arith.constant 0 : i32
    %dma_start3A_71 = tpu.memref_slice %arg2[%dma_start3A_61, %dma_start3A_69, %dma_start3A_70] : memref<26x100000x16xf32, #tpu.memory_space<hbm>> -> memref<1x100000x16xf32, #tpu.memory_space<hbm>>
    %dma_start3A_72 = tpu.memref_squeeze %dma_start3A_71 : memref<1x100000x16xf32, #tpu.memory_space<hbm>> -> memref<100000x16xf32, #tpu.memory_space<hbm>>
    %dma_start3A_73 = arith.constant 0 : i32
    %dma_start3A_74 = arith.constant 0 : i32
    %dma_start3A_75 = tpu.memref_slice %dma_start3A_72[%dma_start3A_73, %dma_start3A_74] : memref<100000x16xf32, #tpu.memory_space<hbm>> -> memref<100000x16xf32, #tpu.memory_space<hbm>>
    tpu.enqueue_indirect_dma source(%dma_start3A_75 : memref<100000x16xf32, #tpu.memory_space<hbm>>) target(%dma_start3A_65 : memref<128x16xf32, #tpu.memory_space<vmem>>) offsets(%dma_start3A_68 : memref<128xi32, #tpu.memory_space<vmem>>) semaphore(%arg14 : memref<!tpu.dma_semaphore, #tpu.memory_space<semaphore_mem>>)
    %dma_start3A_76 = arith.constant 2 : i32
    %dma_start3A_77 = arith.constant 2 : i32
    %dma_start3A_78 = arith.constant 256 : i32
    %dma_start3A_79 = tpu.memref_slice %arg11[%dma_start3A_78] : memref<3328xf32, #tpu.memory_space<vmem>> -> memref<128xf32, #tpu.memory_space<vmem>>
    %dma_start3A_80 = arith.constant 0 : i32
    %dma_start3A_81 = tpu.memref_slice %arg9[%dma_start3A_77, %dma_start3A_80] : memref<26x128xi32, #tpu.memory_space<vmem>> -> memref<1x128xi32, #tpu.memory_space<vmem>>
    %dma_start3A_82 = tpu.memref_squeeze %dma_start3A_81 : memref<1x128xi32, #tpu.memory_space<vmem>> -> memref<128xi32, #tpu.memory_space<vmem>>
    %dma_start3A_83 = arith.constant 0 : i32
    %dma_start3A_84 = tpu.memref_slice %arg3[%dma_start3A_76, %dma_start3A_83] : memref<26x100000xf32, #tpu.memory_space<hbm>> -> memref<1x100000xf32, #tpu.memory_space<hbm>>
    %dma_start3A_85 = tpu.memref_squeeze %dma_start3A_84 : memref<1x100000xf32, #tpu.memory_space<hbm>> -> memref<100000xf32, #tpu.memory_space<hbm>>
    %dma_start3A_86 = arith.constant 0 : i32
    %dma_start3A_87 = tpu.memref_slice %dma_start3A_85[%dma_start3A_86] : memref<100000xf32, #tpu.memory_space<hbm>> -> memref<100000xf32, #tpu.memory_space<hbm>>
    tpu.enqueue_indirect_dma source(%dma_start3A_87 : memref<100000xf32, #tpu.memory_space<hbm>>) target(%dma_start3A_79 : memref<128xf32, #tpu.memory_space<vmem>>) offsets(%dma_start3A_82 : memref<128xi32, #tpu.memory_space<vmem>>) semaphore(%arg15 : memref<!tpu.dma_semaphore, #tpu.memory_space<semaphore_mem>>)
    %dma_start3A_88 = arith.constant 3 : i32
    %dma_start3A_89 = arith.constant 3 : i32
    %dma_start3A_90 = arith.constant 384 : i32
    %dma_start3A_91 = arith.constant 0 : i32
    %dma_start3A_92 = tpu.memref_slice %arg10[%dma_start3A_90, %dma_start3A_91] : memref<3328x16xf32, #tpu.memory_space<vmem>> -> memref<128x16xf32, #tpu.memory_space<vmem>>
    %dma_start3A_93 = arith.constant 0 : i32
    %dma_start3A_94 = tpu.memref_slice %arg9[%dma_start3A_89, %dma_start3A_93] : memref<26x128xi32, #tpu.memory_space<vmem>> -> memref<1x128xi32, #tpu.memory_space<vmem>>
    %dma_start3A_95 = tpu.memref_squeeze %dma_start3A_94 : memref<1x128xi32, #tpu.memory_space<vmem>> -> memref<128xi32, #tpu.memory_space<vmem>>
    %dma_start3A_96 = arith.constant 0 : i32
    %dma_start3A_97 = arith.constant 0 : i32
    %dma_start3A_98 = tpu.memref_slice %arg2[%dma_start3A_88, %dma_start3A_96, %dma_start3A_97] : memref<26x100000x16xf32, #tpu.memory_space<hbm>> -> memref<1x100000x16xf32, #tpu.memory_space<hbm>>
    %dma_start3A_99 = tpu.memref_squeeze %dma_start3A_98 : memref<1x100000x16xf32, #tpu.memory_space<hbm>> -> memref<100000x16xf32, #tpu.memory_space<hbm>>
    %dma_start3A_100 = arith.constant 0 : i32
    %dma_start3A_101 = arith.constant 0 : i32
    %dma_start3A_102 = tpu.memref_slice %dma_start3A_99[%dma_start3A_100, %dma_start3A_101] : memref<100000x16xf32, #tpu.memory_space<hbm>> -> memref<100000x16xf32, #tpu.memory_space<hbm>>
    tpu.enqueue_indirect_dma source(%dma_start3A_102 : memref<100000x16xf32, #tpu.memory_space<hbm>>) target(%dma_start3A_92 : memref<128x16xf32, #tpu.memory_space<vmem>>) offsets(%dma_start3A_95 : memref<128xi32, #tpu.memory_space<vmem>>) semaphore(%arg14 : memref<!tpu.dma_semaphore, #tpu.memory_space<semaphore_mem>>)
    %dma_start3A_103 = arith.constant 3 : i32
    %dma_start3A_104 = arith.constant 3 : i32
    %dma_start3A_105 = arith.constant 384 : i32
    %dma_start3A_106 = tpu.memref_slice %arg11[%dma_start3A_105] : memref<3328xf32, #tpu.memory_space<vmem>> -> memref<128xf32, #tpu.memory_space<vmem>>
    %dma_start3A_107 = arith.constant 0 : i32
    %dma_start3A_108 = tpu.memref_slice %arg9[%dma_start3A_104, %dma_start3A_107] : memref<26x128xi32, #tpu.memory_space<vmem>> -> memref<1x128xi32, #tpu.memory_space<vmem>>
    %dma_start3A_109 = tpu.memref_squeeze %dma_start3A_108 : memref<1x128xi32, #tpu.memory_space<vmem>> -> memref<128xi32, #tpu.memory_space<vmem>>
    %dma_start3A_110 = arith.constant 0 : i32
    %dma_start3A_111 = tpu.memref_slice %arg3[%dma_start3A_103, %dma_start3A_110] : memref<26x100000xf32, #tpu.memory_space<hbm>> -> memref<1x100000xf32, #tpu.memory_space<hbm>>
    %dma_start3A_112 = tpu.memref_squeeze %dma_start3A_111 : memref<1x100000xf32, #tpu.memory_space<hbm>> -> memref<100000xf32, #tpu.memory_space<hbm>>
    %dma_start3A_113 = arith.constant 0 : i32
    %dma_start3A_114 = tpu.memref_slice %dma_start3A_112[%dma_start3A_113] : memref<100000xf32, #tpu.memory_space<hbm>> -> memref<100000xf32, #tpu.memory_space<hbm>>
    tpu.enqueue_indirect_dma source(%dma_start3A_114 : memref<100000xf32, #tpu.memory_space<hbm>>) target(%dma_start3A_106 : memref<128xf32, #tpu.memory_space<vmem>>) offsets(%dma_start3A_109 : memref<128xi32, #tpu.memory_space<vmem>>) semaphore(%arg15 : memref<!tpu.dma_semaphore, #tpu.memory_space<semaphore_mem>>)
    %dma_start3A_115 = arith.constant 4 : i32
    %dma_start3A_116 = arith.constant 4 : i32
    %dma_start3A_117 = arith.constant 512 : i32
    %dma_start3A_118 = arith.constant 0 : i32
    %dma_start3A_119 = tpu.memref_slice %arg10[%dma_start3A_117, %dma_start3A_118] : memref<3328x16xf32, #tpu.memory_space<vmem>> -> memref<128x16xf32, #tpu.memory_space<vmem>>
    %dma_start3A_120 = arith.constant 0 : i32
    %dma_start3A_121 = tpu.memref_slice %arg9[%dma_start3A_116, %dma_start3A_120] : memref<26x128xi32, #tpu.memory_space<vmem>> -> memref<1x128xi32, #tpu.memory_space<vmem>>
    %dma_start3A_122 = tpu.memref_squeeze %dma_start3A_121 : memref<1x128xi32, #tpu.memory_space<vmem>> -> memref<128xi32, #tpu.memory_space<vmem>>
    %dma_start3A_123 = arith.constant 0 : i32
    %dma_start3A_124 = arith.constant 0 : i32
    %dma_start3A_125 = tpu.memref_slice %arg2[%dma_start3A_115, %dma_start3A_123, %dma_start3A_124] : memref<26x100000x16xf32, #tpu.memory_space<hbm>> -> memref<1x100000x16xf32, #tpu.memory_space<hbm>>
    %dma_start3A_126 = tpu.memref_squeeze %dma_start3A_125 : memref<1x100000x16xf32, #tpu.memory_space<hbm>> -> memref<100000x16xf32, #tpu.memory_space<hbm>>
    %dma_start3A_127 = arith.constant 0 : i32
    %dma_start3A_128 = arith.constant 0 : i32
    %dma_start3A_129 = tpu.memref_slice %dma_start3A_126[%dma_start3A_127, %dma_start3A_128] : memref<100000x16xf32, #tpu.memory_space<hbm>> -> memref<100000x16xf32, #tpu.memory_space<hbm>>
    tpu.enqueue_indirect_dma source(%dma_start3A_129 : memref<100000x16xf32, #tpu.memory_space<hbm>>) target(%dma_start3A_119 : memref<128x16xf32, #tpu.memory_space<vmem>>) offsets(%dma_start3A_122 : memref<128xi32, #tpu.memory_space<vmem>>) semaphore(%arg14 : memref<!tpu.dma_semaphore, #tpu.memory_space<semaphore_mem>>)
    %dma_start3A_130 = arith.constant 4 : i32
    %dma_start3A_131 = arith.constant 4 : i32
    %dma_start3A_132 = arith.constant 512 : i32
    %dma_start3A_133 = tpu.memref_slice %arg11[%dma_start3A_132] : memref<3328xf32, #tpu.memory_space<vmem>> -> memref<128xf32, #tpu.memory_space<vmem>>
    %dma_start3A_134 = arith.constant 0 : i32
    %dma_start3A_135 = tpu.memref_slice %arg9[%dma_start3A_131, %dma_start3A_134] : memref<26x128xi32, #tpu.memory_space<vmem>> -> memref<1x128xi32, #tpu.memory_space<vmem>>
    %dma_start3A_136 = tpu.memref_squeeze %dma_start3A_135 : memref<1x128xi32, #tpu.memory_space<vmem>> -> memref<128xi32, #tpu.memory_space<vmem>>
    %dma_start3A_137 = arith.constant 0 : i32
    %dma_start3A_138 = tpu.memref_slice %arg3[%dma_start3A_130, %dma_start3A_137] : memref<26x100000xf32, #tpu.memory_space<hbm>> -> memref<1x100000xf32, #tpu.memory_space<hbm>>
    %dma_start3A_139 = tpu.memref_squeeze %dma_start3A_138 : memref<1x100000xf32, #tpu.memory_space<hbm>> -> memref<100000xf32, #tpu.memory_space<hbm>>
    %dma_start3A_140 = arith.constant 0 : i32
    %dma_start3A_141 = tpu.memref_slice %dma_start3A_139[%dma_start3A_140] : memref<100000xf32, #tpu.memory_space<hbm>> -> memref<100000xf32, #tpu.memory_space<hbm>>
    tpu.enqueue_indirect_dma source(%dma_start3A_141 : memref<100000xf32, #tpu.memory_space<hbm>>) target(%dma_start3A_133 : memref<128xf32, #tpu.memory_space<vmem>>) offsets(%dma_start3A_136 : memref<128xi32, #tpu.memory_space<vmem>>) semaphore(%arg15 : memref<!tpu.dma_semaphore, #tpu.memory_space<semaphore_mem>>)
    %dma_start3A_142 = arith.constant 5 : i32
    %dma_start3A_143 = arith.constant 5 : i32
    %dma_start3A_144 = arith.constant 640 : i32
    %dma_start3A_145 = arith.constant 0 : i32
    %dma_start3A_146 = tpu.memref_slice %arg10[%dma_start3A_144, %dma_start3A_145] : memref<3328x16xf32, #tpu.memory_space<vmem>> -> memref<128x16xf32, #tpu.memory_space<vmem>>
    %dma_start3A_147 = arith.constant 0 : i32
    %dma_start3A_148 = tpu.memref_slice %arg9[%dma_start3A_143, %dma_start3A_147] : memref<26x128xi32, #tpu.memory_space<vmem>> -> memref<1x128xi32, #tpu.memory_space<vmem>>
    %dma_start3A_149 = tpu.memref_squeeze %dma_start3A_148 : memref<1x128xi32, #tpu.memory_space<vmem>> -> memref<128xi32, #tpu.memory_space<vmem>>
    %dma_start3A_150 = arith.constant 0 : i32
    %dma_start3A_151 = arith.constant 0 : i32
    %dma_start3A_152 = tpu.memref_slice %arg2[%dma_start3A_142, %dma_start3A_150, %dma_start3A_151] : memref<26x100000x16xf32, #tpu.memory_space<hbm>> -> memref<1x100000x16xf32, #tpu.memory_space<hbm>>
    %dma_start3A_153 = tpu.memref_squeeze %dma_start3A_152 : memref<1x100000x16xf32, #tpu.memory_space<hbm>> -> memref<100000x16xf32, #tpu.memory_space<hbm>>
    %dma_start3A_154 = arith.constant 0 : i32
    %dma_start3A_155 = arith.constant 0 : i32
    %dma_start3A_156 = tpu.memref_slice %dma_start3A_153[%dma_start3A_154, %dma_start3A_155] : memref<100000x16xf32, #tpu.memory_space<hbm>> -> memref<100000x16xf32, #tpu.memory_space<hbm>>
    tpu.enqueue_indirect_dma source(%dma_start3A_156 : memref<100000x16xf32, #tpu.memory_space<hbm>>) target(%dma_start3A_146 : memref<128x16xf32, #tpu.memory_space<vmem>>) offsets(%dma_start3A_149 : memref<128xi32, #tpu.memory_space<vmem>>) semaphore(%arg14 : memref<!tpu.dma_semaphore, #tpu.memory_space<semaphore_mem>>)
    %dma_start3A_157 = arith.constant 5 : i32
    %dma_start3A_158 = arith.constant 5 : i32
    %dma_start3A_159 = arith.constant 640 : i32
    %dma_start3A_160 = tpu.memref_slice %arg11[%dma_start3A_159] : memref<3328xf32, #tpu.memory_space<vmem>> -> memref<128xf32, #tpu.memory_space<vmem>>
    %dma_start3A_161 = arith.constant 0 : i32
    %dma_start3A_162 = tpu.memref_slice %arg9[%dma_start3A_158, %dma_start3A_161] : memref<26x128xi32, #tpu.memory_space<vmem>> -> memref<1x128xi32, #tpu.memory_space<vmem>>
    %dma_start3A_163 = tpu.memref_squeeze %dma_start3A_162 : memref<1x128xi32, #tpu.memory_space<vmem>> -> memref<128xi32, #tpu.memory_space<vmem>>
    %dma_start3A_164 = arith.constant 0 : i32
    %dma_start3A_165 = tpu.memref_slice %arg3[%dma_start3A_157, %dma_start3A_164] : memref<26x100000xf32, #tpu.memory_space<hbm>> -> memref<1x100000xf32, #tpu.memory_space<hbm>>
    %dma_start3A_166 = tpu.memref_squeeze %dma_start3A_165 : memref<1x100000xf32, #tpu.memory_space<hbm>> -> memref<100000xf32, #tpu.memory_space<hbm>>
    %dma_start3A_167 = arith.constant 0 : i32
    %dma_start3A_168 = tpu.memref_slice %dma_start3A_166[%dma_start3A_167] : memref<100000xf32, #tpu.memory_space<hbm>> -> memref<100000xf32, #tpu.memory_space<hbm>>
    tpu.enqueue_indirect_dma source(%dma_start3A_168 : memref<100000xf32, #tpu.memory_space<hbm>>) target(%dma_start3A_160 : memref<128xf32, #tpu.memory_space<vmem>>) offsets(%dma_start3A_163 : memref<128xi32, #tpu.memory_space<vmem>>) semaphore(%arg15 : memref<!tpu.dma_semaphore, #tpu.memory_space<semaphore_mem>>)
    %dma_start3A_169 = arith.constant 6 : i32
    %dma_start3A_170 = arith.constant 6 : i32
    %dma_start3A_171 = arith.constant 768 : i32
    %dma_start3A_172 = arith.constant 0 : i32
    %dma_start3A_173 = tpu.memref_slice %arg10[%dma_start3A_171, %dma_start3A_172] : memref<3328x16xf32, #tpu.memory_space<vmem>> -> memref<128x16xf32, #tpu.memory_space<vmem>>
    %dma_start3A_174 = arith.constant 0 : i32
    %dma_start3A_175 = tpu.memref_slice %arg9[%dma_start3A_170, %dma_start3A_174] : memref<26x128xi32, #tpu.memory_space<vmem>> -> memref<1x128xi32, #tpu.memory_space<vmem>>
    %dma_start3A_176 = tpu.memref_squeeze %dma_start3A_175 : memref<1x128xi32, #tpu.memory_space<vmem>> -> memref<128xi32, #tpu.memory_space<vmem>>
    %dma_start3A_177 = arith.constant 0 : i32
    %dma_start3A_178 = arith.constant 0 : i32
    %dma_start3A_179 = tpu.memref_slice %arg2[%dma_start3A_169, %dma_start3A_177, %dma_start3A_178] : memref<26x100000x16xf32, #tpu.memory_space<hbm>> -> memref<1x100000x16xf32, #tpu.memory_space<hbm>>
    %dma_start3A_180 = tpu.memref_squeeze %dma_start3A_179 : memref<1x100000x16xf32, #tpu.memory_space<hbm>> -> memref<100000x16xf32, #tpu.memory_space<hbm>>
    %dma_start3A_181 = arith.constant 0 : i32
    %dma_start3A_182 = arith.constant 0 : i32
    %dma_start3A_183 = tpu.memref_slice %dma_start3A_180[%dma_start3A_181, %dma_start3A_182] : memref<100000x16xf32, #tpu.memory_space<hbm>> -> memref<100000x16xf32, #tpu.memory_space<hbm>>
    tpu.enqueue_indirect_dma source(%dma_start3A_183 : memref<100000x16xf32, #tpu.memory_space<hbm>>) target(%dma_start3A_173 : memref<128x16xf32, #tpu.memory_space<vmem>>) offsets(%dma_start3A_176 : memref<128xi32, #tpu.memory_space<vmem>>) semaphore(%arg14 : memref<!tpu.dma_semaphore, #tpu.memory_space<semaphore_mem>>)
    %dma_start3A_184 = arith.constant 6 : i32
    %dma_start3A_185 = arith.constant 6 : i32
    %dma_start3A_186 = arith.constant 768 : i32
    %dma_start3A_187 = tpu.memref_slice %arg11[%dma_start3A_186] : memref<3328xf32, #tpu.memory_space<vmem>> -> memref<128xf32, #tpu.memory_space<vmem>>
    %dma_start3A_188 = arith.constant 0 : i32
    %dma_start3A_189 = tpu.memref_slice %arg9[%dma_start3A_185, %dma_start3A_188] : memref<26x128xi32, #tpu.memory_space<vmem>> -> memref<1x128xi32, #tpu.memory_space<vmem>>
    %dma_start3A_190 = tpu.memref_squeeze %dma_start3A_189 : memref<1x128xi32, #tpu.memory_space<vmem>> -> memref<128xi32, #tpu.memory_space<vmem>>
    %dma_start3A_191 = arith.constant 0 : i32
    %dma_start3A_192 = tpu.memref_slice %arg3[%dma_start3A_184, %dma_start3A_191] : memref<26x100000xf32, #tpu.memory_space<hbm>> -> memref<1x100000xf32, #tpu.memory_space<hbm>>
    %dma_start3A_193 = tpu.memref_squeeze %dma_start3A_192 : memref<1x100000xf32, #tpu.memory_space<hbm>> -> memref<100000xf32, #tpu.memory_space<hbm>>
    %dma_start3A_194 = arith.constant 0 : i32
    %dma_start3A_195 = tpu.memref_slice %dma_start3A_193[%dma_start3A_194] : memref<100000xf32, #tpu.memory_space<hbm>> -> memref<100000xf32, #tpu.memory_space<hbm>>
    tpu.enqueue_indirect_dma source(%dma_start3A_195 : memref<100000xf32, #tpu.memory_space<hbm>>) target(%dma_start3A_187 : memref<128xf32, #tpu.memory_space<vmem>>) offsets(%dma_start3A_190 : memref<128xi32, #tpu.memory_space<vmem>>) semaphore(%arg15 : memref<!tpu.dma_semaphore, #tpu.memory_space<semaphore_mem>>)
    %dma_start3A_196 = arith.constant 7 : i32
    %dma_start3A_197 = arith.constant 7 : i32
    %dma_start3A_198 = arith.constant 896 : i32
    %dma_start3A_199 = arith.constant 0 : i32
    %dma_start3A_200 = tpu.memref_slice %arg10[%dma_start3A_198, %dma_start3A_199] : memref<3328x16xf32, #tpu.memory_space<vmem>> -> memref<128x16xf32, #tpu.memory_space<vmem>>
    %dma_start3A_201 = arith.constant 0 : i32
    %dma_start3A_202 = tpu.memref_slice %arg9[%dma_start3A_197, %dma_start3A_201] : memref<26x128xi32, #tpu.memory_space<vmem>> -> memref<1x128xi32, #tpu.memory_space<vmem>>
    %dma_start3A_203 = tpu.memref_squeeze %dma_start3A_202 : memref<1x128xi32, #tpu.memory_space<vmem>> -> memref<128xi32, #tpu.memory_space<vmem>>
    %dma_start3A_204 = arith.constant 0 : i32
    %dma_start3A_205 = arith.constant 0 : i32
    %dma_start3A_206 = tpu.memref_slice %arg2[%dma_start3A_196, %dma_start3A_204, %dma_start3A_205] : memref<26x100000x16xf32, #tpu.memory_space<hbm>> -> memref<1x100000x16xf32, #tpu.memory_space<hbm>>
    %dma_start3A_207 = tpu.memref_squeeze %dma_start3A_206 : memref<1x100000x16xf32, #tpu.memory_space<hbm>> -> memref<100000x16xf32, #tpu.memory_space<hbm>>
    %dma_start3A_208 = arith.constant 0 : i32
    %dma_start3A_209 = arith.constant 0 : i32
    %dma_start3A_210 = tpu.memref_slice %dma_start3A_207[%dma_start3A_208, %dma_start3A_209] : memref<100000x16xf32, #tpu.memory_space<hbm>> -> memref<100000x16xf32, #tpu.memory_space<hbm>>
    tpu.enqueue_indirect_dma source(%dma_start3A_210 : memref<100000x16xf32, #tpu.memory_space<hbm>>) target(%dma_start3A_200 : memref<128x16xf32, #tpu.memory_space<vmem>>) offsets(%dma_start3A_203 : memref<128xi32, #tpu.memory_space<vmem>>) semaphore(%arg14 : memref<!tpu.dma_semaphore, #tpu.memory_space<semaphore_mem>>)
    %dma_start3A_211 = arith.constant 7 : i32
    %dma_start3A_212 = arith.constant 7 : i32
    %dma_start3A_213 = arith.constant 896 : i32
    %dma_start3A_214 = tpu.memref_slice %arg11[%dma_start3A_213] : memref<3328xf32, #tpu.memory_space<vmem>> -> memref<128xf32, #tpu.memory_space<vmem>>
    %dma_start3A_215 = arith.constant 0 : i32
    %dma_start3A_216 = tpu.memref_slice %arg9[%dma_start3A_212, %dma_start3A_215] : memref<26x128xi32, #tpu.memory_space<vmem>> -> memref<1x128xi32, #tpu.memory_space<vmem>>
    %dma_start3A_217 = tpu.memref_squeeze %dma_start3A_216 : memref<1x128xi32, #tpu.memory_space<vmem>> -> memref<128xi32, #tpu.memory_space<vmem>>
    %dma_start3A_218 = arith.constant 0 : i32
    %dma_start3A_219 = tpu.memref_slice %arg3[%dma_start3A_211, %dma_start3A_218] : memref<26x100000xf32, #tpu.memory_space<hbm>> -> memref<1x100000xf32, #tpu.memory_space<hbm>>
    %dma_start3A_220 = tpu.memref_squeeze %dma_start3A_219 : memref<1x100000xf32, #tpu.memory_space<hbm>> -> memref<100000xf32, #tpu.memory_space<hbm>>
    %dma_start3A_221 = arith.constant 0 : i32
    %dma_start3A_222 = tpu.memref_slice %dma_start3A_220[%dma_start3A_221] : memref<100000xf32, #tpu.memory_space<hbm>> -> memref<100000xf32, #tpu.memory_space<hbm>>
    tpu.enqueue_indirect_dma source(%dma_start3A_222 : memref<100000xf32, #tpu.memory_space<hbm>>) target(%dma_start3A_214 : memref<128xf32, #tpu.memory_space<vmem>>) offsets(%dma_start3A_217 : memref<128xi32, #tpu.memory_space<vmem>>) semaphore(%arg15 : memref<!tpu.dma_semaphore, #tpu.memory_space<semaphore_mem>>)
    %dma_start3A_223 = arith.constant 8 : i32
    %dma_start3A_224 = arith.constant 8 : i32
    %dma_start3A_225 = arith.constant 1024 : i32
    %dma_start3A_226 = arith.constant 0 : i32
    %dma_start3A_227 = tpu.memref_slice %arg10[%dma_start3A_225, %dma_start3A_226] : memref<3328x16xf32, #tpu.memory_space<vmem>> -> memref<128x16xf32, #tpu.memory_space<vmem>>
    %dma_start3A_228 = arith.constant 0 : i32
    %dma_start3A_229 = tpu.memref_slice %arg9[%dma_start3A_224, %dma_start3A_228] : memref<26x128xi32, #tpu.memory_space<vmem>> -> memref<1x128xi32, #tpu.memory_space<vmem>>
    %dma_start3A_230 = tpu.memref_squeeze %dma_start3A_229 : memref<1x128xi32, #tpu.memory_space<vmem>> -> memref<128xi32, #tpu.memory_space<vmem>>
    %dma_start3A_231 = arith.constant 0 : i32
    %dma_start3A_232 = arith.constant 0 : i32
    %dma_start3A_233 = tpu.memref_slice %arg2[%dma_start3A_223, %dma_start3A_231, %dma_start3A_232] : memref<26x100000x16xf32, #tpu.memory_space<hbm>> -> memref<1x100000x16xf32, #tpu.memory_space<hbm>>
    %dma_start3A_234 = tpu.memref_squeeze %dma_start3A_233 : memref<1x100000x16xf32, #tpu.memory_space<hbm>> -> memref<100000x16xf32, #tpu.memory_space<hbm>>
    %dma_start3A_235 = arith.constant 0 : i32
    %dma_start3A_236 = arith.constant 0 : i32
    %dma_start3A_237 = tpu.memref_slice %dma_start3A_234[%dma_start3A_235, %dma_start3A_236] : memref<100000x16xf32, #tpu.memory_space<hbm>> -> memref<100000x16xf32, #tpu.memory_space<hbm>>
    tpu.enqueue_indirect_dma source(%dma_start3A_237 : memref<100000x16xf32, #tpu.memory_space<hbm>>) target(%dma_start3A_227 : memref<128x16xf32, #tpu.memory_space<vmem>>) offsets(%dma_start3A_230 : memref<128xi32, #tpu.memory_space<vmem>>) semaphore(%arg14 : memref<!tpu.dma_semaphore, #tpu.memory_space<semaphore_mem>>)
    %dma_start3A_238 = arith.constant 8 : i32
    %dma_start3A_239 = arith.constant 8 : i32
    %dma_start3A_240 = arith.constant 1024 : i32
    %dma_start3A_241 = tpu.memref_slice %arg11[%dma_start3A_240] : memref<3328xf32, #tpu.memory_space<vmem>> -> memref<128xf32, #tpu.memory_space<vmem>>
    %dma_start3A_242 = arith.constant 0 : i32
    %dma_start3A_243 = tpu.memref_slice %arg9[%dma_start3A_239, %dma_start3A_242] : memref<26x128xi32, #tpu.memory_space<vmem>> -> memref<1x128xi32, #tpu.memory_space<vmem>>
    %dma_start3A_244 = tpu.memref_squeeze %dma_start3A_243 : memref<1x128xi32, #tpu.memory_space<vmem>> -> memref<128xi32, #tpu.memory_space<vmem>>
    %dma_start3A_245 = arith.constant 0 : i32
    %dma_start3A_246 = tpu.memref_slice %arg3[%dma_start3A_238, %dma_start3A_245] : memref<26x100000xf32, #tpu.memory_space<hbm>> -> memref<1x100000xf32, #tpu.memory_space<hbm>>
    %dma_start3A_247 = tpu.memref_squeeze %dma_start3A_246 : memref<1x100000xf32, #tpu.memory_space<hbm>> -> memref<100000xf32, #tpu.memory_space<hbm>>
    %dma_start3A_248 = arith.constant 0 : i32
    %dma_start3A_249 = tpu.memref_slice %dma_start3A_247[%dma_start3A_248] : memref<100000xf32, #tpu.memory_space<hbm>> -> memref<100000xf32, #tpu.memory_space<hbm>>
    tpu.enqueue_indirect_dma source(%dma_start3A_249 : memref<100000xf32, #tpu.memory_space<hbm>>) target(%dma_start3A_241 : memref<128xf32, #tpu.memory_space<vmem>>) offsets(%dma_start3A_244 : memref<128xi32, #tpu.memory_space<vmem>>) semaphore(%arg15 : memref<!tpu.dma_semaphore, #tpu.memory_space<semaphore_mem>>)
    %dma_start3A_250 = arith.constant 9 : i32
    %dma_start3A_251 = arith.constant 9 : i32
    %dma_start3A_252 = arith.constant 1152 : i32
    %dma_start3A_253 = arith.constant 0 : i32
    %dma_start3A_254 = tpu.memref_slice %arg10[%dma_start3A_252, %dma_start3A_253] : memref<3328x16xf32, #tpu.memory_space<vmem>> -> memref<128x16xf32, #tpu.memory_space<vmem>>
    %dma_start3A_255 = arith.constant 0 : i32
    %dma_start3A_256 = tpu.memref_slice %arg9[%dma_start3A_251, %dma_start3A_255] : memref<26x128xi32, #tpu.memory_space<vmem>> -> memref<1x128xi32, #tpu.memory_space<vmem>>
    %dma_start3A_257 = tpu.memref_squeeze %dma_start3A_256 : memref<1x128xi32, #tpu.memory_space<vmem>> -> memref<128xi32, #tpu.memory_space<vmem>>
    %dma_start3A_258 = arith.constant 0 : i32
    %dma_start3A_259 = arith.constant 0 : i32
    %dma_start3A_260 = tpu.memref_slice %arg2[%dma_start3A_250, %dma_start3A_258, %dma_start3A_259] : memref<26x100000x16xf32, #tpu.memory_space<hbm>> -> memref<1x100000x16xf32, #tpu.memory_space<hbm>>
    %dma_start3A_261 = tpu.memref_squeeze %dma_start3A_260 : memref<1x100000x16xf32, #tpu.memory_space<hbm>> -> memref<100000x16xf32, #tpu.memory_space<hbm>>
    %dma_start3A_262 = arith.constant 0 : i32
    %dma_start3A_263 = arith.constant 0 : i32
    %dma_start3A_264 = tpu.memref_slice %dma_start3A_261[%dma_start3A_262, %dma_start3A_263] : memref<100000x16xf32, #tpu.memory_space<hbm>> -> memref<100000x16xf32, #tpu.memory_space<hbm>>
    tpu.enqueue_indirect_dma source(%dma_start3A_264 : memref<100000x16xf32, #tpu.memory_space<hbm>>) target(%dma_start3A_254 : memref<128x16xf32, #tpu.memory_space<vmem>>) offsets(%dma_start3A_257 : memref<128xi32, #tpu.memory_space<vmem>>) semaphore(%arg14 : memref<!tpu.dma_semaphore, #tpu.memory_space<semaphore_mem>>)
    %dma_start3A_265 = arith.constant 9 : i32
    %dma_start3A_266 = arith.constant 9 : i32
    %dma_start3A_267 = arith.constant 1152 : i32
    %dma_start3A_268 = tpu.memref_slice %arg11[%dma_start3A_267] : memref<3328xf32, #tpu.memory_space<vmem>> -> memref<128xf32, #tpu.memory_space<vmem>>
    %dma_start3A_269 = arith.constant 0 : i32
    %dma_start3A_270 = tpu.memref_slice %arg9[%dma_start3A_266, %dma_start3A_269] : memref<26x128xi32, #tpu.memory_space<vmem>> -> memref<1x128xi32, #tpu.memory_space<vmem>>
    %dma_start3A_271 = tpu.memref_squeeze %dma_start3A_270 : memref<1x128xi32, #tpu.memory_space<vmem>> -> memref<128xi32, #tpu.memory_space<vmem>>
    %dma_start3A_272 = arith.constant 0 : i32
    %dma_start3A_273 = tpu.memref_slice %arg3[%dma_start3A_265, %dma_start3A_272] : memref<26x100000xf32, #tpu.memory_space<hbm>> -> memref<1x100000xf32, #tpu.memory_space<hbm>>
    %dma_start3A_274 = tpu.memref_squeeze %dma_start3A_273 : memref<1x100000xf32, #tpu.memory_space<hbm>> -> memref<100000xf32, #tpu.memory_space<hbm>>
    %dma_start3A_275 = arith.constant 0 : i32
    %dma_start3A_276 = tpu.memref_slice %dma_start3A_274[%dma_start3A_275] : memref<100000xf32, #tpu.memory_space<hbm>> -> memref<100000xf32, #tpu.memory_space<hbm>>
    tpu.enqueue_indirect_dma source(%dma_start3A_276 : memref<100000xf32, #tpu.memory_space<hbm>>) target(%dma_start3A_268 : memref<128xf32, #tpu.memory_space<vmem>>) offsets(%dma_start3A_271 : memref<128xi32, #tpu.memory_space<vmem>>) semaphore(%arg15 : memref<!tpu.dma_semaphore, #tpu.memory_space<semaphore_mem>>)
    %dma_start3A_277 = arith.constant 10 : i32
    %dma_start3A_278 = arith.constant 10 : i32
    %dma_start3A_279 = arith.constant 1280 : i32
    %dma_start3A_280 = arith.constant 0 : i32
    %dma_start3A_281 = tpu.memref_slice %arg10[%dma_start3A_279, %dma_start3A_280] : memref<3328x16xf32, #tpu.memory_space<vmem>> -> memref<128x16xf32, #tpu.memory_space<vmem>>
    %dma_start3A_282 = arith.constant 0 : i32
    %dma_start3A_283 = tpu.memref_slice %arg9[%dma_start3A_278, %dma_start3A_282] : memref<26x128xi32, #tpu.memory_space<vmem>> -> memref<1x128xi32, #tpu.memory_space<vmem>>
    %dma_start3A_284 = tpu.memref_squeeze %dma_start3A_283 : memref<1x128xi32, #tpu.memory_space<vmem>> -> memref<128xi32, #tpu.memory_space<vmem>>
    %dma_start3A_285 = arith.constant 0 : i32
    %dma_start3A_286 = arith.constant 0 : i32
    %dma_start3A_287 = tpu.memref_slice %arg2[%dma_start3A_277, %dma_start3A_285, %dma_start3A_286] : memref<26x100000x16xf32, #tpu.memory_space<hbm>> -> memref<1x100000x16xf32, #tpu.memory_space<hbm>>
    %dma_start3A_288 = tpu.memref_squeeze %dma_start3A_287 : memref<1x100000x16xf32, #tpu.memory_space<hbm>> -> memref<100000x16xf32, #tpu.memory_space<hbm>>
    %dma_start3A_289 = arith.constant 0 : i32
    %dma_start3A_290 = arith.constant 0 : i32
    %dma_start3A_291 = tpu.memref_slice %dma_start3A_288[%dma_start3A_289, %dma_start3A_290] : memref<100000x16xf32, #tpu.memory_space<hbm>> -> memref<100000x16xf32, #tpu.memory_space<hbm>>
    tpu.enqueue_indirect_dma source(%dma_start3A_291 : memref<100000x16xf32, #tpu.memory_space<hbm>>) target(%dma_start3A_281 : memref<128x16xf32, #tpu.memory_space<vmem>>) offsets(%dma_start3A_284 : memref<128xi32, #tpu.memory_space<vmem>>) semaphore(%arg14 : memref<!tpu.dma_semaphore, #tpu.memory_space<semaphore_mem>>)
    %dma_start3A_292 = arith.constant 10 : i32
    %dma_start3A_293 = arith.constant 10 : i32
    %dma_start3A_294 = arith.constant 1280 : i32
    %dma_start3A_295 = tpu.memref_slice %arg11[%dma_start3A_294] : memref<3328xf32, #tpu.memory_space<vmem>> -> memref<128xf32, #tpu.memory_space<vmem>>
    %dma_start3A_296 = arith.constant 0 : i32
    %dma_start3A_297 = tpu.memref_slice %arg9[%dma_start3A_293, %dma_start3A_296] : memref<26x128xi32, #tpu.memory_space<vmem>> -> memref<1x128xi32, #tpu.memory_space<vmem>>
    %dma_start3A_298 = tpu.memref_squeeze %dma_start3A_297 : memref<1x128xi32, #tpu.memory_space<vmem>> -> memref<128xi32, #tpu.memory_space<vmem>>
    %dma_start3A_299 = arith.constant 0 : i32
    %dma_start3A_300 = tpu.memref_slice %arg3[%dma_start3A_292, %dma_start3A_299] : memref<26x100000xf32, #tpu.memory_space<hbm>> -> memref<1x100000xf32, #tpu.memory_space<hbm>>
    %dma_start3A_301 = tpu.memref_squeeze %dma_start3A_300 : memref<1x100000xf32, #tpu.memory_space<hbm>> -> memref<100000xf32, #tpu.memory_space<hbm>>
    %dma_start3A_302 = arith.constant 0 : i32
    %dma_start3A_303 = tpu.memref_slice %dma_start3A_301[%dma_start3A_302] : memref<100000xf32, #tpu.memory_space<hbm>> -> memref<100000xf32, #tpu.memory_space<hbm>>
    tpu.enqueue_indirect_dma source(%dma_start3A_303 : memref<100000xf32, #tpu.memory_space<hbm>>) target(%dma_start3A_295 : memref<128xf32, #tpu.memory_space<vmem>>) offsets(%dma_start3A_298 : memref<128xi32, #tpu.memory_space<vmem>>) semaphore(%arg15 : memref<!tpu.dma_semaphore, #tpu.memory_space<semaphore_mem>>)
    %dma_start3A_304 = arith.constant 11 : i32
    %dma_start3A_305 = arith.constant 11 : i32
    %dma_start3A_306 = arith.constant 1408 : i32
    %dma_start3A_307 = arith.constant 0 : i32
    %dma_start3A_308 = tpu.memref_slice %arg10[%dma_start3A_306, %dma_start3A_307] : memref<3328x16xf32, #tpu.memory_space<vmem>> -> memref<128x16xf32, #tpu.memory_space<vmem>>
    %dma_start3A_309 = arith.constant 0 : i32
    %dma_start3A_310 = tpu.memref_slice %arg9[%dma_start3A_305, %dma_start3A_309] : memref<26x128xi32, #tpu.memory_space<vmem>> -> memref<1x128xi32, #tpu.memory_space<vmem>>
    %dma_start3A_311 = tpu.memref_squeeze %dma_start3A_310 : memref<1x128xi32, #tpu.memory_space<vmem>> -> memref<128xi32, #tpu.memory_space<vmem>>
    %dma_start3A_312 = arith.constant 0 : i32
    %dma_start3A_313 = arith.constant 0 : i32
    %dma_start3A_314 = tpu.memref_slice %arg2[%dma_start3A_304, %dma_start3A_312, %dma_start3A_313] : memref<26x100000x16xf32, #tpu.memory_space<hbm>> -> memref<1x100000x16xf32, #tpu.memory_space<hbm>>
    %dma_start3A_315 = tpu.memref_squeeze %dma_start3A_314 : memref<1x100000x16xf32, #tpu.memory_space<hbm>> -> memref<100000x16xf32, #tpu.memory_space<hbm>>
    %dma_start3A_316 = arith.constant 0 : i32
    %dma_start3A_317 = arith.constant 0 : i32
    %dma_start3A_318 = tpu.memref_slice %dma_start3A_315[%dma_start3A_316, %dma_start3A_317] : memref<100000x16xf32, #tpu.memory_space<hbm>> -> memref<100000x16xf32, #tpu.memory_space<hbm>>
    tpu.enqueue_indirect_dma source(%dma_start3A_318 : memref<100000x16xf32, #tpu.memory_space<hbm>>) target(%dma_start3A_308 : memref<128x16xf32, #tpu.memory_space<vmem>>) offsets(%dma_start3A_311 : memref<128xi32, #tpu.memory_space<vmem>>) semaphore(%arg14 : memref<!tpu.dma_semaphore, #tpu.memory_space<semaphore_mem>>)
    %dma_start3A_319 = arith.constant 11 : i32
    %dma_start3A_320 = arith.constant 11 : i32
    %dma_start3A_321 = arith.constant 1408 : i32
    %dma_start3A_322 = tpu.memref_slice %arg11[%dma_start3A_321] : memref<3328xf32, #tpu.memory_space<vmem>> -> memref<128xf32, #tpu.memory_space<vmem>>
    %dma_start3A_323 = arith.constant 0 : i32
    %dma_start3A_324 = tpu.memref_slice %arg9[%dma_start3A_320, %dma_start3A_323] : memref<26x128xi32, #tpu.memory_space<vmem>> -> memref<1x128xi32, #tpu.memory_space<vmem>>
    %dma_start3A_325 = tpu.memref_squeeze %dma_start3A_324 : memref<1x128xi32, #tpu.memory_space<vmem>> -> memref<128xi32, #tpu.memory_space<vmem>>
    %dma_start3A_326 = arith.constant 0 : i32
    %dma_start3A_327 = tpu.memref_slice %arg3[%dma_start3A_319, %dma_start3A_326] : memref<26x100000xf32, #tpu.memory_space<hbm>> -> memref<1x100000xf32, #tpu.memory_space<hbm>>
    %dma_start3A_328 = tpu.memref_squeeze %dma_start3A_327 : memref<1x100000xf32, #tpu.memory_space<hbm>> -> memref<100000xf32, #tpu.memory_space<hbm>>
    %dma_start3A_329 = arith.constant 0 : i32
    %dma_start3A_330 = tpu.memref_slice %dma_start3A_328[%dma_start3A_329] : memref<100000xf32, #tpu.memory_space<hbm>> -> memref<100000xf32, #tpu.memory_space<hbm>>
    tpu.enqueue_indirect_dma source(%dma_start3A_330 : memref<100000xf32, #tpu.memory_space<hbm>>) target(%dma_start3A_322 : memref<128xf32, #tpu.memory_space<vmem>>) offsets(%dma_start3A_325 : memref<128xi32, #tpu.memory_space<vmem>>) semaphore(%arg15 : memref<!tpu.dma_semaphore, #tpu.memory_space<semaphore_mem>>)
    %dma_start3A_331 = arith.constant 12 : i32
    %dma_start3A_332 = arith.constant 12 : i32
    %dma_start3A_333 = arith.constant 1536 : i32
    %dma_start3A_334 = arith.constant 0 : i32
    %dma_start3A_335 = tpu.memref_slice %arg10[%dma_start3A_333, %dma_start3A_334] : memref<3328x16xf32, #tpu.memory_space<vmem>> -> memref<128x16xf32, #tpu.memory_space<vmem>>
    %dma_start3A_336 = arith.constant 0 : i32
    %dma_start3A_337 = tpu.memref_slice %arg9[%dma_start3A_332, %dma_start3A_336] : memref<26x128xi32, #tpu.memory_space<vmem>> -> memref<1x128xi32, #tpu.memory_space<vmem>>
    %dma_start3A_338 = tpu.memref_squeeze %dma_start3A_337 : memref<1x128xi32, #tpu.memory_space<vmem>> -> memref<128xi32, #tpu.memory_space<vmem>>
    %dma_start3A_339 = arith.constant 0 : i32
    %dma_start3A_340 = arith.constant 0 : i32
    %dma_start3A_341 = tpu.memref_slice %arg2[%dma_start3A_331, %dma_start3A_339, %dma_start3A_340] : memref<26x100000x16xf32, #tpu.memory_space<hbm>> -> memref<1x100000x16xf32, #tpu.memory_space<hbm>>
    %dma_start3A_342 = tpu.memref_squeeze %dma_start3A_341 : memref<1x100000x16xf32, #tpu.memory_space<hbm>> -> memref<100000x16xf32, #tpu.memory_space<hbm>>
    %dma_start3A_343 = arith.constant 0 : i32
    %dma_start3A_344 = arith.constant 0 : i32
    %dma_start3A_345 = tpu.memref_slice %dma_start3A_342[%dma_start3A_343, %dma_start3A_344] : memref<100000x16xf32, #tpu.memory_space<hbm>> -> memref<100000x16xf32, #tpu.memory_space<hbm>>
    tpu.enqueue_indirect_dma source(%dma_start3A_345 : memref<100000x16xf32, #tpu.memory_space<hbm>>) target(%dma_start3A_335 : memref<128x16xf32, #tpu.memory_space<vmem>>) offsets(%dma_start3A_338 : memref<128xi32, #tpu.memory_space<vmem>>) semaphore(%arg14 : memref<!tpu.dma_semaphore, #tpu.memory_space<semaphore_mem>>)
    %dma_start3A_346 = arith.constant 12 : i32
    %dma_start3A_347 = arith.constant 12 : i32
    %dma_start3A_348 = arith.constant 1536 : i32
    %dma_start3A_349 = tpu.memref_slice %arg11[%dma_start3A_348] : memref<3328xf32, #tpu.memory_space<vmem>> -> memref<128xf32, #tpu.memory_space<vmem>>
    %dma_start3A_350 = arith.constant 0 : i32
    %dma_start3A_351 = tpu.memref_slice %arg9[%dma_start3A_347, %dma_start3A_350] : memref<26x128xi32, #tpu.memory_space<vmem>> -> memref<1x128xi32, #tpu.memory_space<vmem>>
    %dma_start3A_352 = tpu.memref_squeeze %dma_start3A_351 : memref<1x128xi32, #tpu.memory_space<vmem>> -> memref<128xi32, #tpu.memory_space<vmem>>
    %dma_start3A_353 = arith.constant 0 : i32
    %dma_start3A_354 = tpu.memref_slice %arg3[%dma_start3A_346, %dma_start3A_353] : memref<26x100000xf32, #tpu.memory_space<hbm>> -> memref<1x100000xf32, #tpu.memory_space<hbm>>
    %dma_start3A_355 = tpu.memref_squeeze %dma_start3A_354 : memref<1x100000xf32, #tpu.memory_space<hbm>> -> memref<100000xf32, #tpu.memory_space<hbm>>
    %dma_start3A_356 = arith.constant 0 : i32
    %dma_start3A_357 = tpu.memref_slice %dma_start3A_355[%dma_start3A_356] : memref<100000xf32, #tpu.memory_space<hbm>> -> memref<100000xf32, #tpu.memory_space<hbm>>
    tpu.enqueue_indirect_dma source(%dma_start3A_357 : memref<100000xf32, #tpu.memory_space<hbm>>) target(%dma_start3A_349 : memref<128xf32, #tpu.memory_space<vmem>>) offsets(%dma_start3A_352 : memref<128xi32, #tpu.memory_space<vmem>>) semaphore(%arg15 : memref<!tpu.dma_semaphore, #tpu.memory_space<semaphore_mem>>)
    %dma_start3A_358 = arith.constant 13 : i32
    %dma_start3A_359 = arith.constant 13 : i32
    %dma_start3A_360 = arith.constant 1664 : i32
    %dma_start3A_361 = arith.constant 0 : i32
    %dma_start3A_362 = tpu.memref_slice %arg10[%dma_start3A_360, %dma_start3A_361] : memref<3328x16xf32, #tpu.memory_space<vmem>> -> memref<128x16xf32, #tpu.memory_space<vmem>>
    %dma_start3A_363 = arith.constant 0 : i32
    %dma_start3A_364 = tpu.memref_slice %arg9[%dma_start3A_359, %dma_start3A_363] : memref<26x128xi32, #tpu.memory_space<vmem>> -> memref<1x128xi32, #tpu.memory_space<vmem>>
    %dma_start3A_365 = tpu.memref_squeeze %dma_start3A_364 : memref<1x128xi32, #tpu.memory_space<vmem>> -> memref<128xi32, #tpu.memory_space<vmem>>
    %dma_start3A_366 = arith.constant 0 : i32
    %dma_start3A_367 = arith.constant 0 : i32
    %dma_start3A_368 = tpu.memref_slice %arg2[%dma_start3A_358, %dma_start3A_366, %dma_start3A_367] : memref<26x100000x16xf32, #tpu.memory_space<hbm>> -> memref<1x100000x16xf32, #tpu.memory_space<hbm>>
    %dma_start3A_369 = tpu.memref_squeeze %dma_start3A_368 : memref<1x100000x16xf32, #tpu.memory_space<hbm>> -> memref<100000x16xf32, #tpu.memory_space<hbm>>
    %dma_start3A_370 = arith.constant 0 : i32
    %dma_start3A_371 = arith.constant 0 : i32
    %dma_start3A_372 = tpu.memref_slice %dma_start3A_369[%dma_start3A_370, %dma_start3A_371] : memref<100000x16xf32, #tpu.memory_space<hbm>> -> memref<100000x16xf32, #tpu.memory_space<hbm>>
    tpu.enqueue_indirect_dma source(%dma_start3A_372 : memref<100000x16xf32, #tpu.memory_space<hbm>>) target(%dma_start3A_362 : memref<128x16xf32, #tpu.memory_space<vmem>>) offsets(%dma_start3A_365 : memref<128xi32, #tpu.memory_space<vmem>>) semaphore(%arg14 : memref<!tpu.dma_semaphore, #tpu.memory_space<semaphore_mem>>)
    %dma_start3A_373 = arith.constant 13 : i32
    %dma_start3A_374 = arith.constant 13 : i32
    %dma_start3A_375 = arith.constant 1664 : i32
    %dma_start3A_376 = tpu.memref_slice %arg11[%dma_start3A_375] : memref<3328xf32, #tpu.memory_space<vmem>> -> memref<128xf32, #tpu.memory_space<vmem>>
    %dma_start3A_377 = arith.constant 0 : i32
    %dma_start3A_378 = tpu.memref_slice %arg9[%dma_start3A_374, %dma_start3A_377] : memref<26x128xi32, #tpu.memory_space<vmem>> -> memref<1x128xi32, #tpu.memory_space<vmem>>
    %dma_start3A_379 = tpu.memref_squeeze %dma_start3A_378 : memref<1x128xi32, #tpu.memory_space<vmem>> -> memref<128xi32, #tpu.memory_space<vmem>>
    %dma_start3A_380 = arith.constant 0 : i32
    %dma_start3A_381 = tpu.memref_slice %arg3[%dma_start3A_373, %dma_start3A_380] : memref<26x100000xf32, #tpu.memory_space<hbm>> -> memref<1x100000xf32, #tpu.memory_space<hbm>>
    %dma_start3A_382 = tpu.memref_squeeze %dma_start3A_381 : memref<1x100000xf32, #tpu.memory_space<hbm>> -> memref<100000xf32, #tpu.memory_space<hbm>>
    %dma_start3A_383 = arith.constant 0 : i32
    %dma_start3A_384 = tpu.memref_slice %dma_start3A_382[%dma_start3A_383] : memref<100000xf32, #tpu.memory_space<hbm>> -> memref<100000xf32, #tpu.memory_space<hbm>>
    tpu.enqueue_indirect_dma source(%dma_start3A_384 : memref<100000xf32, #tpu.memory_space<hbm>>) target(%dma_start3A_376 : memref<128xf32, #tpu.memory_space<vmem>>) offsets(%dma_start3A_379 : memref<128xi32, #tpu.memory_space<vmem>>) semaphore(%arg15 : memref<!tpu.dma_semaphore, #tpu.memory_space<semaphore_mem>>)
    %dma_start3A_385 = arith.constant 14 : i32
    %dma_start3A_386 = arith.constant 14 : i32
    %dma_start3A_387 = arith.constant 1792 : i32
    %dma_start3A_388 = arith.constant 0 : i32
    %dma_start3A_389 = tpu.memref_slice %arg10[%dma_start3A_387, %dma_start3A_388] : memref<3328x16xf32, #tpu.memory_space<vmem>> -> memref<128x16xf32, #tpu.memory_space<vmem>>
    %dma_start3A_390 = arith.constant 0 : i32
    %dma_start3A_391 = tpu.memref_slice %arg9[%dma_start3A_386, %dma_start3A_390] : memref<26x128xi32, #tpu.memory_space<vmem>> -> memref<1x128xi32, #tpu.memory_space<vmem>>
    %dma_start3A_392 = tpu.memref_squeeze %dma_start3A_391 : memref<1x128xi32, #tpu.memory_space<vmem>> -> memref<128xi32, #tpu.memory_space<vmem>>
    %dma_start3A_393 = arith.constant 0 : i32
    %dma_start3A_394 = arith.constant 0 : i32
    %dma_start3A_395 = tpu.memref_slice %arg2[%dma_start3A_385, %dma_start3A_393, %dma_start3A_394] : memref<26x100000x16xf32, #tpu.memory_space<hbm>> -> memref<1x100000x16xf32, #tpu.memory_space<hbm>>
    %dma_start3A_396 = tpu.memref_squeeze %dma_start3A_395 : memref<1x100000x16xf32, #tpu.memory_space<hbm>> -> memref<100000x16xf32, #tpu.memory_space<hbm>>
    %dma_start3A_397 = arith.constant 0 : i32
    %dma_start3A_398 = arith.constant 0 : i32
    %dma_start3A_399 = tpu.memref_slice %dma_start3A_396[%dma_start3A_397, %dma_start3A_398] : memref<100000x16xf32, #tpu.memory_space<hbm>> -> memref<100000x16xf32, #tpu.memory_space<hbm>>
    tpu.enqueue_indirect_dma source(%dma_start3A_399 : memref<100000x16xf32, #tpu.memory_space<hbm>>) target(%dma_start3A_389 : memref<128x16xf32, #tpu.memory_space<vmem>>) offsets(%dma_start3A_392 : memref<128xi32, #tpu.memory_space<vmem>>) semaphore(%arg14 : memref<!tpu.dma_semaphore, #tpu.memory_space<semaphore_mem>>)
    %dma_start3A_400 = arith.constant 14 : i32
    %dma_start3A_401 = arith.constant 14 : i32
    %dma_start3A_402 = arith.constant 1792 : i32
    %dma_start3A_403 = tpu.memref_slice %arg11[%dma_start3A_402] : memref<3328xf32, #tpu.memory_space<vmem>> -> memref<128xf32, #tpu.memory_space<vmem>>
    %dma_start3A_404 = arith.constant 0 : i32
    %dma_start3A_405 = tpu.memref_slice %arg9[%dma_start3A_401, %dma_start3A_404] : memref<26x128xi32, #tpu.memory_space<vmem>> -> memref<1x128xi32, #tpu.memory_space<vmem>>
    %dma_start3A_406 = tpu.memref_squeeze %dma_start3A_405 : memref<1x128xi32, #tpu.memory_space<vmem>> -> memref<128xi32, #tpu.memory_space<vmem>>
    %dma_start3A_407 = arith.constant 0 : i32
    %dma_start3A_408 = tpu.memref_slice %arg3[%dma_start3A_400, %dma_start3A_407] : memref<26x100000xf32, #tpu.memory_space<hbm>> -> memref<1x100000xf32, #tpu.memory_space<hbm>>
    %dma_start3A_409 = tpu.memref_squeeze %dma_start3A_408 : memref<1x100000xf32, #tpu.memory_space<hbm>> -> memref<100000xf32, #tpu.memory_space<hbm>>
    %dma_start3A_410 = arith.constant 0 : i32
    %dma_start3A_411 = tpu.memref_slice %dma_start3A_409[%dma_start3A_410] : memref<100000xf32, #tpu.memory_space<hbm>> -> memref<100000xf32, #tpu.memory_space<hbm>>
    tpu.enqueue_indirect_dma source(%dma_start3A_411 : memref<100000xf32, #tpu.memory_space<hbm>>) target(%dma_start3A_403 : memref<128xf32, #tpu.memory_space<vmem>>) offsets(%dma_start3A_406 : memref<128xi32, #tpu.memory_space<vmem>>) semaphore(%arg15 : memref<!tpu.dma_semaphore, #tpu.memory_space<semaphore_mem>>)
    %dma_start3A_412 = arith.constant 15 : i32
    %dma_start3A_413 = arith.constant 15 : i32
    %dma_start3A_414 = arith.constant 1920 : i32
    %dma_start3A_415 = arith.constant 0 : i32
    %dma_start3A_416 = tpu.memref_slice %arg10[%dma_start3A_414, %dma_start3A_415] : memref<3328x16xf32, #tpu.memory_space<vmem>> -> memref<128x16xf32, #tpu.memory_space<vmem>>
    %dma_start3A_417 = arith.constant 0 : i32
    %dma_start3A_418 = tpu.memref_slice %arg9[%dma_start3A_413, %dma_start3A_417] : memref<26x128xi32, #tpu.memory_space<vmem>> -> memref<1x128xi32, #tpu.memory_space<vmem>>
    %dma_start3A_419 = tpu.memref_squeeze %dma_start3A_418 : memref<1x128xi32, #tpu.memory_space<vmem>> -> memref<128xi32, #tpu.memory_space<vmem>>
    %dma_start3A_420 = arith.constant 0 : i32
    %dma_start3A_421 = arith.constant 0 : i32
    %dma_start3A_422 = tpu.memref_slice %arg2[%dma_start3A_412, %dma_start3A_420, %dma_start3A_421] : memref<26x100000x16xf32, #tpu.memory_space<hbm>> -> memref<1x100000x16xf32, #tpu.memory_space<hbm>>
    %dma_start3A_423 = tpu.memref_squeeze %dma_start3A_422 : memref<1x100000x16xf32, #tpu.memory_space<hbm>> -> memref<100000x16xf32, #tpu.memory_space<hbm>>
    %dma_start3A_424 = arith.constant 0 : i32
    %dma_start3A_425 = arith.constant 0 : i32
    %dma_start3A_426 = tpu.memref_slice %dma_start3A_423[%dma_start3A_424, %dma_start3A_425] : memref<100000x16xf32, #tpu.memory_space<hbm>> -> memref<100000x16xf32, #tpu.memory_space<hbm>>
    tpu.enqueue_indirect_dma source(%dma_start3A_426 : memref<100000x16xf32, #tpu.memory_space<hbm>>) target(%dma_start3A_416 : memref<128x16xf32, #tpu.memory_space<vmem>>) offsets(%dma_start3A_419 : memref<128xi32, #tpu.memory_space<vmem>>) semaphore(%arg14 : memref<!tpu.dma_semaphore, #tpu.memory_space<semaphore_mem>>)
    %dma_start3A_427 = arith.constant 15 : i32
    %dma_start3A_428 = arith.constant 15 : i32
    %dma_start3A_429 = arith.constant 1920 : i32
    %dma_start3A_430 = tpu.memref_slice %arg11[%dma_start3A_429] : memref<3328xf32, #tpu.memory_space<vmem>> -> memref<128xf32, #tpu.memory_space<vmem>>
    %dma_start3A_431 = arith.constant 0 : i32
    %dma_start3A_432 = tpu.memref_slice %arg9[%dma_start3A_428, %dma_start3A_431] : memref<26x128xi32, #tpu.memory_space<vmem>> -> memref<1x128xi32, #tpu.memory_space<vmem>>
    %dma_start3A_433 = tpu.memref_squeeze %dma_start3A_432 : memref<1x128xi32, #tpu.memory_space<vmem>> -> memref<128xi32, #tpu.memory_space<vmem>>
    %dma_start3A_434 = arith.constant 0 : i32
    %dma_start3A_435 = tpu.memref_slice %arg3[%dma_start3A_427, %dma_start3A_434] : memref<26x100000xf32, #tpu.memory_space<hbm>> -> memref<1x100000xf32, #tpu.memory_space<hbm>>
    %dma_start3A_436 = tpu.memref_squeeze %dma_start3A_435 : memref<1x100000xf32, #tpu.memory_space<hbm>> -> memref<100000xf32, #tpu.memory_space<hbm>>
    %dma_start3A_437 = arith.constant 0 : i32
    %dma_start3A_438 = tpu.memref_slice %dma_start3A_436[%dma_start3A_437] : memref<100000xf32, #tpu.memory_space<hbm>> -> memref<100000xf32, #tpu.memory_space<hbm>>
    tpu.enqueue_indirect_dma source(%dma_start3A_438 : memref<100000xf32, #tpu.memory_space<hbm>>) target(%dma_start3A_430 : memref<128xf32, #tpu.memory_space<vmem>>) offsets(%dma_start3A_433 : memref<128xi32, #tpu.memory_space<vmem>>) semaphore(%arg15 : memref<!tpu.dma_semaphore, #tpu.memory_space<semaphore_mem>>)
    %dma_start3A_439 = arith.constant 16 : i32
    %dma_start3A_440 = arith.constant 16 : i32
    %dma_start3A_441 = arith.constant 2048 : i32
    %dma_start3A_442 = arith.constant 0 : i32
    %dma_start3A_443 = tpu.memref_slice %arg10[%dma_start3A_441, %dma_start3A_442] : memref<3328x16xf32, #tpu.memory_space<vmem>> -> memref<128x16xf32, #tpu.memory_space<vmem>>
    %dma_start3A_444 = arith.constant 0 : i32
    %dma_start3A_445 = tpu.memref_slice %arg9[%dma_start3A_440, %dma_start3A_444] : memref<26x128xi32, #tpu.memory_space<vmem>> -> memref<1x128xi32, #tpu.memory_space<vmem>>
    %dma_start3A_446 = tpu.memref_squeeze %dma_start3A_445 : memref<1x128xi32, #tpu.memory_space<vmem>> -> memref<128xi32, #tpu.memory_space<vmem>>
    %dma_start3A_447 = arith.constant 0 : i32
    %dma_start3A_448 = arith.constant 0 : i32
    %dma_start3A_449 = tpu.memref_slice %arg2[%dma_start3A_439, %dma_start3A_447, %dma_start3A_448] : memref<26x100000x16xf32, #tpu.memory_space<hbm>> -> memref<1x100000x16xf32, #tpu.memory_space<hbm>>
    %dma_start3A_450 = tpu.memref_squeeze %dma_start3A_449 : memref<1x100000x16xf32, #tpu.memory_space<hbm>> -> memref<100000x16xf32, #tpu.memory_space<hbm>>
    %dma_start3A_451 = arith.constant 0 : i32
    %dma_start3A_452 = arith.constant 0 : i32
    %dma_start3A_453 = tpu.memref_slice %dma_start3A_450[%dma_start3A_451, %dma_start3A_452] : memref<100000x16xf32, #tpu.memory_space<hbm>> -> memref<100000x16xf32, #tpu.memory_space<hbm>>
    tpu.enqueue_indirect_dma source(%dma_start3A_453 : memref<100000x16xf32, #tpu.memory_space<hbm>>) target(%dma_start3A_443 : memref<128x16xf32, #tpu.memory_space<vmem>>) offsets(%dma_start3A_446 : memref<128xi32, #tpu.memory_space<vmem>>) semaphore(%arg14 : memref<!tpu.dma_semaphore, #tpu.memory_space<semaphore_mem>>)
    %dma_start3A_454 = arith.constant 16 : i32
    %dma_start3A_455 = arith.constant 16 : i32
    %dma_start3A_456 = arith.constant 2048 : i32
    %dma_start3A_457 = tpu.memref_slice %arg11[%dma_start3A_456] : memref<3328xf32, #tpu.memory_space<vmem>> -> memref<128xf32, #tpu.memory_space<vmem>>
    %dma_start3A_458 = arith.constant 0 : i32
    %dma_start3A_459 = tpu.memref_slice %arg9[%dma_start3A_455, %dma_start3A_458] : memref<26x128xi32, #tpu.memory_space<vmem>> -> memref<1x128xi32, #tpu.memory_space<vmem>>
    %dma_start3A_460 = tpu.memref_squeeze %dma_start3A_459 : memref<1x128xi32, #tpu.memory_space<vmem>> -> memref<128xi32, #tpu.memory_space<vmem>>
    %dma_start3A_461 = arith.constant 0 : i32
    %dma_start3A_462 = tpu.memref_slice %arg3[%dma_start3A_454, %dma_start3A_461] : memref<26x100000xf32, #tpu.memory_space<hbm>> -> memref<1x100000xf32, #tpu.memory_space<hbm>>
    %dma_start3A_463 = tpu.memref_squeeze %dma_start3A_462 : memref<1x100000xf32, #tpu.memory_space<hbm>> -> memref<100000xf32, #tpu.memory_space<hbm>>
    %dma_start3A_464 = arith.constant 0 : i32
    %dma_start3A_465 = tpu.memref_slice %dma_start3A_463[%dma_start3A_464] : memref<100000xf32, #tpu.memory_space<hbm>> -> memref<100000xf32, #tpu.memory_space<hbm>>
    tpu.enqueue_indirect_dma source(%dma_start3A_465 : memref<100000xf32, #tpu.memory_space<hbm>>) target(%dma_start3A_457 : memref<128xf32, #tpu.memory_space<vmem>>) offsets(%dma_start3A_460 : memref<128xi32, #tpu.memory_space<vmem>>) semaphore(%arg15 : memref<!tpu.dma_semaphore, #tpu.memory_space<semaphore_mem>>)
    %dma_start3A_466 = arith.constant 17 : i32
    %dma_start3A_467 = arith.constant 17 : i32
    %dma_start3A_468 = arith.constant 2176 : i32
    %dma_start3A_469 = arith.constant 0 : i32
    %dma_start3A_470 = tpu.memref_slice %arg10[%dma_start3A_468, %dma_start3A_469] : memref<3328x16xf32, #tpu.memory_space<vmem>> -> memref<128x16xf32, #tpu.memory_space<vmem>>
    %dma_start3A_471 = arith.constant 0 : i32
    %dma_start3A_472 = tpu.memref_slice %arg9[%dma_start3A_467, %dma_start3A_471] : memref<26x128xi32, #tpu.memory_space<vmem>> -> memref<1x128xi32, #tpu.memory_space<vmem>>
    %dma_start3A_473 = tpu.memref_squeeze %dma_start3A_472 : memref<1x128xi32, #tpu.memory_space<vmem>> -> memref<128xi32, #tpu.memory_space<vmem>>
    %dma_start3A_474 = arith.constant 0 : i32
    %dma_start3A_475 = arith.constant 0 : i32
    %dma_start3A_476 = tpu.memref_slice %arg2[%dma_start3A_466, %dma_start3A_474, %dma_start3A_475] : memref<26x100000x16xf32, #tpu.memory_space<hbm>> -> memref<1x100000x16xf32, #tpu.memory_space<hbm>>
    %dma_start3A_477 = tpu.memref_squeeze %dma_start3A_476 : memref<1x100000x16xf32, #tpu.memory_space<hbm>> -> memref<100000x16xf32, #tpu.memory_space<hbm>>
    %dma_start3A_478 = arith.constant 0 : i32
    %dma_start3A_479 = arith.constant 0 : i32
    %dma_start3A_480 = tpu.memref_slice %dma_start3A_477[%dma_start3A_478, %dma_start3A_479] : memref<100000x16xf32, #tpu.memory_space<hbm>> -> memref<100000x16xf32, #tpu.memory_space<hbm>>
    tpu.enqueue_indirect_dma source(%dma_start3A_480 : memref<100000x16xf32, #tpu.memory_space<hbm>>) target(%dma_start3A_470 : memref<128x16xf32, #tpu.memory_space<vmem>>) offsets(%dma_start3A_473 : memref<128xi32, #tpu.memory_space<vmem>>) semaphore(%arg14 : memref<!tpu.dma_semaphore, #tpu.memory_space<semaphore_mem>>)
    %dma_start3A_481 = arith.constant 17 : i32
    %dma_start3A_482 = arith.constant 17 : i32
    %dma_start3A_483 = arith.constant 2176 : i32
    %dma_start3A_484 = tpu.memref_slice %arg11[%dma_start3A_483] : memref<3328xf32, #tpu.memory_space<vmem>> -> memref<128xf32, #tpu.memory_space<vmem>>
    %dma_start3A_485 = arith.constant 0 : i32
    %dma_start3A_486 = tpu.memref_slice %arg9[%dma_start3A_482, %dma_start3A_485] : memref<26x128xi32, #tpu.memory_space<vmem>> -> memref<1x128xi32, #tpu.memory_space<vmem>>
    %dma_start3A_487 = tpu.memref_squeeze %dma_start3A_486 : memref<1x128xi32, #tpu.memory_space<vmem>> -> memref<128xi32, #tpu.memory_space<vmem>>
    %dma_start3A_488 = arith.constant 0 : i32
    %dma_start3A_489 = tpu.memref_slice %arg3[%dma_start3A_481, %dma_start3A_488] : memref<26x100000xf32, #tpu.memory_space<hbm>> -> memref<1x100000xf32, #tpu.memory_space<hbm>>
    %dma_start3A_490 = tpu.memref_squeeze %dma_start3A_489 : memref<1x100000xf32, #tpu.memory_space<hbm>> -> memref<100000xf32, #tpu.memory_space<hbm>>
    %dma_start3A_491 = arith.constant 0 : i32
    %dma_start3A_492 = tpu.memref_slice %dma_start3A_490[%dma_start3A_491] : memref<100000xf32, #tpu.memory_space<hbm>> -> memref<100000xf32, #tpu.memory_space<hbm>>
    tpu.enqueue_indirect_dma source(%dma_start3A_492 : memref<100000xf32, #tpu.memory_space<hbm>>) target(%dma_start3A_484 : memref<128xf32, #tpu.memory_space<vmem>>) offsets(%dma_start3A_487 : memref<128xi32, #tpu.memory_space<vmem>>) semaphore(%arg15 : memref<!tpu.dma_semaphore, #tpu.memory_space<semaphore_mem>>)
    %dma_start3A_493 = arith.constant 18 : i32
    %dma_start3A_494 = arith.constant 18 : i32
    %dma_start3A_495 = arith.constant 2304 : i32
    %dma_start3A_496 = arith.constant 0 : i32
    %dma_start3A_497 = tpu.memref_slice %arg10[%dma_start3A_495, %dma_start3A_496] : memref<3328x16xf32, #tpu.memory_space<vmem>> -> memref<128x16xf32, #tpu.memory_space<vmem>>
    %dma_start3A_498 = arith.constant 0 : i32
    %dma_start3A_499 = tpu.memref_slice %arg9[%dma_start3A_494, %dma_start3A_498] : memref<26x128xi32, #tpu.memory_space<vmem>> -> memref<1x128xi32, #tpu.memory_space<vmem>>
    %dma_start3A_500 = tpu.memref_squeeze %dma_start3A_499 : memref<1x128xi32, #tpu.memory_space<vmem>> -> memref<128xi32, #tpu.memory_space<vmem>>
    %dma_start3A_501 = arith.constant 0 : i32
    %dma_start3A_502 = arith.constant 0 : i32
    %dma_start3A_503 = tpu.memref_slice %arg2[%dma_start3A_493, %dma_start3A_501, %dma_start3A_502] : memref<26x100000x16xf32, #tpu.memory_space<hbm>> -> memref<1x100000x16xf32, #tpu.memory_space<hbm>>
    %dma_start3A_504 = tpu.memref_squeeze %dma_start3A_503 : memref<1x100000x16xf32, #tpu.memory_space<hbm>> -> memref<100000x16xf32, #tpu.memory_space<hbm>>
    %dma_start3A_505 = arith.constant 0 : i32
    %dma_start3A_506 = arith.constant 0 : i32
    %dma_start3A_507 = tpu.memref_slice %dma_start3A_504[%dma_start3A_505, %dma_start3A_506] : memref<100000x16xf32, #tpu.memory_space<hbm>> -> memref<100000x16xf32, #tpu.memory_space<hbm>>
    tpu.enqueue_indirect_dma source(%dma_start3A_507 : memref<100000x16xf32, #tpu.memory_space<hbm>>) target(%dma_start3A_497 : memref<128x16xf32, #tpu.memory_space<vmem>>) offsets(%dma_start3A_500 : memref<128xi32, #tpu.memory_space<vmem>>) semaphore(%arg14 : memref<!tpu.dma_semaphore, #tpu.memory_space<semaphore_mem>>)
    %dma_start3A_508 = arith.constant 18 : i32
    %dma_start3A_509 = arith.constant 18 : i32
    %dma_start3A_510 = arith.constant 2304 : i32
    %dma_start3A_511 = tpu.memref_slice %arg11[%dma_start3A_510] : memref<3328xf32, #tpu.memory_space<vmem>> -> memref<128xf32, #tpu.memory_space<vmem>>
    %dma_start3A_512 = arith.constant 0 : i32
    %dma_start3A_513 = tpu.memref_slice %arg9[%dma_start3A_509, %dma_start3A_512] : memref<26x128xi32, #tpu.memory_space<vmem>> -> memref<1x128xi32, #tpu.memory_space<vmem>>
    %dma_start3A_514 = tpu.memref_squeeze %dma_start3A_513 : memref<1x128xi32, #tpu.memory_space<vmem>> -> memref<128xi32, #tpu.memory_space<vmem>>
    %dma_start3A_515 = arith.constant 0 : i32
    %dma_start3A_516 = tpu.memref_slice %arg3[%dma_start3A_508, %dma_start3A_515] : memref<26x100000xf32, #tpu.memory_space<hbm>> -> memref<1x100000xf32, #tpu.memory_space<hbm>>
    %dma_start3A_517 = tpu.memref_squeeze %dma_start3A_516 : memref<1x100000xf32, #tpu.memory_space<hbm>> -> memref<100000xf32, #tpu.memory_space<hbm>>
    %dma_start3A_518 = arith.constant 0 : i32
    %dma_start3A_519 = tpu.memref_slice %dma_start3A_517[%dma_start3A_518] : memref<100000xf32, #tpu.memory_space<hbm>> -> memref<100000xf32, #tpu.memory_space<hbm>>
    tpu.enqueue_indirect_dma source(%dma_start3A_519 : memref<100000xf32, #tpu.memory_space<hbm>>) target(%dma_start3A_511 : memref<128xf32, #tpu.memory_space<vmem>>) offsets(%dma_start3A_514 : memref<128xi32, #tpu.memory_space<vmem>>) semaphore(%arg15 : memref<!tpu.dma_semaphore, #tpu.memory_space<semaphore_mem>>)
    %dma_start3A_520 = arith.constant 19 : i32
    %dma_start3A_521 = arith.constant 19 : i32
    %dma_start3A_522 = arith.constant 2432 : i32
    %dma_start3A_523 = arith.constant 0 : i32
    %dma_start3A_524 = tpu.memref_slice %arg10[%dma_start3A_522, %dma_start3A_523] : memref<3328x16xf32, #tpu.memory_space<vmem>> -> memref<128x16xf32, #tpu.memory_space<vmem>>
    %dma_start3A_525 = arith.constant 0 : i32
    %dma_start3A_526 = tpu.memref_slice %arg9[%dma_start3A_521, %dma_start3A_525] : memref<26x128xi32, #tpu.memory_space<vmem>> -> memref<1x128xi32, #tpu.memory_space<vmem>>
    %dma_start3A_527 = tpu.memref_squeeze %dma_start3A_526 : memref<1x128xi32, #tpu.memory_space<vmem>> -> memref<128xi32, #tpu.memory_space<vmem>>
    %dma_start3A_528 = arith.constant 0 : i32
    %dma_start3A_529 = arith.constant 0 : i32
    %dma_start3A_530 = tpu.memref_slice %arg2[%dma_start3A_520, %dma_start3A_528, %dma_start3A_529] : memref<26x100000x16xf32, #tpu.memory_space<hbm>> -> memref<1x100000x16xf32, #tpu.memory_space<hbm>>
    %dma_start3A_531 = tpu.memref_squeeze %dma_start3A_530 : memref<1x100000x16xf32, #tpu.memory_space<hbm>> -> memref<100000x16xf32, #tpu.memory_space<hbm>>
    %dma_start3A_532 = arith.constant 0 : i32
    %dma_start3A_533 = arith.constant 0 : i32
    %dma_start3A_534 = tpu.memref_slice %dma_start3A_531[%dma_start3A_532, %dma_start3A_533] : memref<100000x16xf32, #tpu.memory_space<hbm>> -> memref<100000x16xf32, #tpu.memory_space<hbm>>
    tpu.enqueue_indirect_dma source(%dma_start3A_534 : memref<100000x16xf32, #tpu.memory_space<hbm>>) target(%dma_start3A_524 : memref<128x16xf32, #tpu.memory_space<vmem>>) offsets(%dma_start3A_527 : memref<128xi32, #tpu.memory_space<vmem>>) semaphore(%arg14 : memref<!tpu.dma_semaphore, #tpu.memory_space<semaphore_mem>>)
    %dma_start3A_535 = arith.constant 19 : i32
    %dma_start3A_536 = arith.constant 19 : i32
    %dma_start3A_537 = arith.constant 2432 : i32
    %dma_start3A_538 = tpu.memref_slice %arg11[%dma_start3A_537] : memref<3328xf32, #tpu.memory_space<vmem>> -> memref<128xf32, #tpu.memory_space<vmem>>
    %dma_start3A_539 = arith.constant 0 : i32
    %dma_start3A_540 = tpu.memref_slice %arg9[%dma_start3A_536, %dma_start3A_539] : memref<26x128xi32, #tpu.memory_space<vmem>> -> memref<1x128xi32, #tpu.memory_space<vmem>>
    %dma_start3A_541 = tpu.memref_squeeze %dma_start3A_540 : memref<1x128xi32, #tpu.memory_space<vmem>> -> memref<128xi32, #tpu.memory_space<vmem>>
    %dma_start3A_542 = arith.constant 0 : i32
    %dma_start3A_543 = tpu.memref_slice %arg3[%dma_start3A_535, %dma_start3A_542] : memref<26x100000xf32, #tpu.memory_space<hbm>> -> memref<1x100000xf32, #tpu.memory_space<hbm>>
    %dma_start3A_544 = tpu.memref_squeeze %dma_start3A_543 : memref<1x100000xf32, #tpu.memory_space<hbm>> -> memref<100000xf32, #tpu.memory_space<hbm>>
    %dma_start3A_545 = arith.constant 0 : i32
    %dma_start3A_546 = tpu.memref_slice %dma_start3A_544[%dma_start3A_545] : memref<100000xf32, #tpu.memory_space<hbm>> -> memref<100000xf32, #tpu.memory_space<hbm>>
    tpu.enqueue_indirect_dma source(%dma_start3A_546 : memref<100000xf32, #tpu.memory_space<hbm>>) target(%dma_start3A_538 : memref<128xf32, #tpu.memory_space<vmem>>) offsets(%dma_start3A_541 : memref<128xi32, #tpu.memory_space<vmem>>) semaphore(%arg15 : memref<!tpu.dma_semaphore, #tpu.memory_space<semaphore_mem>>)
    %dma_start3A_547 = arith.constant 20 : i32
    %dma_start3A_548 = arith.constant 20 : i32
    %dma_start3A_549 = arith.constant 2560 : i32
    %dma_start3A_550 = arith.constant 0 : i32
    %dma_start3A_551 = tpu.memref_slice %arg10[%dma_start3A_549, %dma_start3A_550] : memref<3328x16xf32, #tpu.memory_space<vmem>> -> memref<128x16xf32, #tpu.memory_space<vmem>>
    %dma_start3A_552 = arith.constant 0 : i32
    %dma_start3A_553 = tpu.memref_slice %arg9[%dma_start3A_548, %dma_start3A_552] : memref<26x128xi32, #tpu.memory_space<vmem>> -> memref<1x128xi32, #tpu.memory_space<vmem>>
    %dma_start3A_554 = tpu.memref_squeeze %dma_start3A_553 : memref<1x128xi32, #tpu.memory_space<vmem>> -> memref<128xi32, #tpu.memory_space<vmem>>
    %dma_start3A_555 = arith.constant 0 : i32
    %dma_start3A_556 = arith.constant 0 : i32
    %dma_start3A_557 = tpu.memref_slice %arg2[%dma_start3A_547, %dma_start3A_555, %dma_start3A_556] : memref<26x100000x16xf32, #tpu.memory_space<hbm>> -> memref<1x100000x16xf32, #tpu.memory_space<hbm>>
    %dma_start3A_558 = tpu.memref_squeeze %dma_start3A_557 : memref<1x100000x16xf32, #tpu.memory_space<hbm>> -> memref<100000x16xf32, #tpu.memory_space<hbm>>
    %dma_start3A_559 = arith.constant 0 : i32
    %dma_start3A_560 = arith.constant 0 : i32
    %dma_start3A_561 = tpu.memref_slice %dma_start3A_558[%dma_start3A_559, %dma_start3A_560] : memref<100000x16xf32, #tpu.memory_space<hbm>> -> memref<100000x16xf32, #tpu.memory_space<hbm>>
    tpu.enqueue_indirect_dma source(%dma_start3A_561 : memref<100000x16xf32, #tpu.memory_space<hbm>>) target(%dma_start3A_551 : memref<128x16xf32, #tpu.memory_space<vmem>>) offsets(%dma_start3A_554 : memref<128xi32, #tpu.memory_space<vmem>>) semaphore(%arg14 : memref<!tpu.dma_semaphore, #tpu.memory_space<semaphore_mem>>)
    %dma_start3A_562 = arith.constant 20 : i32
    %dma_start3A_563 = arith.constant 20 : i32
    %dma_start3A_564 = arith.constant 2560 : i32
    %dma_start3A_565 = tpu.memref_slice %arg11[%dma_start3A_564] : memref<3328xf32, #tpu.memory_space<vmem>> -> memref<128xf32, #tpu.memory_space<vmem>>
    %dma_start3A_566 = arith.constant 0 : i32
    %dma_start3A_567 = tpu.memref_slice %arg9[%dma_start3A_563, %dma_start3A_566] : memref<26x128xi32, #tpu.memory_space<vmem>> -> memref<1x128xi32, #tpu.memory_space<vmem>>
    %dma_start3A_568 = tpu.memref_squeeze %dma_start3A_567 : memref<1x128xi32, #tpu.memory_space<vmem>> -> memref<128xi32, #tpu.memory_space<vmem>>
    %dma_start3A_569 = arith.constant 0 : i32
    %dma_start3A_570 = tpu.memref_slice %arg3[%dma_start3A_562, %dma_start3A_569] : memref<26x100000xf32, #tpu.memory_space<hbm>> -> memref<1x100000xf32, #tpu.memory_space<hbm>>
    %dma_start3A_571 = tpu.memref_squeeze %dma_start3A_570 : memref<1x100000xf32, #tpu.memory_space<hbm>> -> memref<100000xf32, #tpu.memory_space<hbm>>
    %dma_start3A_572 = arith.constant 0 : i32
    %dma_start3A_573 = tpu.memref_slice %dma_start3A_571[%dma_start3A_572] : memref<100000xf32, #tpu.memory_space<hbm>> -> memref<100000xf32, #tpu.memory_space<hbm>>
    tpu.enqueue_indirect_dma source(%dma_start3A_573 : memref<100000xf32, #tpu.memory_space<hbm>>) target(%dma_start3A_565 : memref<128xf32, #tpu.memory_space<vmem>>) offsets(%dma_start3A_568 : memref<128xi32, #tpu.memory_space<vmem>>) semaphore(%arg15 : memref<!tpu.dma_semaphore, #tpu.memory_space<semaphore_mem>>)
    %dma_start3A_574 = arith.constant 21 : i32
    %dma_start3A_575 = arith.constant 21 : i32
    %dma_start3A_576 = arith.constant 2688 : i32
    %dma_start3A_577 = arith.constant 0 : i32
    %dma_start3A_578 = tpu.memref_slice %arg10[%dma_start3A_576, %dma_start3A_577] : memref<3328x16xf32, #tpu.memory_space<vmem>> -> memref<128x16xf32, #tpu.memory_space<vmem>>
    %dma_start3A_579 = arith.constant 0 : i32
    %dma_start3A_580 = tpu.memref_slice %arg9[%dma_start3A_575, %dma_start3A_579] : memref<26x128xi32, #tpu.memory_space<vmem>> -> memref<1x128xi32, #tpu.memory_space<vmem>>
    %dma_start3A_581 = tpu.memref_squeeze %dma_start3A_580 : memref<1x128xi32, #tpu.memory_space<vmem>> -> memref<128xi32, #tpu.memory_space<vmem>>
    %dma_start3A_582 = arith.constant 0 : i32
    %dma_start3A_583 = arith.constant 0 : i32
    %dma_start3A_584 = tpu.memref_slice %arg2[%dma_start3A_574, %dma_start3A_582, %dma_start3A_583] : memref<26x100000x16xf32, #tpu.memory_space<hbm>> -> memref<1x100000x16xf32, #tpu.memory_space<hbm>>
    %dma_start3A_585 = tpu.memref_squeeze %dma_start3A_584 : memref<1x100000x16xf32, #tpu.memory_space<hbm>> -> memref<100000x16xf32, #tpu.memory_space<hbm>>
    %dma_start3A_586 = arith.constant 0 : i32
    %dma_start3A_587 = arith.constant 0 : i32
    %dma_start3A_588 = tpu.memref_slice %dma_start3A_585[%dma_start3A_586, %dma_start3A_587] : memref<100000x16xf32, #tpu.memory_space<hbm>> -> memref<100000x16xf32, #tpu.memory_space<hbm>>
    tpu.enqueue_indirect_dma source(%dma_start3A_588 : memref<100000x16xf32, #tpu.memory_space<hbm>>) target(%dma_start3A_578 : memref<128x16xf32, #tpu.memory_space<vmem>>) offsets(%dma_start3A_581 : memref<128xi32, #tpu.memory_space<vmem>>) semaphore(%arg14 : memref<!tpu.dma_semaphore, #tpu.memory_space<semaphore_mem>>)
    %dma_start3A_589 = arith.constant 21 : i32
    %dma_start3A_590 = arith.constant 21 : i32
    %dma_start3A_591 = arith.constant 2688 : i32
    %dma_start3A_592 = tpu.memref_slice %arg11[%dma_start3A_591] : memref<3328xf32, #tpu.memory_space<vmem>> -> memref<128xf32, #tpu.memory_space<vmem>>
    %dma_start3A_593 = arith.constant 0 : i32
    %dma_start3A_594 = tpu.memref_slice %arg9[%dma_start3A_590, %dma_start3A_593] : memref<26x128xi32, #tpu.memory_space<vmem>> -> memref<1x128xi32, #tpu.memory_space<vmem>>
    %dma_start3A_595 = tpu.memref_squeeze %dma_start3A_594 : memref<1x128xi32, #tpu.memory_space<vmem>> -> memref<128xi32, #tpu.memory_space<vmem>>
    %dma_start3A_596 = arith.constant 0 : i32
    %dma_start3A_597 = tpu.memref_slice %arg3[%dma_start3A_589, %dma_start3A_596] : memref<26x100000xf32, #tpu.memory_space<hbm>> -> memref<1x100000xf32, #tpu.memory_space<hbm>>
    %dma_start3A_598 = tpu.memref_squeeze %dma_start3A_597 : memref<1x100000xf32, #tpu.memory_space<hbm>> -> memref<100000xf32, #tpu.memory_space<hbm>>
    %dma_start3A_599 = arith.constant 0 : i32
    %dma_start3A_600 = tpu.memref_slice %dma_start3A_598[%dma_start3A_599] : memref<100000xf32, #tpu.memory_space<hbm>> -> memref<100000xf32, #tpu.memory_space<hbm>>
    tpu.enqueue_indirect_dma source(%dma_start3A_600 : memref<100000xf32, #tpu.memory_space<hbm>>) target(%dma_start3A_592 : memref<128xf32, #tpu.memory_space<vmem>>) offsets(%dma_start3A_595 : memref<128xi32, #tpu.memory_space<vmem>>) semaphore(%arg15 : memref<!tpu.dma_semaphore, #tpu.memory_space<semaphore_mem>>)
    %dma_start3A_601 = arith.constant 22 : i32
    %dma_start3A_602 = arith.constant 22 : i32
    %dma_start3A_603 = arith.constant 2816 : i32
    %dma_start3A_604 = arith.constant 0 : i32
    %dma_start3A_605 = tpu.memref_slice %arg10[%dma_start3A_603, %dma_start3A_604] : memref<3328x16xf32, #tpu.memory_space<vmem>> -> memref<128x16xf32, #tpu.memory_space<vmem>>
    %dma_start3A_606 = arith.constant 0 : i32
    %dma_start3A_607 = tpu.memref_slice %arg9[%dma_start3A_602, %dma_start3A_606] : memref<26x128xi32, #tpu.memory_space<vmem>> -> memref<1x128xi32, #tpu.memory_space<vmem>>
    %dma_start3A_608 = tpu.memref_squeeze %dma_start3A_607 : memref<1x128xi32, #tpu.memory_space<vmem>> -> memref<128xi32, #tpu.memory_space<vmem>>
    %dma_start3A_609 = arith.constant 0 : i32
    %dma_start3A_610 = arith.constant 0 : i32
    %dma_start3A_611 = tpu.memref_slice %arg2[%dma_start3A_601, %dma_start3A_609, %dma_start3A_610] : memref<26x100000x16xf32, #tpu.memory_space<hbm>> -> memref<1x100000x16xf32, #tpu.memory_space<hbm>>
    %dma_start3A_612 = tpu.memref_squeeze %dma_start3A_611 : memref<1x100000x16xf32, #tpu.memory_space<hbm>> -> memref<100000x16xf32, #tpu.memory_space<hbm>>
    %dma_start3A_613 = arith.constant 0 : i32
    %dma_start3A_614 = arith.constant 0 : i32
    %dma_start3A_615 = tpu.memref_slice %dma_start3A_612[%dma_start3A_613, %dma_start3A_614] : memref<100000x16xf32, #tpu.memory_space<hbm>> -> memref<100000x16xf32, #tpu.memory_space<hbm>>
    tpu.enqueue_indirect_dma source(%dma_start3A_615 : memref<100000x16xf32, #tpu.memory_space<hbm>>) target(%dma_start3A_605 : memref<128x16xf32, #tpu.memory_space<vmem>>) offsets(%dma_start3A_608 : memref<128xi32, #tpu.memory_space<vmem>>) semaphore(%arg14 : memref<!tpu.dma_semaphore, #tpu.memory_space<semaphore_mem>>)
    %dma_start3A_616 = arith.constant 22 : i32
    %dma_start3A_617 = arith.constant 22 : i32
    %dma_start3A_618 = arith.constant 2816 : i32
    %dma_start3A_619 = tpu.memref_slice %arg11[%dma_start3A_618] : memref<3328xf32, #tpu.memory_space<vmem>> -> memref<128xf32, #tpu.memory_space<vmem>>
    %dma_start3A_620 = arith.constant 0 : i32
    %dma_start3A_621 = tpu.memref_slice %arg9[%dma_start3A_617, %dma_start3A_620] : memref<26x128xi32, #tpu.memory_space<vmem>> -> memref<1x128xi32, #tpu.memory_space<vmem>>
    %dma_start3A_622 = tpu.memref_squeeze %dma_start3A_621 : memref<1x128xi32, #tpu.memory_space<vmem>> -> memref<128xi32, #tpu.memory_space<vmem>>
    %dma_start3A_623 = arith.constant 0 : i32
    %dma_start3A_624 = tpu.memref_slice %arg3[%dma_start3A_616, %dma_start3A_623] : memref<26x100000xf32, #tpu.memory_space<hbm>> -> memref<1x100000xf32, #tpu.memory_space<hbm>>
    %dma_start3A_625 = tpu.memref_squeeze %dma_start3A_624 : memref<1x100000xf32, #tpu.memory_space<hbm>> -> memref<100000xf32, #tpu.memory_space<hbm>>
    %dma_start3A_626 = arith.constant 0 : i32
    %dma_start3A_627 = tpu.memref_slice %dma_start3A_625[%dma_start3A_626] : memref<100000xf32, #tpu.memory_space<hbm>> -> memref<100000xf32, #tpu.memory_space<hbm>>
    tpu.enqueue_indirect_dma source(%dma_start3A_627 : memref<100000xf32, #tpu.memory_space<hbm>>) target(%dma_start3A_619 : memref<128xf32, #tpu.memory_space<vmem>>) offsets(%dma_start3A_622 : memref<128xi32, #tpu.memory_space<vmem>>) semaphore(%arg15 : memref<!tpu.dma_semaphore, #tpu.memory_space<semaphore_mem>>)
    %dma_start3A_628 = arith.constant 23 : i32
    %dma_start3A_629 = arith.constant 23 : i32
    %dma_start3A_630 = arith.constant 2944 : i32
    %dma_start3A_631 = arith.constant 0 : i32
    %dma_start3A_632 = tpu.memref_slice %arg10[%dma_start3A_630, %dma_start3A_631] : memref<3328x16xf32, #tpu.memory_space<vmem>> -> memref<128x16xf32, #tpu.memory_space<vmem>>
    %dma_start3A_633 = arith.constant 0 : i32
    %dma_start3A_634 = tpu.memref_slice %arg9[%dma_start3A_629, %dma_start3A_633] : memref<26x128xi32, #tpu.memory_space<vmem>> -> memref<1x128xi32, #tpu.memory_space<vmem>>
    %dma_start3A_635 = tpu.memref_squeeze %dma_start3A_634 : memref<1x128xi32, #tpu.memory_space<vmem>> -> memref<128xi32, #tpu.memory_space<vmem>>
    %dma_start3A_636 = arith.constant 0 : i32
    %dma_start3A_637 = arith.constant 0 : i32
    %dma_start3A_638 = tpu.memref_slice %arg2[%dma_start3A_628, %dma_start3A_636, %dma_start3A_637] : memref<26x100000x16xf32, #tpu.memory_space<hbm>> -> memref<1x100000x16xf32, #tpu.memory_space<hbm>>
    %dma_start3A_639 = tpu.memref_squeeze %dma_start3A_638 : memref<1x100000x16xf32, #tpu.memory_space<hbm>> -> memref<100000x16xf32, #tpu.memory_space<hbm>>
    %dma_start3A_640 = arith.constant 0 : i32
    %dma_start3A_641 = arith.constant 0 : i32
    %dma_start3A_642 = tpu.memref_slice %dma_start3A_639[%dma_start3A_640, %dma_start3A_641] : memref<100000x16xf32, #tpu.memory_space<hbm>> -> memref<100000x16xf32, #tpu.memory_space<hbm>>
    tpu.enqueue_indirect_dma source(%dma_start3A_642 : memref<100000x16xf32, #tpu.memory_space<hbm>>) target(%dma_start3A_632 : memref<128x16xf32, #tpu.memory_space<vmem>>) offsets(%dma_start3A_635 : memref<128xi32, #tpu.memory_space<vmem>>) semaphore(%arg14 : memref<!tpu.dma_semaphore, #tpu.memory_space<semaphore_mem>>)
    %dma_start3A_643 = arith.constant 23 : i32
    %dma_start3A_644 = arith.constant 23 : i32
    %dma_start3A_645 = arith.constant 2944 : i32
    %dma_start3A_646 = tpu.memref_slice %arg11[%dma_start3A_645] : memref<3328xf32, #tpu.memory_space<vmem>> -> memref<128xf32, #tpu.memory_space<vmem>>
    %dma_start3A_647 = arith.constant 0 : i32
    %dma_start3A_648 = tpu.memref_slice %arg9[%dma_start3A_644, %dma_start3A_647] : memref<26x128xi32, #tpu.memory_space<vmem>> -> memref<1x128xi32, #tpu.memory_space<vmem>>
    %dma_start3A_649 = tpu.memref_squeeze %dma_start3A_648 : memref<1x128xi32, #tpu.memory_space<vmem>> -> memref<128xi32, #tpu.memory_space<vmem>>
    %dma_start3A_650 = arith.constant 0 : i32
    %dma_start3A_651 = tpu.memref_slice %arg3[%dma_start3A_643, %dma_start3A_650] : memref<26x100000xf32, #tpu.memory_space<hbm>> -> memref<1x100000xf32, #tpu.memory_space<hbm>>
    %dma_start3A_652 = tpu.memref_squeeze %dma_start3A_651 : memref<1x100000xf32, #tpu.memory_space<hbm>> -> memref<100000xf32, #tpu.memory_space<hbm>>
    %dma_start3A_653 = arith.constant 0 : i32
    %dma_start3A_654 = tpu.memref_slice %dma_start3A_652[%dma_start3A_653] : memref<100000xf32, #tpu.memory_space<hbm>> -> memref<100000xf32, #tpu.memory_space<hbm>>
    tpu.enqueue_indirect_dma source(%dma_start3A_654 : memref<100000xf32, #tpu.memory_space<hbm>>) target(%dma_start3A_646 : memref<128xf32, #tpu.memory_space<vmem>>) offsets(%dma_start3A_649 : memref<128xi32, #tpu.memory_space<vmem>>) semaphore(%arg15 : memref<!tpu.dma_semaphore, #tpu.memory_space<semaphore_mem>>)
    %dma_start3A_655 = arith.constant 24 : i32
    %dma_start3A_656 = arith.constant 24 : i32
    %dma_start3A_657 = arith.constant 3072 : i32
    %dma_start3A_658 = arith.constant 0 : i32
    %dma_start3A_659 = tpu.memref_slice %arg10[%dma_start3A_657, %dma_start3A_658] : memref<3328x16xf32, #tpu.memory_space<vmem>> -> memref<128x16xf32, #tpu.memory_space<vmem>>
    %dma_start3A_660 = arith.constant 0 : i32
    %dma_start3A_661 = tpu.memref_slice %arg9[%dma_start3A_656, %dma_start3A_660] : memref<26x128xi32, #tpu.memory_space<vmem>> -> memref<1x128xi32, #tpu.memory_space<vmem>>
    %dma_start3A_662 = tpu.memref_squeeze %dma_start3A_661 : memref<1x128xi32, #tpu.memory_space<vmem>> -> memref<128xi32, #tpu.memory_space<vmem>>
    %dma_start3A_663 = arith.constant 0 : i32
    %dma_start3A_664 = arith.constant 0 : i32
    %dma_start3A_665 = tpu.memref_slice %arg2[%dma_start3A_655, %dma_start3A_663, %dma_start3A_664] : memref<26x100000x16xf32, #tpu.memory_space<hbm>> -> memref<1x100000x16xf32, #tpu.memory_space<hbm>>
    %dma_start3A_666 = tpu.memref_squeeze %dma_start3A_665 : memref<1x100000x16xf32, #tpu.memory_space<hbm>> -> memref<100000x16xf32, #tpu.memory_space<hbm>>
    %dma_start3A_667 = arith.constant 0 : i32
    %dma_start3A_668 = arith.constant 0 : i32
    %dma_start3A_669 = tpu.memref_slice %dma_start3A_666[%dma_start3A_667, %dma_start3A_668] : memref<100000x16xf32, #tpu.memory_space<hbm>> -> memref<100000x16xf32, #tpu.memory_space<hbm>>
    tpu.enqueue_indirect_dma source(%dma_start3A_669 : memref<100000x16xf32, #tpu.memory_space<hbm>>) target(%dma_start3A_659 : memref<128x16xf32, #tpu.memory_space<vmem>>) offsets(%dma_start3A_662 : memref<128xi32, #tpu.memory_space<vmem>>) semaphore(%arg14 : memref<!tpu.dma_semaphore, #tpu.memory_space<semaphore_mem>>)
    %dma_start3A_670 = arith.constant 24 : i32
    %dma_start3A_671 = arith.constant 24 : i32
    %dma_start3A_672 = arith.constant 3072 : i32
    %dma_start3A_673 = tpu.memref_slice %arg11[%dma_start3A_672] : memref<3328xf32, #tpu.memory_space<vmem>> -> memref<128xf32, #tpu.memory_space<vmem>>
    %dma_start3A_674 = arith.constant 0 : i32
    %dma_start3A_675 = tpu.memref_slice %arg9[%dma_start3A_671, %dma_start3A_674] : memref<26x128xi32, #tpu.memory_space<vmem>> -> memref<1x128xi32, #tpu.memory_space<vmem>>
    %dma_start3A_676 = tpu.memref_squeeze %dma_start3A_675 : memref<1x128xi32, #tpu.memory_space<vmem>> -> memref<128xi32, #tpu.memory_space<vmem>>
    %dma_start3A_677 = arith.constant 0 : i32
    %dma_start3A_678 = tpu.memref_slice %arg3[%dma_start3A_670, %dma_start3A_677] : memref<26x100000xf32, #tpu.memory_space<hbm>> -> memref<1x100000xf32, #tpu.memory_space<hbm>>
    %dma_start3A_679 = tpu.memref_squeeze %dma_start3A_678 : memref<1x100000xf32, #tpu.memory_space<hbm>> -> memref<100000xf32, #tpu.memory_space<hbm>>
    %dma_start3A_680 = arith.constant 0 : i32
    %dma_start3A_681 = tpu.memref_slice %dma_start3A_679[%dma_start3A_680] : memref<100000xf32, #tpu.memory_space<hbm>> -> memref<100000xf32, #tpu.memory_space<hbm>>
    tpu.enqueue_indirect_dma source(%dma_start3A_681 : memref<100000xf32, #tpu.memory_space<hbm>>) target(%dma_start3A_673 : memref<128xf32, #tpu.memory_space<vmem>>) offsets(%dma_start3A_676 : memref<128xi32, #tpu.memory_space<vmem>>) semaphore(%arg15 : memref<!tpu.dma_semaphore, #tpu.memory_space<semaphore_mem>>)
    %dma_start3A_682 = arith.constant 25 : i32
    %dma_start3A_683 = arith.constant 25 : i32
    %dma_start3A_684 = arith.constant 3200 : i32
    %dma_start3A_685 = arith.constant 0 : i32
    %dma_start3A_686 = tpu.memref_slice %arg10[%dma_start3A_684, %dma_start3A_685] : memref<3328x16xf32, #tpu.memory_space<vmem>> -> memref<128x16xf32, #tpu.memory_space<vmem>>
    %dma_start3A_687 = arith.constant 0 : i32
    %dma_start3A_688 = tpu.memref_slice %arg9[%dma_start3A_683, %dma_start3A_687] : memref<26x128xi32, #tpu.memory_space<vmem>> -> memref<1x128xi32, #tpu.memory_space<vmem>>
    %dma_start3A_689 = tpu.memref_squeeze %dma_start3A_688 : memref<1x128xi32, #tpu.memory_space<vmem>> -> memref<128xi32, #tpu.memory_space<vmem>>
    %dma_start3A_690 = arith.constant 0 : i32
    %dma_start3A_691 = arith.constant 0 : i32
    %dma_start3A_692 = tpu.memref_slice %arg2[%dma_start3A_682, %dma_start3A_690, %dma_start3A_691] : memref<26x100000x16xf32, #tpu.memory_space<hbm>> -> memref<1x100000x16xf32, #tpu.memory_space<hbm>>
    %dma_start3A_693 = tpu.memref_squeeze %dma_start3A_692 : memref<1x100000x16xf32, #tpu.memory_space<hbm>> -> memref<100000x16xf32, #tpu.memory_space<hbm>>
    %dma_start3A_694 = arith.constant 0 : i32
    %dma_start3A_695 = arith.constant 0 : i32
    %dma_start3A_696 = tpu.memref_slice %dma_start3A_693[%dma_start3A_694, %dma_start3A_695] : memref<100000x16xf32, #tpu.memory_space<hbm>> -> memref<100000x16xf32, #tpu.memory_space<hbm>>
    tpu.enqueue_indirect_dma source(%dma_start3A_696 : memref<100000x16xf32, #tpu.memory_space<hbm>>) target(%dma_start3A_686 : memref<128x16xf32, #tpu.memory_space<vmem>>) offsets(%dma_start3A_689 : memref<128xi32, #tpu.memory_space<vmem>>) semaphore(%arg14 : memref<!tpu.dma_semaphore, #tpu.memory_space<semaphore_mem>>)
    %dma_start3A_697 = arith.constant 25 : i32
    %dma_start3A_698 = arith.constant 25 : i32
    %dma_start3A_699 = arith.constant 3200 : i32
    %dma_start3A_700 = tpu.memref_slice %arg11[%dma_start3A_699] : memref<3328xf32, #tpu.memory_space<vmem>> -> memref<128xf32, #tpu.memory_space<vmem>>
    %dma_start3A_701 = arith.constant 0 : i32
    %dma_start3A_702 = tpu.memref_slice %arg9[%dma_start3A_698, %dma_start3A_701] : memref<26x128xi32, #tpu.memory_space<vmem>> -> memref<1x128xi32, #tpu.memory_space<vmem>>
    %dma_start3A_703 = tpu.memref_squeeze %dma_start3A_702 : memref<1x128xi32, #tpu.memory_space<vmem>> -> memref<128xi32, #tpu.memory_space<vmem>>
    %dma_start3A_704 = arith.constant 0 : i32
    %dma_start3A_705 = tpu.memref_slice %arg3[%dma_start3A_697, %dma_start3A_704] : memref<26x100000xf32, #tpu.memory_space<hbm>> -> memref<1x100000xf32, #tpu.memory_space<hbm>>
    %dma_start3A_706 = tpu.memref_squeeze %dma_start3A_705 : memref<1x100000xf32, #tpu.memory_space<hbm>> -> memref<100000xf32, #tpu.memory_space<hbm>>
    %dma_start3A_707 = arith.constant 0 : i32
    %dma_start3A_708 = tpu.memref_slice %dma_start3A_706[%dma_start3A_707] : memref<100000xf32, #tpu.memory_space<hbm>> -> memref<100000xf32, #tpu.memory_space<hbm>>
    tpu.enqueue_indirect_dma source(%dma_start3A_708 : memref<100000xf32, #tpu.memory_space<hbm>>) target(%dma_start3A_700 : memref<128xf32, #tpu.memory_space<vmem>>) offsets(%dma_start3A_703 : memref<128xi32, #tpu.memory_space<vmem>>) semaphore(%arg15 : memref<!tpu.dma_semaphore, #tpu.memory_space<semaphore_mem>>)
    %dma_wait3A = arith.constant 0 : i32
    %dma_wait3A_709 = arith.constant 0 : i32
    %dma_wait3A_710 = arith.constant 0 : i32
    %dma_wait3A_711 = arith.constant 0 : i32
    %dma_wait3A_712 = tpu.memref_slice %arg10[%dma_wait3A_710, %dma_wait3A_711] : memref<3328x16xf32, #tpu.memory_space<vmem>> -> memref<128x16xf32, #tpu.memory_space<vmem>>
    %dma_wait3A_713 = arith.constant 0 : i32
    %dma_wait3A_714 = tpu.memref_slice %arg9[%dma_wait3A_709, %dma_wait3A_713] : memref<26x128xi32, #tpu.memory_space<vmem>> -> memref<1x128xi32, #tpu.memory_space<vmem>>
    %dma_wait3A_715 = tpu.memref_squeeze %dma_wait3A_714 : memref<1x128xi32, #tpu.memory_space<vmem>> -> memref<128xi32, #tpu.memory_space<vmem>>
    %dma_wait3A_716 = arith.constant 0 : i32
    %dma_wait3A_717 = arith.constant 0 : i32
    %dma_wait3A_718 = tpu.memref_slice %arg2[%dma_wait3A, %dma_wait3A_716, %dma_wait3A_717] : memref<26x100000x16xf32, #tpu.memory_space<hbm>> -> memref<1x100000x16xf32, #tpu.memory_space<hbm>>
    %dma_wait3A_719 = tpu.memref_squeeze %dma_wait3A_718 : memref<1x100000x16xf32, #tpu.memory_space<hbm>> -> memref<100000x16xf32, #tpu.memory_space<hbm>>
    %dma_wait3A_720 = arith.constant 0 : i32
    %dma_wait3A_721 = arith.constant 0 : i32
    %dma_wait3A_722 = tpu.memref_slice %dma_wait3A_719[%dma_wait3A_720, %dma_wait3A_721] : memref<100000x16xf32, #tpu.memory_space<hbm>> -> memref<100000x16xf32, #tpu.memory_space<hbm>>
    tpu.wait_indirect_dma semaphore(%arg14 : memref<!tpu.dma_semaphore, #tpu.memory_space<semaphore_mem>>) src(%dma_wait3A_722 : memref<100000x16xf32, #tpu.memory_space<hbm>>) dst(%dma_wait3A_712 : memref<128x16xf32, #tpu.memory_space<vmem>>)
    %dma_wait3A_723 = arith.constant 1 : i32
    %dma_wait3A_724 = arith.constant 1 : i32
    %dma_wait3A_725 = arith.constant 128 : i32
    %dma_wait3A_726 = arith.constant 0 : i32
    %dma_wait3A_727 = tpu.memref_slice %arg10[%dma_wait3A_725, %dma_wait3A_726] : memref<3328x16xf32, #tpu.memory_space<vmem>> -> memref<128x16xf32, #tpu.memory_space<vmem>>
    %dma_wait3A_728 = arith.constant 0 : i32
    %dma_wait3A_729 = tpu.memref_slice %arg9[%dma_wait3A_724, %dma_wait3A_728] : memref<26x128xi32, #tpu.memory_space<vmem>> -> memref<1x128xi32, #tpu.memory_space<vmem>>
    %dma_wait3A_730 = tpu.memref_squeeze %dma_wait3A_729 : memref<1x128xi32, #tpu.memory_space<vmem>> -> memref<128xi32, #tpu.memory_space<vmem>>
    %dma_wait3A_731 = arith.constant 0 : i32
    %dma_wait3A_732 = arith.constant 0 : i32
    %dma_wait3A_733 = tpu.memref_slice %arg2[%dma_wait3A_723, %dma_wait3A_731, %dma_wait3A_732] : memref<26x100000x16xf32, #tpu.memory_space<hbm>> -> memref<1x100000x16xf32, #tpu.memory_space<hbm>>
    %dma_wait3A_734 = tpu.memref_squeeze %dma_wait3A_733 : memref<1x100000x16xf32, #tpu.memory_space<hbm>> -> memref<100000x16xf32, #tpu.memory_space<hbm>>
    %dma_wait3A_735 = arith.constant 0 : i32
    %dma_wait3A_736 = arith.constant 0 : i32
    %dma_wait3A_737 = tpu.memref_slice %dma_wait3A_734[%dma_wait3A_735, %dma_wait3A_736] : memref<100000x16xf32, #tpu.memory_space<hbm>> -> memref<100000x16xf32, #tpu.memory_space<hbm>>
    tpu.wait_indirect_dma semaphore(%arg14 : memref<!tpu.dma_semaphore, #tpu.memory_space<semaphore_mem>>) src(%dma_wait3A_737 : memref<100000x16xf32, #tpu.memory_space<hbm>>) dst(%dma_wait3A_727 : memref<128x16xf32, #tpu.memory_space<vmem>>)
    %dma_wait3A_738 = arith.constant 2 : i32
    %dma_wait3A_739 = arith.constant 2 : i32
    %dma_wait3A_740 = arith.constant 256 : i32
    %dma_wait3A_741 = arith.constant 0 : i32
    %dma_wait3A_742 = tpu.memref_slice %arg10[%dma_wait3A_740, %dma_wait3A_741] : memref<3328x16xf32, #tpu.memory_space<vmem>> -> memref<128x16xf32, #tpu.memory_space<vmem>>
    %dma_wait3A_743 = arith.constant 0 : i32
    %dma_wait3A_744 = tpu.memref_slice %arg9[%dma_wait3A_739, %dma_wait3A_743] : memref<26x128xi32, #tpu.memory_space<vmem>> -> memref<1x128xi32, #tpu.memory_space<vmem>>
    %dma_wait3A_745 = tpu.memref_squeeze %dma_wait3A_744 : memref<1x128xi32, #tpu.memory_space<vmem>> -> memref<128xi32, #tpu.memory_space<vmem>>
    %dma_wait3A_746 = arith.constant 0 : i32
    %dma_wait3A_747 = arith.constant 0 : i32
    %dma_wait3A_748 = tpu.memref_slice %arg2[%dma_wait3A_738, %dma_wait3A_746, %dma_wait3A_747] : memref<26x100000x16xf32, #tpu.memory_space<hbm>> -> memref<1x100000x16xf32, #tpu.memory_space<hbm>>
    %dma_wait3A_749 = tpu.memref_squeeze %dma_wait3A_748 : memref<1x100000x16xf32, #tpu.memory_space<hbm>> -> memref<100000x16xf32, #tpu.memory_space<hbm>>
    %dma_wait3A_750 = arith.constant 0 : i32
    %dma_wait3A_751 = arith.constant 0 : i32
    %dma_wait3A_752 = tpu.memref_slice %dma_wait3A_749[%dma_wait3A_750, %dma_wait3A_751] : memref<100000x16xf32, #tpu.memory_space<hbm>> -> memref<100000x16xf32, #tpu.memory_space<hbm>>
    tpu.wait_indirect_dma semaphore(%arg14 : memref<!tpu.dma_semaphore, #tpu.memory_space<semaphore_mem>>) src(%dma_wait3A_752 : memref<100000x16xf32, #tpu.memory_space<hbm>>) dst(%dma_wait3A_742 : memref<128x16xf32, #tpu.memory_space<vmem>>)
    %dma_wait3A_753 = arith.constant 3 : i32
    %dma_wait3A_754 = arith.constant 3 : i32
    %dma_wait3A_755 = arith.constant 384 : i32
    %dma_wait3A_756 = arith.constant 0 : i32
    %dma_wait3A_757 = tpu.memref_slice %arg10[%dma_wait3A_755, %dma_wait3A_756] : memref<3328x16xf32, #tpu.memory_space<vmem>> -> memref<128x16xf32, #tpu.memory_space<vmem>>
    %dma_wait3A_758 = arith.constant 0 : i32
    %dma_wait3A_759 = tpu.memref_slice %arg9[%dma_wait3A_754, %dma_wait3A_758] : memref<26x128xi32, #tpu.memory_space<vmem>> -> memref<1x128xi32, #tpu.memory_space<vmem>>
    %dma_wait3A_760 = tpu.memref_squeeze %dma_wait3A_759 : memref<1x128xi32, #tpu.memory_space<vmem>> -> memref<128xi32, #tpu.memory_space<vmem>>
    %dma_wait3A_761 = arith.constant 0 : i32
    %dma_wait3A_762 = arith.constant 0 : i32
    %dma_wait3A_763 = tpu.memref_slice %arg2[%dma_wait3A_753, %dma_wait3A_761, %dma_wait3A_762] : memref<26x100000x16xf32, #tpu.memory_space<hbm>> -> memref<1x100000x16xf32, #tpu.memory_space<hbm>>
    %dma_wait3A_764 = tpu.memref_squeeze %dma_wait3A_763 : memref<1x100000x16xf32, #tpu.memory_space<hbm>> -> memref<100000x16xf32, #tpu.memory_space<hbm>>
    %dma_wait3A_765 = arith.constant 0 : i32
    %dma_wait3A_766 = arith.constant 0 : i32
    %dma_wait3A_767 = tpu.memref_slice %dma_wait3A_764[%dma_wait3A_765, %dma_wait3A_766] : memref<100000x16xf32, #tpu.memory_space<hbm>> -> memref<100000x16xf32, #tpu.memory_space<hbm>>
    tpu.wait_indirect_dma semaphore(%arg14 : memref<!tpu.dma_semaphore, #tpu.memory_space<semaphore_mem>>) src(%dma_wait3A_767 : memref<100000x16xf32, #tpu.memory_space<hbm>>) dst(%dma_wait3A_757 : memref<128x16xf32, #tpu.memory_space<vmem>>)
    %dma_wait3A_768 = arith.constant 4 : i32
    %dma_wait3A_769 = arith.constant 4 : i32
    %dma_wait3A_770 = arith.constant 512 : i32
    %dma_wait3A_771 = arith.constant 0 : i32
    %dma_wait3A_772 = tpu.memref_slice %arg10[%dma_wait3A_770, %dma_wait3A_771] : memref<3328x16xf32, #tpu.memory_space<vmem>> -> memref<128x16xf32, #tpu.memory_space<vmem>>
    %dma_wait3A_773 = arith.constant 0 : i32
    %dma_wait3A_774 = tpu.memref_slice %arg9[%dma_wait3A_769, %dma_wait3A_773] : memref<26x128xi32, #tpu.memory_space<vmem>> -> memref<1x128xi32, #tpu.memory_space<vmem>>
    %dma_wait3A_775 = tpu.memref_squeeze %dma_wait3A_774 : memref<1x128xi32, #tpu.memory_space<vmem>> -> memref<128xi32, #tpu.memory_space<vmem>>
    %dma_wait3A_776 = arith.constant 0 : i32
    %dma_wait3A_777 = arith.constant 0 : i32
    %dma_wait3A_778 = tpu.memref_slice %arg2[%dma_wait3A_768, %dma_wait3A_776, %dma_wait3A_777] : memref<26x100000x16xf32, #tpu.memory_space<hbm>> -> memref<1x100000x16xf32, #tpu.memory_space<hbm>>
    %dma_wait3A_779 = tpu.memref_squeeze %dma_wait3A_778 : memref<1x100000x16xf32, #tpu.memory_space<hbm>> -> memref<100000x16xf32, #tpu.memory_space<hbm>>
    %dma_wait3A_780 = arith.constant 0 : i32
    %dma_wait3A_781 = arith.constant 0 : i32
    %dma_wait3A_782 = tpu.memref_slice %dma_wait3A_779[%dma_wait3A_780, %dma_wait3A_781] : memref<100000x16xf32, #tpu.memory_space<hbm>> -> memref<100000x16xf32, #tpu.memory_space<hbm>>
    tpu.wait_indirect_dma semaphore(%arg14 : memref<!tpu.dma_semaphore, #tpu.memory_space<semaphore_mem>>) src(%dma_wait3A_782 : memref<100000x16xf32, #tpu.memory_space<hbm>>) dst(%dma_wait3A_772 : memref<128x16xf32, #tpu.memory_space<vmem>>)
    %dma_wait3A_783 = arith.constant 5 : i32
    %dma_wait3A_784 = arith.constant 5 : i32
    %dma_wait3A_785 = arith.constant 640 : i32
    %dma_wait3A_786 = arith.constant 0 : i32
    %dma_wait3A_787 = tpu.memref_slice %arg10[%dma_wait3A_785, %dma_wait3A_786] : memref<3328x16xf32, #tpu.memory_space<vmem>> -> memref<128x16xf32, #tpu.memory_space<vmem>>
    %dma_wait3A_788 = arith.constant 0 : i32
    %dma_wait3A_789 = tpu.memref_slice %arg9[%dma_wait3A_784, %dma_wait3A_788] : memref<26x128xi32, #tpu.memory_space<vmem>> -> memref<1x128xi32, #tpu.memory_space<vmem>>
    %dma_wait3A_790 = tpu.memref_squeeze %dma_wait3A_789 : memref<1x128xi32, #tpu.memory_space<vmem>> -> memref<128xi32, #tpu.memory_space<vmem>>
    %dma_wait3A_791 = arith.constant 0 : i32
    %dma_wait3A_792 = arith.constant 0 : i32
    %dma_wait3A_793 = tpu.memref_slice %arg2[%dma_wait3A_783, %dma_wait3A_791, %dma_wait3A_792] : memref<26x100000x16xf32, #tpu.memory_space<hbm>> -> memref<1x100000x16xf32, #tpu.memory_space<hbm>>
    %dma_wait3A_794 = tpu.memref_squeeze %dma_wait3A_793 : memref<1x100000x16xf32, #tpu.memory_space<hbm>> -> memref<100000x16xf32, #tpu.memory_space<hbm>>
    %dma_wait3A_795 = arith.constant 0 : i32
    %dma_wait3A_796 = arith.constant 0 : i32
    %dma_wait3A_797 = tpu.memref_slice %dma_wait3A_794[%dma_wait3A_795, %dma_wait3A_796] : memref<100000x16xf32, #tpu.memory_space<hbm>> -> memref<100000x16xf32, #tpu.memory_space<hbm>>
    tpu.wait_indirect_dma semaphore(%arg14 : memref<!tpu.dma_semaphore, #tpu.memory_space<semaphore_mem>>) src(%dma_wait3A_797 : memref<100000x16xf32, #tpu.memory_space<hbm>>) dst(%dma_wait3A_787 : memref<128x16xf32, #tpu.memory_space<vmem>>)
    %dma_wait3A_798 = arith.constant 6 : i32
    %dma_wait3A_799 = arith.constant 6 : i32
    %dma_wait3A_800 = arith.constant 768 : i32
    %dma_wait3A_801 = arith.constant 0 : i32
    %dma_wait3A_802 = tpu.memref_slice %arg10[%dma_wait3A_800, %dma_wait3A_801] : memref<3328x16xf32, #tpu.memory_space<vmem>> -> memref<128x16xf32, #tpu.memory_space<vmem>>
    %dma_wait3A_803 = arith.constant 0 : i32
    %dma_wait3A_804 = tpu.memref_slice %arg9[%dma_wait3A_799, %dma_wait3A_803] : memref<26x128xi32, #tpu.memory_space<vmem>> -> memref<1x128xi32, #tpu.memory_space<vmem>>
    %dma_wait3A_805 = tpu.memref_squeeze %dma_wait3A_804 : memref<1x128xi32, #tpu.memory_space<vmem>> -> memref<128xi32, #tpu.memory_space<vmem>>
    %dma_wait3A_806 = arith.constant 0 : i32
    %dma_wait3A_807 = arith.constant 0 : i32
    %dma_wait3A_808 = tpu.memref_slice %arg2[%dma_wait3A_798, %dma_wait3A_806, %dma_wait3A_807] : memref<26x100000x16xf32, #tpu.memory_space<hbm>> -> memref<1x100000x16xf32, #tpu.memory_space<hbm>>
    %dma_wait3A_809 = tpu.memref_squeeze %dma_wait3A_808 : memref<1x100000x16xf32, #tpu.memory_space<hbm>> -> memref<100000x16xf32, #tpu.memory_space<hbm>>
    %dma_wait3A_810 = arith.constant 0 : i32
    %dma_wait3A_811 = arith.constant 0 : i32
    %dma_wait3A_812 = tpu.memref_slice %dma_wait3A_809[%dma_wait3A_810, %dma_wait3A_811] : memref<100000x16xf32, #tpu.memory_space<hbm>> -> memref<100000x16xf32, #tpu.memory_space<hbm>>
    tpu.wait_indirect_dma semaphore(%arg14 : memref<!tpu.dma_semaphore, #tpu.memory_space<semaphore_mem>>) src(%dma_wait3A_812 : memref<100000x16xf32, #tpu.memory_space<hbm>>) dst(%dma_wait3A_802 : memref<128x16xf32, #tpu.memory_space<vmem>>)
    %dma_wait3A_813 = arith.constant 7 : i32
    %dma_wait3A_814 = arith.constant 7 : i32
    %dma_wait3A_815 = arith.constant 896 : i32
    %dma_wait3A_816 = arith.constant 0 : i32
    %dma_wait3A_817 = tpu.memref_slice %arg10[%dma_wait3A_815, %dma_wait3A_816] : memref<3328x16xf32, #tpu.memory_space<vmem>> -> memref<128x16xf32, #tpu.memory_space<vmem>>
    %dma_wait3A_818 = arith.constant 0 : i32
    %dma_wait3A_819 = tpu.memref_slice %arg9[%dma_wait3A_814, %dma_wait3A_818] : memref<26x128xi32, #tpu.memory_space<vmem>> -> memref<1x128xi32, #tpu.memory_space<vmem>>
    %dma_wait3A_820 = tpu.memref_squeeze %dma_wait3A_819 : memref<1x128xi32, #tpu.memory_space<vmem>> -> memref<128xi32, #tpu.memory_space<vmem>>
    %dma_wait3A_821 = arith.constant 0 : i32
    %dma_wait3A_822 = arith.constant 0 : i32
    %dma_wait3A_823 = tpu.memref_slice %arg2[%dma_wait3A_813, %dma_wait3A_821, %dma_wait3A_822] : memref<26x100000x16xf32, #tpu.memory_space<hbm>> -> memref<1x100000x16xf32, #tpu.memory_space<hbm>>
    %dma_wait3A_824 = tpu.memref_squeeze %dma_wait3A_823 : memref<1x100000x16xf32, #tpu.memory_space<hbm>> -> memref<100000x16xf32, #tpu.memory_space<hbm>>
    %dma_wait3A_825 = arith.constant 0 : i32
    %dma_wait3A_826 = arith.constant 0 : i32
    %dma_wait3A_827 = tpu.memref_slice %dma_wait3A_824[%dma_wait3A_825, %dma_wait3A_826] : memref<100000x16xf32, #tpu.memory_space<hbm>> -> memref<100000x16xf32, #tpu.memory_space<hbm>>
    tpu.wait_indirect_dma semaphore(%arg14 : memref<!tpu.dma_semaphore, #tpu.memory_space<semaphore_mem>>) src(%dma_wait3A_827 : memref<100000x16xf32, #tpu.memory_space<hbm>>) dst(%dma_wait3A_817 : memref<128x16xf32, #tpu.memory_space<vmem>>)
    %dma_wait3A_828 = arith.constant 8 : i32
    %dma_wait3A_829 = arith.constant 8 : i32
    %dma_wait3A_830 = arith.constant 1024 : i32
    %dma_wait3A_831 = arith.constant 0 : i32
    %dma_wait3A_832 = tpu.memref_slice %arg10[%dma_wait3A_830, %dma_wait3A_831] : memref<3328x16xf32, #tpu.memory_space<vmem>> -> memref<128x16xf32, #tpu.memory_space<vmem>>
    %dma_wait3A_833 = arith.constant 0 : i32
    %dma_wait3A_834 = tpu.memref_slice %arg9[%dma_wait3A_829, %dma_wait3A_833] : memref<26x128xi32, #tpu.memory_space<vmem>> -> memref<1x128xi32, #tpu.memory_space<vmem>>
    %dma_wait3A_835 = tpu.memref_squeeze %dma_wait3A_834 : memref<1x128xi32, #tpu.memory_space<vmem>> -> memref<128xi32, #tpu.memory_space<vmem>>
    %dma_wait3A_836 = arith.constant 0 : i32
    %dma_wait3A_837 = arith.constant 0 : i32
    %dma_wait3A_838 = tpu.memref_slice %arg2[%dma_wait3A_828, %dma_wait3A_836, %dma_wait3A_837] : memref<26x100000x16xf32, #tpu.memory_space<hbm>> -> memref<1x100000x16xf32, #tpu.memory_space<hbm>>
    %dma_wait3A_839 = tpu.memref_squeeze %dma_wait3A_838 : memref<1x100000x16xf32, #tpu.memory_space<hbm>> -> memref<100000x16xf32, #tpu.memory_space<hbm>>
    %dma_wait3A_840 = arith.constant 0 : i32
    %dma_wait3A_841 = arith.constant 0 : i32
    %dma_wait3A_842 = tpu.memref_slice %dma_wait3A_839[%dma_wait3A_840, %dma_wait3A_841] : memref<100000x16xf32, #tpu.memory_space<hbm>> -> memref<100000x16xf32, #tpu.memory_space<hbm>>
    tpu.wait_indirect_dma semaphore(%arg14 : memref<!tpu.dma_semaphore, #tpu.memory_space<semaphore_mem>>) src(%dma_wait3A_842 : memref<100000x16xf32, #tpu.memory_space<hbm>>) dst(%dma_wait3A_832 : memref<128x16xf32, #tpu.memory_space<vmem>>)
    %dma_wait3A_843 = arith.constant 9 : i32
    %dma_wait3A_844 = arith.constant 9 : i32
    %dma_wait3A_845 = arith.constant 1152 : i32
    %dma_wait3A_846 = arith.constant 0 : i32
    %dma_wait3A_847 = tpu.memref_slice %arg10[%dma_wait3A_845, %dma_wait3A_846] : memref<3328x16xf32, #tpu.memory_space<vmem>> -> memref<128x16xf32, #tpu.memory_space<vmem>>
    %dma_wait3A_848 = arith.constant 0 : i32
    %dma_wait3A_849 = tpu.memref_slice %arg9[%dma_wait3A_844, %dma_wait3A_848] : memref<26x128xi32, #tpu.memory_space<vmem>> -> memref<1x128xi32, #tpu.memory_space<vmem>>
    %dma_wait3A_850 = tpu.memref_squeeze %dma_wait3A_849 : memref<1x128xi32, #tpu.memory_space<vmem>> -> memref<128xi32, #tpu.memory_space<vmem>>
    %dma_wait3A_851 = arith.constant 0 : i32
    %dma_wait3A_852 = arith.constant 0 : i32
    %dma_wait3A_853 = tpu.memref_slice %arg2[%dma_wait3A_843, %dma_wait3A_851, %dma_wait3A_852] : memref<26x100000x16xf32, #tpu.memory_space<hbm>> -> memref<1x100000x16xf32, #tpu.memory_space<hbm>>
    %dma_wait3A_854 = tpu.memref_squeeze %dma_wait3A_853 : memref<1x100000x16xf32, #tpu.memory_space<hbm>> -> memref<100000x16xf32, #tpu.memory_space<hbm>>
    %dma_wait3A_855 = arith.constant 0 : i32
    %dma_wait3A_856 = arith.constant 0 : i32
    %dma_wait3A_857 = tpu.memref_slice %dma_wait3A_854[%dma_wait3A_855, %dma_wait3A_856] : memref<100000x16xf32, #tpu.memory_space<hbm>> -> memref<100000x16xf32, #tpu.memory_space<hbm>>
    tpu.wait_indirect_dma semaphore(%arg14 : memref<!tpu.dma_semaphore, #tpu.memory_space<semaphore_mem>>) src(%dma_wait3A_857 : memref<100000x16xf32, #tpu.memory_space<hbm>>) dst(%dma_wait3A_847 : memref<128x16xf32, #tpu.memory_space<vmem>>)
    %dma_wait3A_858 = arith.constant 10 : i32
    %dma_wait3A_859 = arith.constant 10 : i32
    %dma_wait3A_860 = arith.constant 1280 : i32
    %dma_wait3A_861 = arith.constant 0 : i32
    %dma_wait3A_862 = tpu.memref_slice %arg10[%dma_wait3A_860, %dma_wait3A_861] : memref<3328x16xf32, #tpu.memory_space<vmem>> -> memref<128x16xf32, #tpu.memory_space<vmem>>
    %dma_wait3A_863 = arith.constant 0 : i32
    %dma_wait3A_864 = tpu.memref_slice %arg9[%dma_wait3A_859, %dma_wait3A_863] : memref<26x128xi32, #tpu.memory_space<vmem>> -> memref<1x128xi32, #tpu.memory_space<vmem>>
    %dma_wait3A_865 = tpu.memref_squeeze %dma_wait3A_864 : memref<1x128xi32, #tpu.memory_space<vmem>> -> memref<128xi32, #tpu.memory_space<vmem>>
    %dma_wait3A_866 = arith.constant 0 : i32
    %dma_wait3A_867 = arith.constant 0 : i32
    %dma_wait3A_868 = tpu.memref_slice %arg2[%dma_wait3A_858, %dma_wait3A_866, %dma_wait3A_867] : memref<26x100000x16xf32, #tpu.memory_space<hbm>> -> memref<1x100000x16xf32, #tpu.memory_space<hbm>>
    %dma_wait3A_869 = tpu.memref_squeeze %dma_wait3A_868 : memref<1x100000x16xf32, #tpu.memory_space<hbm>> -> memref<100000x16xf32, #tpu.memory_space<hbm>>
    %dma_wait3A_870 = arith.constant 0 : i32
    %dma_wait3A_871 = arith.constant 0 : i32
    %dma_wait3A_872 = tpu.memref_slice %dma_wait3A_869[%dma_wait3A_870, %dma_wait3A_871] : memref<100000x16xf32, #tpu.memory_space<hbm>> -> memref<100000x16xf32, #tpu.memory_space<hbm>>
    tpu.wait_indirect_dma semaphore(%arg14 : memref<!tpu.dma_semaphore, #tpu.memory_space<semaphore_mem>>) src(%dma_wait3A_872 : memref<100000x16xf32, #tpu.memory_space<hbm>>) dst(%dma_wait3A_862 : memref<128x16xf32, #tpu.memory_space<vmem>>)
    %dma_wait3A_873 = arith.constant 11 : i32
    %dma_wait3A_874 = arith.constant 11 : i32
    %dma_wait3A_875 = arith.constant 1408 : i32
    %dma_wait3A_876 = arith.constant 0 : i32
    %dma_wait3A_877 = tpu.memref_slice %arg10[%dma_wait3A_875, %dma_wait3A_876] : memref<3328x16xf32, #tpu.memory_space<vmem>> -> memref<128x16xf32, #tpu.memory_space<vmem>>
    %dma_wait3A_878 = arith.constant 0 : i32
    %dma_wait3A_879 = tpu.memref_slice %arg9[%dma_wait3A_874, %dma_wait3A_878] : memref<26x128xi32, #tpu.memory_space<vmem>> -> memref<1x128xi32, #tpu.memory_space<vmem>>
    %dma_wait3A_880 = tpu.memref_squeeze %dma_wait3A_879 : memref<1x128xi32, #tpu.memory_space<vmem>> -> memref<128xi32, #tpu.memory_space<vmem>>
    %dma_wait3A_881 = arith.constant 0 : i32
    %dma_wait3A_882 = arith.constant 0 : i32
    %dma_wait3A_883 = tpu.memref_slice %arg2[%dma_wait3A_873, %dma_wait3A_881, %dma_wait3A_882] : memref<26x100000x16xf32, #tpu.memory_space<hbm>> -> memref<1x100000x16xf32, #tpu.memory_space<hbm>>
    %dma_wait3A_884 = tpu.memref_squeeze %dma_wait3A_883 : memref<1x100000x16xf32, #tpu.memory_space<hbm>> -> memref<100000x16xf32, #tpu.memory_space<hbm>>
    %dma_wait3A_885 = arith.constant 0 : i32
    %dma_wait3A_886 = arith.constant 0 : i32
    %dma_wait3A_887 = tpu.memref_slice %dma_wait3A_884[%dma_wait3A_885, %dma_wait3A_886] : memref<100000x16xf32, #tpu.memory_space<hbm>> -> memref<100000x16xf32, #tpu.memory_space<hbm>>
    tpu.wait_indirect_dma semaphore(%arg14 : memref<!tpu.dma_semaphore, #tpu.memory_space<semaphore_mem>>) src(%dma_wait3A_887 : memref<100000x16xf32, #tpu.memory_space<hbm>>) dst(%dma_wait3A_877 : memref<128x16xf32, #tpu.memory_space<vmem>>)
    %dma_wait3A_888 = arith.constant 12 : i32
    %dma_wait3A_889 = arith.constant 12 : i32
    %dma_wait3A_890 = arith.constant 1536 : i32
    %dma_wait3A_891 = arith.constant 0 : i32
    %dma_wait3A_892 = tpu.memref_slice %arg10[%dma_wait3A_890, %dma_wait3A_891] : memref<3328x16xf32, #tpu.memory_space<vmem>> -> memref<128x16xf32, #tpu.memory_space<vmem>>
    %dma_wait3A_893 = arith.constant 0 : i32
    %dma_wait3A_894 = tpu.memref_slice %arg9[%dma_wait3A_889, %dma_wait3A_893] : memref<26x128xi32, #tpu.memory_space<vmem>> -> memref<1x128xi32, #tpu.memory_space<vmem>>
    %dma_wait3A_895 = tpu.memref_squeeze %dma_wait3A_894 : memref<1x128xi32, #tpu.memory_space<vmem>> -> memref<128xi32, #tpu.memory_space<vmem>>
    %dma_wait3A_896 = arith.constant 0 : i32
    %dma_wait3A_897 = arith.constant 0 : i32
    %dma_wait3A_898 = tpu.memref_slice %arg2[%dma_wait3A_888, %dma_wait3A_896, %dma_wait3A_897] : memref<26x100000x16xf32, #tpu.memory_space<hbm>> -> memref<1x100000x16xf32, #tpu.memory_space<hbm>>
    %dma_wait3A_899 = tpu.memref_squeeze %dma_wait3A_898 : memref<1x100000x16xf32, #tpu.memory_space<hbm>> -> memref<100000x16xf32, #tpu.memory_space<hbm>>
    %dma_wait3A_900 = arith.constant 0 : i32
    %dma_wait3A_901 = arith.constant 0 : i32
    %dma_wait3A_902 = tpu.memref_slice %dma_wait3A_899[%dma_wait3A_900, %dma_wait3A_901] : memref<100000x16xf32, #tpu.memory_space<hbm>> -> memref<100000x16xf32, #tpu.memory_space<hbm>>
    tpu.wait_indirect_dma semaphore(%arg14 : memref<!tpu.dma_semaphore, #tpu.memory_space<semaphore_mem>>) src(%dma_wait3A_902 : memref<100000x16xf32, #tpu.memory_space<hbm>>) dst(%dma_wait3A_892 : memref<128x16xf32, #tpu.memory_space<vmem>>)
    %dma_wait3A_903 = arith.constant 13 : i32
    %dma_wait3A_904 = arith.constant 13 : i32
    %dma_wait3A_905 = arith.constant 1664 : i32
    %dma_wait3A_906 = arith.constant 0 : i32
    %dma_wait3A_907 = tpu.memref_slice %arg10[%dma_wait3A_905, %dma_wait3A_906] : memref<3328x16xf32, #tpu.memory_space<vmem>> -> memref<128x16xf32, #tpu.memory_space<vmem>>
    %dma_wait3A_908 = arith.constant 0 : i32
    %dma_wait3A_909 = tpu.memref_slice %arg9[%dma_wait3A_904, %dma_wait3A_908] : memref<26x128xi32, #tpu.memory_space<vmem>> -> memref<1x128xi32, #tpu.memory_space<vmem>>
    %dma_wait3A_910 = tpu.memref_squeeze %dma_wait3A_909 : memref<1x128xi32, #tpu.memory_space<vmem>> -> memref<128xi32, #tpu.memory_space<vmem>>
    %dma_wait3A_911 = arith.constant 0 : i32
    %dma_wait3A_912 = arith.constant 0 : i32
    %dma_wait3A_913 = tpu.memref_slice %arg2[%dma_wait3A_903, %dma_wait3A_911, %dma_wait3A_912] : memref<26x100000x16xf32, #tpu.memory_space<hbm>> -> memref<1x100000x16xf32, #tpu.memory_space<hbm>>
    %dma_wait3A_914 = tpu.memref_squeeze %dma_wait3A_913 : memref<1x100000x16xf32, #tpu.memory_space<hbm>> -> memref<100000x16xf32, #tpu.memory_space<hbm>>
    %dma_wait3A_915 = arith.constant 0 : i32
    %dma_wait3A_916 = arith.constant 0 : i32
    %dma_wait3A_917 = tpu.memref_slice %dma_wait3A_914[%dma_wait3A_915, %dma_wait3A_916] : memref<100000x16xf32, #tpu.memory_space<hbm>> -> memref<100000x16xf32, #tpu.memory_space<hbm>>
    tpu.wait_indirect_dma semaphore(%arg14 : memref<!tpu.dma_semaphore, #tpu.memory_space<semaphore_mem>>) src(%dma_wait3A_917 : memref<100000x16xf32, #tpu.memory_space<hbm>>) dst(%dma_wait3A_907 : memref<128x16xf32, #tpu.memory_space<vmem>>)
    %dma_wait3A_918 = arith.constant 14 : i32
    %dma_wait3A_919 = arith.constant 14 : i32
    %dma_wait3A_920 = arith.constant 1792 : i32
    %dma_wait3A_921 = arith.constant 0 : i32
    %dma_wait3A_922 = tpu.memref_slice %arg10[%dma_wait3A_920, %dma_wait3A_921] : memref<3328x16xf32, #tpu.memory_space<vmem>> -> memref<128x16xf32, #tpu.memory_space<vmem>>
    %dma_wait3A_923 = arith.constant 0 : i32
    %dma_wait3A_924 = tpu.memref_slice %arg9[%dma_wait3A_919, %dma_wait3A_923] : memref<26x128xi32, #tpu.memory_space<vmem>> -> memref<1x128xi32, #tpu.memory_space<vmem>>
    %dma_wait3A_925 = tpu.memref_squeeze %dma_wait3A_924 : memref<1x128xi32, #tpu.memory_space<vmem>> -> memref<128xi32, #tpu.memory_space<vmem>>
    %dma_wait3A_926 = arith.constant 0 : i32
    %dma_wait3A_927 = arith.constant 0 : i32
    %dma_wait3A_928 = tpu.memref_slice %arg2[%dma_wait3A_918, %dma_wait3A_926, %dma_wait3A_927] : memref<26x100000x16xf32, #tpu.memory_space<hbm>> -> memref<1x100000x16xf32, #tpu.memory_space<hbm>>
    %dma_wait3A_929 = tpu.memref_squeeze %dma_wait3A_928 : memref<1x100000x16xf32, #tpu.memory_space<hbm>> -> memref<100000x16xf32, #tpu.memory_space<hbm>>
    %dma_wait3A_930 = arith.constant 0 : i32
    %dma_wait3A_931 = arith.constant 0 : i32
    %dma_wait3A_932 = tpu.memref_slice %dma_wait3A_929[%dma_wait3A_930, %dma_wait3A_931] : memref<100000x16xf32, #tpu.memory_space<hbm>> -> memref<100000x16xf32, #tpu.memory_space<hbm>>
    tpu.wait_indirect_dma semaphore(%arg14 : memref<!tpu.dma_semaphore, #tpu.memory_space<semaphore_mem>>) src(%dma_wait3A_932 : memref<100000x16xf32, #tpu.memory_space<hbm>>) dst(%dma_wait3A_922 : memref<128x16xf32, #tpu.memory_space<vmem>>)
    %dma_wait3A_933 = arith.constant 15 : i32
    %dma_wait3A_934 = arith.constant 15 : i32
    %dma_wait3A_935 = arith.constant 1920 : i32
    %dma_wait3A_936 = arith.constant 0 : i32
    %dma_wait3A_937 = tpu.memref_slice %arg10[%dma_wait3A_935, %dma_wait3A_936] : memref<3328x16xf32, #tpu.memory_space<vmem>> -> memref<128x16xf32, #tpu.memory_space<vmem>>
    %dma_wait3A_938 = arith.constant 0 : i32
    %dma_wait3A_939 = tpu.memref_slice %arg9[%dma_wait3A_934, %dma_wait3A_938] : memref<26x128xi32, #tpu.memory_space<vmem>> -> memref<1x128xi32, #tpu.memory_space<vmem>>
    %dma_wait3A_940 = tpu.memref_squeeze %dma_wait3A_939 : memref<1x128xi32, #tpu.memory_space<vmem>> -> memref<128xi32, #tpu.memory_space<vmem>>
    %dma_wait3A_941 = arith.constant 0 : i32
    %dma_wait3A_942 = arith.constant 0 : i32
    %dma_wait3A_943 = tpu.memref_slice %arg2[%dma_wait3A_933, %dma_wait3A_941, %dma_wait3A_942] : memref<26x100000x16xf32, #tpu.memory_space<hbm>> -> memref<1x100000x16xf32, #tpu.memory_space<hbm>>
    %dma_wait3A_944 = tpu.memref_squeeze %dma_wait3A_943 : memref<1x100000x16xf32, #tpu.memory_space<hbm>> -> memref<100000x16xf32, #tpu.memory_space<hbm>>
    %dma_wait3A_945 = arith.constant 0 : i32
    %dma_wait3A_946 = arith.constant 0 : i32
    %dma_wait3A_947 = tpu.memref_slice %dma_wait3A_944[%dma_wait3A_945, %dma_wait3A_946] : memref<100000x16xf32, #tpu.memory_space<hbm>> -> memref<100000x16xf32, #tpu.memory_space<hbm>>
    tpu.wait_indirect_dma semaphore(%arg14 : memref<!tpu.dma_semaphore, #tpu.memory_space<semaphore_mem>>) src(%dma_wait3A_947 : memref<100000x16xf32, #tpu.memory_space<hbm>>) dst(%dma_wait3A_937 : memref<128x16xf32, #tpu.memory_space<vmem>>)
    %dma_wait3A_948 = arith.constant 16 : i32
    %dma_wait3A_949 = arith.constant 16 : i32
    %dma_wait3A_950 = arith.constant 2048 : i32
    %dma_wait3A_951 = arith.constant 0 : i32
    %dma_wait3A_952 = tpu.memref_slice %arg10[%dma_wait3A_950, %dma_wait3A_951] : memref<3328x16xf32, #tpu.memory_space<vmem>> -> memref<128x16xf32, #tpu.memory_space<vmem>>
    %dma_wait3A_953 = arith.constant 0 : i32
    %dma_wait3A_954 = tpu.memref_slice %arg9[%dma_wait3A_949, %dma_wait3A_953] : memref<26x128xi32, #tpu.memory_space<vmem>> -> memref<1x128xi32, #tpu.memory_space<vmem>>
    %dma_wait3A_955 = tpu.memref_squeeze %dma_wait3A_954 : memref<1x128xi32, #tpu.memory_space<vmem>> -> memref<128xi32, #tpu.memory_space<vmem>>
    %dma_wait3A_956 = arith.constant 0 : i32
    %dma_wait3A_957 = arith.constant 0 : i32
    %dma_wait3A_958 = tpu.memref_slice %arg2[%dma_wait3A_948, %dma_wait3A_956, %dma_wait3A_957] : memref<26x100000x16xf32, #tpu.memory_space<hbm>> -> memref<1x100000x16xf32, #tpu.memory_space<hbm>>
    %dma_wait3A_959 = tpu.memref_squeeze %dma_wait3A_958 : memref<1x100000x16xf32, #tpu.memory_space<hbm>> -> memref<100000x16xf32, #tpu.memory_space<hbm>>
    %dma_wait3A_960 = arith.constant 0 : i32
    %dma_wait3A_961 = arith.constant 0 : i32
    %dma_wait3A_962 = tpu.memref_slice %dma_wait3A_959[%dma_wait3A_960, %dma_wait3A_961] : memref<100000x16xf32, #tpu.memory_space<hbm>> -> memref<100000x16xf32, #tpu.memory_space<hbm>>
    tpu.wait_indirect_dma semaphore(%arg14 : memref<!tpu.dma_semaphore, #tpu.memory_space<semaphore_mem>>) src(%dma_wait3A_962 : memref<100000x16xf32, #tpu.memory_space<hbm>>) dst(%dma_wait3A_952 : memref<128x16xf32, #tpu.memory_space<vmem>>)
    %dma_wait3A_963 = arith.constant 17 : i32
    %dma_wait3A_964 = arith.constant 17 : i32
    %dma_wait3A_965 = arith.constant 2176 : i32
    %dma_wait3A_966 = arith.constant 0 : i32
    %dma_wait3A_967 = tpu.memref_slice %arg10[%dma_wait3A_965, %dma_wait3A_966] : memref<3328x16xf32, #tpu.memory_space<vmem>> -> memref<128x16xf32, #tpu.memory_space<vmem>>
    %dma_wait3A_968 = arith.constant 0 : i32
    %dma_wait3A_969 = tpu.memref_slice %arg9[%dma_wait3A_964, %dma_wait3A_968] : memref<26x128xi32, #tpu.memory_space<vmem>> -> memref<1x128xi32, #tpu.memory_space<vmem>>
    %dma_wait3A_970 = tpu.memref_squeeze %dma_wait3A_969 : memref<1x128xi32, #tpu.memory_space<vmem>> -> memref<128xi32, #tpu.memory_space<vmem>>
    %dma_wait3A_971 = arith.constant 0 : i32
    %dma_wait3A_972 = arith.constant 0 : i32
    %dma_wait3A_973 = tpu.memref_slice %arg2[%dma_wait3A_963, %dma_wait3A_971, %dma_wait3A_972] : memref<26x100000x16xf32, #tpu.memory_space<hbm>> -> memref<1x100000x16xf32, #tpu.memory_space<hbm>>
    %dma_wait3A_974 = tpu.memref_squeeze %dma_wait3A_973 : memref<1x100000x16xf32, #tpu.memory_space<hbm>> -> memref<100000x16xf32, #tpu.memory_space<hbm>>
    %dma_wait3A_975 = arith.constant 0 : i32
    %dma_wait3A_976 = arith.constant 0 : i32
    %dma_wait3A_977 = tpu.memref_slice %dma_wait3A_974[%dma_wait3A_975, %dma_wait3A_976] : memref<100000x16xf32, #tpu.memory_space<hbm>> -> memref<100000x16xf32, #tpu.memory_space<hbm>>
    tpu.wait_indirect_dma semaphore(%arg14 : memref<!tpu.dma_semaphore, #tpu.memory_space<semaphore_mem>>) src(%dma_wait3A_977 : memref<100000x16xf32, #tpu.memory_space<hbm>>) dst(%dma_wait3A_967 : memref<128x16xf32, #tpu.memory_space<vmem>>)
    %dma_wait3A_978 = arith.constant 18 : i32
    %dma_wait3A_979 = arith.constant 18 : i32
    %dma_wait3A_980 = arith.constant 2304 : i32
    %dma_wait3A_981 = arith.constant 0 : i32
    %dma_wait3A_982 = tpu.memref_slice %arg10[%dma_wait3A_980, %dma_wait3A_981] : memref<3328x16xf32, #tpu.memory_space<vmem>> -> memref<128x16xf32, #tpu.memory_space<vmem>>
    %dma_wait3A_983 = arith.constant 0 : i32
    %dma_wait3A_984 = tpu.memref_slice %arg9[%dma_wait3A_979, %dma_wait3A_983] : memref<26x128xi32, #tpu.memory_space<vmem>> -> memref<1x128xi32, #tpu.memory_space<vmem>>
    %dma_wait3A_985 = tpu.memref_squeeze %dma_wait3A_984 : memref<1x128xi32, #tpu.memory_space<vmem>> -> memref<128xi32, #tpu.memory_space<vmem>>
    %dma_wait3A_986 = arith.constant 0 : i32
    %dma_wait3A_987 = arith.constant 0 : i32
    %dma_wait3A_988 = tpu.memref_slice %arg2[%dma_wait3A_978, %dma_wait3A_986, %dma_wait3A_987] : memref<26x100000x16xf32, #tpu.memory_space<hbm>> -> memref<1x100000x16xf32, #tpu.memory_space<hbm>>
    %dma_wait3A_989 = tpu.memref_squeeze %dma_wait3A_988 : memref<1x100000x16xf32, #tpu.memory_space<hbm>> -> memref<100000x16xf32, #tpu.memory_space<hbm>>
    %dma_wait3A_990 = arith.constant 0 : i32
    %dma_wait3A_991 = arith.constant 0 : i32
    %dma_wait3A_992 = tpu.memref_slice %dma_wait3A_989[%dma_wait3A_990, %dma_wait3A_991] : memref<100000x16xf32, #tpu.memory_space<hbm>> -> memref<100000x16xf32, #tpu.memory_space<hbm>>
    tpu.wait_indirect_dma semaphore(%arg14 : memref<!tpu.dma_semaphore, #tpu.memory_space<semaphore_mem>>) src(%dma_wait3A_992 : memref<100000x16xf32, #tpu.memory_space<hbm>>) dst(%dma_wait3A_982 : memref<128x16xf32, #tpu.memory_space<vmem>>)
    %dma_wait3A_993 = arith.constant 19 : i32
    %dma_wait3A_994 = arith.constant 19 : i32
    %dma_wait3A_995 = arith.constant 2432 : i32
    %dma_wait3A_996 = arith.constant 0 : i32
    %dma_wait3A_997 = tpu.memref_slice %arg10[%dma_wait3A_995, %dma_wait3A_996] : memref<3328x16xf32, #tpu.memory_space<vmem>> -> memref<128x16xf32, #tpu.memory_space<vmem>>
    %dma_wait3A_998 = arith.constant 0 : i32
    %dma_wait3A_999 = tpu.memref_slice %arg9[%dma_wait3A_994, %dma_wait3A_998] : memref<26x128xi32, #tpu.memory_space<vmem>> -> memref<1x128xi32, #tpu.memory_space<vmem>>
    %dma_wait3A_1000 = tpu.memref_squeeze %dma_wait3A_999 : memref<1x128xi32, #tpu.memory_space<vmem>> -> memref<128xi32, #tpu.memory_space<vmem>>
    %dma_wait3A_1001 = arith.constant 0 : i32
    %dma_wait3A_1002 = arith.constant 0 : i32
    %dma_wait3A_1003 = tpu.memref_slice %arg2[%dma_wait3A_993, %dma_wait3A_1001, %dma_wait3A_1002] : memref<26x100000x16xf32, #tpu.memory_space<hbm>> -> memref<1x100000x16xf32, #tpu.memory_space<hbm>>
    %dma_wait3A_1004 = tpu.memref_squeeze %dma_wait3A_1003 : memref<1x100000x16xf32, #tpu.memory_space<hbm>> -> memref<100000x16xf32, #tpu.memory_space<hbm>>
    %dma_wait3A_1005 = arith.constant 0 : i32
    %dma_wait3A_1006 = arith.constant 0 : i32
    %dma_wait3A_1007 = tpu.memref_slice %dma_wait3A_1004[%dma_wait3A_1005, %dma_wait3A_1006] : memref<100000x16xf32, #tpu.memory_space<hbm>> -> memref<100000x16xf32, #tpu.memory_space<hbm>>
    tpu.wait_indirect_dma semaphore(%arg14 : memref<!tpu.dma_semaphore, #tpu.memory_space<semaphore_mem>>) src(%dma_wait3A_1007 : memref<100000x16xf32, #tpu.memory_space<hbm>>) dst(%dma_wait3A_997 : memref<128x16xf32, #tpu.memory_space<vmem>>)
    %dma_wait3A_1008 = arith.constant 20 : i32
    %dma_wait3A_1009 = arith.constant 20 : i32
    %dma_wait3A_1010 = arith.constant 2560 : i32
    %dma_wait3A_1011 = arith.constant 0 : i32
    %dma_wait3A_1012 = tpu.memref_slice %arg10[%dma_wait3A_1010, %dma_wait3A_1011] : memref<3328x16xf32, #tpu.memory_space<vmem>> -> memref<128x16xf32, #tpu.memory_space<vmem>>
    %dma_wait3A_1013 = arith.constant 0 : i32
    %dma_wait3A_1014 = tpu.memref_slice %arg9[%dma_wait3A_1009, %dma_wait3A_1013] : memref<26x128xi32, #tpu.memory_space<vmem>> -> memref<1x128xi32, #tpu.memory_space<vmem>>
    %dma_wait3A_1015 = tpu.memref_squeeze %dma_wait3A_1014 : memref<1x128xi32, #tpu.memory_space<vmem>> -> memref<128xi32, #tpu.memory_space<vmem>>
    %dma_wait3A_1016 = arith.constant 0 : i32
    %dma_wait3A_1017 = arith.constant 0 : i32
    %dma_wait3A_1018 = tpu.memref_slice %arg2[%dma_wait3A_1008, %dma_wait3A_1016, %dma_wait3A_1017] : memref<26x100000x16xf32, #tpu.memory_space<hbm>> -> memref<1x100000x16xf32, #tpu.memory_space<hbm>>
    %dma_wait3A_1019 = tpu.memref_squeeze %dma_wait3A_1018 : memref<1x100000x16xf32, #tpu.memory_space<hbm>> -> memref<100000x16xf32, #tpu.memory_space<hbm>>
    %dma_wait3A_1020 = arith.constant 0 : i32
    %dma_wait3A_1021 = arith.constant 0 : i32
    %dma_wait3A_1022 = tpu.memref_slice %dma_wait3A_1019[%dma_wait3A_1020, %dma_wait3A_1021] : memref<100000x16xf32, #tpu.memory_space<hbm>> -> memref<100000x16xf32, #tpu.memory_space<hbm>>
    tpu.wait_indirect_dma semaphore(%arg14 : memref<!tpu.dma_semaphore, #tpu.memory_space<semaphore_mem>>) src(%dma_wait3A_1022 : memref<100000x16xf32, #tpu.memory_space<hbm>>) dst(%dma_wait3A_1012 : memref<128x16xf32, #tpu.memory_space<vmem>>)
    %dma_wait3A_1023 = arith.constant 21 : i32
    %dma_wait3A_1024 = arith.constant 21 : i32
    %dma_wait3A_1025 = arith.constant 2688 : i32
    %dma_wait3A_1026 = arith.constant 0 : i32
    %dma_wait3A_1027 = tpu.memref_slice %arg10[%dma_wait3A_1025, %dma_wait3A_1026] : memref<3328x16xf32, #tpu.memory_space<vmem>> -> memref<128x16xf32, #tpu.memory_space<vmem>>
    %dma_wait3A_1028 = arith.constant 0 : i32
    %dma_wait3A_1029 = tpu.memref_slice %arg9[%dma_wait3A_1024, %dma_wait3A_1028] : memref<26x128xi32, #tpu.memory_space<vmem>> -> memref<1x128xi32, #tpu.memory_space<vmem>>
    %dma_wait3A_1030 = tpu.memref_squeeze %dma_wait3A_1029 : memref<1x128xi32, #tpu.memory_space<vmem>> -> memref<128xi32, #tpu.memory_space<vmem>>
    %dma_wait3A_1031 = arith.constant 0 : i32
    %dma_wait3A_1032 = arith.constant 0 : i32
    %dma_wait3A_1033 = tpu.memref_slice %arg2[%dma_wait3A_1023, %dma_wait3A_1031, %dma_wait3A_1032] : memref<26x100000x16xf32, #tpu.memory_space<hbm>> -> memref<1x100000x16xf32, #tpu.memory_space<hbm>>
    %dma_wait3A_1034 = tpu.memref_squeeze %dma_wait3A_1033 : memref<1x100000x16xf32, #tpu.memory_space<hbm>> -> memref<100000x16xf32, #tpu.memory_space<hbm>>
    %dma_wait3A_1035 = arith.constant 0 : i32
    %dma_wait3A_1036 = arith.constant 0 : i32
    %dma_wait3A_1037 = tpu.memref_slice %dma_wait3A_1034[%dma_wait3A_1035, %dma_wait3A_1036] : memref<100000x16xf32, #tpu.memory_space<hbm>> -> memref<100000x16xf32, #tpu.memory_space<hbm>>
    tpu.wait_indirect_dma semaphore(%arg14 : memref<!tpu.dma_semaphore, #tpu.memory_space<semaphore_mem>>) src(%dma_wait3A_1037 : memref<100000x16xf32, #tpu.memory_space<hbm>>) dst(%dma_wait3A_1027 : memref<128x16xf32, #tpu.memory_space<vmem>>)
    %dma_wait3A_1038 = arith.constant 22 : i32
    %dma_wait3A_1039 = arith.constant 22 : i32
    %dma_wait3A_1040 = arith.constant 2816 : i32
    %dma_wait3A_1041 = arith.constant 0 : i32
    %dma_wait3A_1042 = tpu.memref_slice %arg10[%dma_wait3A_1040, %dma_wait3A_1041] : memref<3328x16xf32, #tpu.memory_space<vmem>> -> memref<128x16xf32, #tpu.memory_space<vmem>>
    %dma_wait3A_1043 = arith.constant 0 : i32
    %dma_wait3A_1044 = tpu.memref_slice %arg9[%dma_wait3A_1039, %dma_wait3A_1043] : memref<26x128xi32, #tpu.memory_space<vmem>> -> memref<1x128xi32, #tpu.memory_space<vmem>>
    %dma_wait3A_1045 = tpu.memref_squeeze %dma_wait3A_1044 : memref<1x128xi32, #tpu.memory_space<vmem>> -> memref<128xi32, #tpu.memory_space<vmem>>
    %dma_wait3A_1046 = arith.constant 0 : i32
    %dma_wait3A_1047 = arith.constant 0 : i32
    %dma_wait3A_1048 = tpu.memref_slice %arg2[%dma_wait3A_1038, %dma_wait3A_1046, %dma_wait3A_1047] : memref<26x100000x16xf32, #tpu.memory_space<hbm>> -> memref<1x100000x16xf32, #tpu.memory_space<hbm>>
    %dma_wait3A_1049 = tpu.memref_squeeze %dma_wait3A_1048 : memref<1x100000x16xf32, #tpu.memory_space<hbm>> -> memref<100000x16xf32, #tpu.memory_space<hbm>>
    %dma_wait3A_1050 = arith.constant 0 : i32
    %dma_wait3A_1051 = arith.constant 0 : i32
    %dma_wait3A_1052 = tpu.memref_slice %dma_wait3A_1049[%dma_wait3A_1050, %dma_wait3A_1051] : memref<100000x16xf32, #tpu.memory_space<hbm>> -> memref<100000x16xf32, #tpu.memory_space<hbm>>
    tpu.wait_indirect_dma semaphore(%arg14 : memref<!tpu.dma_semaphore, #tpu.memory_space<semaphore_mem>>) src(%dma_wait3A_1052 : memref<100000x16xf32, #tpu.memory_space<hbm>>) dst(%dma_wait3A_1042 : memref<128x16xf32, #tpu.memory_space<vmem>>)
    %dma_wait3A_1053 = arith.constant 23 : i32
    %dma_wait3A_1054 = arith.constant 23 : i32
    %dma_wait3A_1055 = arith.constant 2944 : i32
    %dma_wait3A_1056 = arith.constant 0 : i32
    %dma_wait3A_1057 = tpu.memref_slice %arg10[%dma_wait3A_1055, %dma_wait3A_1056] : memref<3328x16xf32, #tpu.memory_space<vmem>> -> memref<128x16xf32, #tpu.memory_space<vmem>>
    %dma_wait3A_1058 = arith.constant 0 : i32
    %dma_wait3A_1059 = tpu.memref_slice %arg9[%dma_wait3A_1054, %dma_wait3A_1058] : memref<26x128xi32, #tpu.memory_space<vmem>> -> memref<1x128xi32, #tpu.memory_space<vmem>>
    %dma_wait3A_1060 = tpu.memref_squeeze %dma_wait3A_1059 : memref<1x128xi32, #tpu.memory_space<vmem>> -> memref<128xi32, #tpu.memory_space<vmem>>
    %dma_wait3A_1061 = arith.constant 0 : i32
    %dma_wait3A_1062 = arith.constant 0 : i32
    %dma_wait3A_1063 = tpu.memref_slice %arg2[%dma_wait3A_1053, %dma_wait3A_1061, %dma_wait3A_1062] : memref<26x100000x16xf32, #tpu.memory_space<hbm>> -> memref<1x100000x16xf32, #tpu.memory_space<hbm>>
    %dma_wait3A_1064 = tpu.memref_squeeze %dma_wait3A_1063 : memref<1x100000x16xf32, #tpu.memory_space<hbm>> -> memref<100000x16xf32, #tpu.memory_space<hbm>>
    %dma_wait3A_1065 = arith.constant 0 : i32
    %dma_wait3A_1066 = arith.constant 0 : i32
    %dma_wait3A_1067 = tpu.memref_slice %dma_wait3A_1064[%dma_wait3A_1065, %dma_wait3A_1066] : memref<100000x16xf32, #tpu.memory_space<hbm>> -> memref<100000x16xf32, #tpu.memory_space<hbm>>
    tpu.wait_indirect_dma semaphore(%arg14 : memref<!tpu.dma_semaphore, #tpu.memory_space<semaphore_mem>>) src(%dma_wait3A_1067 : memref<100000x16xf32, #tpu.memory_space<hbm>>) dst(%dma_wait3A_1057 : memref<128x16xf32, #tpu.memory_space<vmem>>)
    %dma_wait3A_1068 = arith.constant 24 : i32
    %dma_wait3A_1069 = arith.constant 24 : i32
    %dma_wait3A_1070 = arith.constant 3072 : i32
    %dma_wait3A_1071 = arith.constant 0 : i32
    %dma_wait3A_1072 = tpu.memref_slice %arg10[%dma_wait3A_1070, %dma_wait3A_1071] : memref<3328x16xf32, #tpu.memory_space<vmem>> -> memref<128x16xf32, #tpu.memory_space<vmem>>
    %dma_wait3A_1073 = arith.constant 0 : i32
    %dma_wait3A_1074 = tpu.memref_slice %arg9[%dma_wait3A_1069, %dma_wait3A_1073] : memref<26x128xi32, #tpu.memory_space<vmem>> -> memref<1x128xi32, #tpu.memory_space<vmem>>
    %dma_wait3A_1075 = tpu.memref_squeeze %dma_wait3A_1074 : memref<1x128xi32, #tpu.memory_space<vmem>> -> memref<128xi32, #tpu.memory_space<vmem>>
    %dma_wait3A_1076 = arith.constant 0 : i32
    %dma_wait3A_1077 = arith.constant 0 : i32
    %dma_wait3A_1078 = tpu.memref_slice %arg2[%dma_wait3A_1068, %dma_wait3A_1076, %dma_wait3A_1077] : memref<26x100000x16xf32, #tpu.memory_space<hbm>> -> memref<1x100000x16xf32, #tpu.memory_space<hbm>>
    %dma_wait3A_1079 = tpu.memref_squeeze %dma_wait3A_1078 : memref<1x100000x16xf32, #tpu.memory_space<hbm>> -> memref<100000x16xf32, #tpu.memory_space<hbm>>
    %dma_wait3A_1080 = arith.constant 0 : i32
    %dma_wait3A_1081 = arith.constant 0 : i32
    %dma_wait3A_1082 = tpu.memref_slice %dma_wait3A_1079[%dma_wait3A_1080, %dma_wait3A_1081] : memref<100000x16xf32, #tpu.memory_space<hbm>> -> memref<100000x16xf32, #tpu.memory_space<hbm>>
    tpu.wait_indirect_dma semaphore(%arg14 : memref<!tpu.dma_semaphore, #tpu.memory_space<semaphore_mem>>) src(%dma_wait3A_1082 : memref<100000x16xf32, #tpu.memory_space<hbm>>) dst(%dma_wait3A_1072 : memref<128x16xf32, #tpu.memory_space<vmem>>)
    %dma_wait3A_1083 = arith.constant 25 : i32
    %dma_wait3A_1084 = arith.constant 25 : i32
    %dma_wait3A_1085 = arith.constant 3200 : i32
    %dma_wait3A_1086 = arith.constant 0 : i32
    %dma_wait3A_1087 = tpu.memref_slice %arg10[%dma_wait3A_1085, %dma_wait3A_1086] : memref<3328x16xf32, #tpu.memory_space<vmem>> -> memref<128x16xf32, #tpu.memory_space<vmem>>
    %dma_wait3A_1088 = arith.constant 0 : i32
    %dma_wait3A_1089 = tpu.memref_slice %arg9[%dma_wait3A_1084, %dma_wait3A_1088] : memref<26x128xi32, #tpu.memory_space<vmem>> -> memref<1x128xi32, #tpu.memory_space<vmem>>
    %dma_wait3A_1090 = tpu.memref_squeeze %dma_wait3A_1089 : memref<1x128xi32, #tpu.memory_space<vmem>> -> memref<128xi32, #tpu.memory_space<vmem>>
    %dma_wait3A_1091 = arith.constant 0 : i32
    %dma_wait3A_1092 = arith.constant 0 : i32
    %dma_wait3A_1093 = tpu.memref_slice %arg2[%dma_wait3A_1083, %dma_wait3A_1091, %dma_wait3A_1092] : memref<26x100000x16xf32, #tpu.memory_space<hbm>> -> memref<1x100000x16xf32, #tpu.memory_space<hbm>>
    %dma_wait3A_1094 = tpu.memref_squeeze %dma_wait3A_1093 : memref<1x100000x16xf32, #tpu.memory_space<hbm>> -> memref<100000x16xf32, #tpu.memory_space<hbm>>
    %dma_wait3A_1095 = arith.constant 0 : i32
    %dma_wait3A_1096 = arith.constant 0 : i32
    %dma_wait3A_1097 = tpu.memref_slice %dma_wait3A_1094[%dma_wait3A_1095, %dma_wait3A_1096] : memref<100000x16xf32, #tpu.memory_space<hbm>> -> memref<100000x16xf32, #tpu.memory_space<hbm>>
    tpu.wait_indirect_dma semaphore(%arg14 : memref<!tpu.dma_semaphore, #tpu.memory_space<semaphore_mem>>) src(%dma_wait3A_1097 : memref<100000x16xf32, #tpu.memory_space<hbm>>) dst(%dma_wait3A_1087 : memref<128x16xf32, #tpu.memory_space<vmem>>)
    %dma_wait3A_1098 = arith.constant 0 : i32
    %dma_wait3A_1099 = arith.constant 0 : i32
    %dma_wait3A_1100 = arith.constant 0 : i32
    %dma_wait3A_1101 = tpu.memref_slice %arg11[%dma_wait3A_1100] : memref<3328xf32, #tpu.memory_space<vmem>> -> memref<128xf32, #tpu.memory_space<vmem>>
    %dma_wait3A_1102 = arith.constant 0 : i32
    %dma_wait3A_1103 = tpu.memref_slice %arg9[%dma_wait3A_1099, %dma_wait3A_1102] : memref<26x128xi32, #tpu.memory_space<vmem>> -> memref<1x128xi32, #tpu.memory_space<vmem>>
    %dma_wait3A_1104 = tpu.memref_squeeze %dma_wait3A_1103 : memref<1x128xi32, #tpu.memory_space<vmem>> -> memref<128xi32, #tpu.memory_space<vmem>>
    %dma_wait3A_1105 = arith.constant 0 : i32
    %dma_wait3A_1106 = tpu.memref_slice %arg3[%dma_wait3A_1098, %dma_wait3A_1105] : memref<26x100000xf32, #tpu.memory_space<hbm>> -> memref<1x100000xf32, #tpu.memory_space<hbm>>
    %dma_wait3A_1107 = tpu.memref_squeeze %dma_wait3A_1106 : memref<1x100000xf32, #tpu.memory_space<hbm>> -> memref<100000xf32, #tpu.memory_space<hbm>>
    %dma_wait3A_1108 = arith.constant 0 : i32
    %dma_wait3A_1109 = tpu.memref_slice %dma_wait3A_1107[%dma_wait3A_1108] : memref<100000xf32, #tpu.memory_space<hbm>> -> memref<100000xf32, #tpu.memory_space<hbm>>
    tpu.wait_indirect_dma semaphore(%arg15 : memref<!tpu.dma_semaphore, #tpu.memory_space<semaphore_mem>>) src(%dma_wait3A_1109 : memref<100000xf32, #tpu.memory_space<hbm>>) dst(%dma_wait3A_1101 : memref<128xf32, #tpu.memory_space<vmem>>)
    %dma_wait3A_1110 = arith.constant 1 : i32
    %dma_wait3A_1111 = arith.constant 1 : i32
    %dma_wait3A_1112 = arith.constant 128 : i32
    %dma_wait3A_1113 = tpu.memref_slice %arg11[%dma_wait3A_1112] : memref<3328xf32, #tpu.memory_space<vmem>> -> memref<128xf32, #tpu.memory_space<vmem>>
    %dma_wait3A_1114 = arith.constant 0 : i32
    %dma_wait3A_1115 = tpu.memref_slice %arg9[%dma_wait3A_1111, %dma_wait3A_1114] : memref<26x128xi32, #tpu.memory_space<vmem>> -> memref<1x128xi32, #tpu.memory_space<vmem>>
    %dma_wait3A_1116 = tpu.memref_squeeze %dma_wait3A_1115 : memref<1x128xi32, #tpu.memory_space<vmem>> -> memref<128xi32, #tpu.memory_space<vmem>>
    %dma_wait3A_1117 = arith.constant 0 : i32
    %dma_wait3A_1118 = tpu.memref_slice %arg3[%dma_wait3A_1110, %dma_wait3A_1117] : memref<26x100000xf32, #tpu.memory_space<hbm>> -> memref<1x100000xf32, #tpu.memory_space<hbm>>
    %dma_wait3A_1119 = tpu.memref_squeeze %dma_wait3A_1118 : memref<1x100000xf32, #tpu.memory_space<hbm>> -> memref<100000xf32, #tpu.memory_space<hbm>>
    %dma_wait3A_1120 = arith.constant 0 : i32
    %dma_wait3A_1121 = tpu.memref_slice %dma_wait3A_1119[%dma_wait3A_1120] : memref<100000xf32, #tpu.memory_space<hbm>> -> memref<100000xf32, #tpu.memory_space<hbm>>
    tpu.wait_indirect_dma semaphore(%arg15 : memref<!tpu.dma_semaphore, #tpu.memory_space<semaphore_mem>>) src(%dma_wait3A_1121 : memref<100000xf32, #tpu.memory_space<hbm>>) dst(%dma_wait3A_1113 : memref<128xf32, #tpu.memory_space<vmem>>)
    %dma_wait3A_1122 = arith.constant 2 : i32
    %dma_wait3A_1123 = arith.constant 2 : i32
    %dma_wait3A_1124 = arith.constant 256 : i32
    %dma_wait3A_1125 = tpu.memref_slice %arg11[%dma_wait3A_1124] : memref<3328xf32, #tpu.memory_space<vmem>> -> memref<128xf32, #tpu.memory_space<vmem>>
    %dma_wait3A_1126 = arith.constant 0 : i32
    %dma_wait3A_1127 = tpu.memref_slice %arg9[%dma_wait3A_1123, %dma_wait3A_1126] : memref<26x128xi32, #tpu.memory_space<vmem>> -> memref<1x128xi32, #tpu.memory_space<vmem>>
    %dma_wait3A_1128 = tpu.memref_squeeze %dma_wait3A_1127 : memref<1x128xi32, #tpu.memory_space<vmem>> -> memref<128xi32, #tpu.memory_space<vmem>>
    %dma_wait3A_1129 = arith.constant 0 : i32
    %dma_wait3A_1130 = tpu.memref_slice %arg3[%dma_wait3A_1122, %dma_wait3A_1129] : memref<26x100000xf32, #tpu.memory_space<hbm>> -> memref<1x100000xf32, #tpu.memory_space<hbm>>
    %dma_wait3A_1131 = tpu.memref_squeeze %dma_wait3A_1130 : memref<1x100000xf32, #tpu.memory_space<hbm>> -> memref<100000xf32, #tpu.memory_space<hbm>>
    %dma_wait3A_1132 = arith.constant 0 : i32
    %dma_wait3A_1133 = tpu.memref_slice %dma_wait3A_1131[%dma_wait3A_1132] : memref<100000xf32, #tpu.memory_space<hbm>> -> memref<100000xf32, #tpu.memory_space<hbm>>
    tpu.wait_indirect_dma semaphore(%arg15 : memref<!tpu.dma_semaphore, #tpu.memory_space<semaphore_mem>>) src(%dma_wait3A_1133 : memref<100000xf32, #tpu.memory_space<hbm>>) dst(%dma_wait3A_1125 : memref<128xf32, #tpu.memory_space<vmem>>)
    %dma_wait3A_1134 = arith.constant 3 : i32
    %dma_wait3A_1135 = arith.constant 3 : i32
    %dma_wait3A_1136 = arith.constant 384 : i32
    %dma_wait3A_1137 = tpu.memref_slice %arg11[%dma_wait3A_1136] : memref<3328xf32, #tpu.memory_space<vmem>> -> memref<128xf32, #tpu.memory_space<vmem>>
    %dma_wait3A_1138 = arith.constant 0 : i32
    %dma_wait3A_1139 = tpu.memref_slice %arg9[%dma_wait3A_1135, %dma_wait3A_1138] : memref<26x128xi32, #tpu.memory_space<vmem>> -> memref<1x128xi32, #tpu.memory_space<vmem>>
    %dma_wait3A_1140 = tpu.memref_squeeze %dma_wait3A_1139 : memref<1x128xi32, #tpu.memory_space<vmem>> -> memref<128xi32, #tpu.memory_space<vmem>>
    %dma_wait3A_1141 = arith.constant 0 : i32
    %dma_wait3A_1142 = tpu.memref_slice %arg3[%dma_wait3A_1134, %dma_wait3A_1141] : memref<26x100000xf32, #tpu.memory_space<hbm>> -> memref<1x100000xf32, #tpu.memory_space<hbm>>
    %dma_wait3A_1143 = tpu.memref_squeeze %dma_wait3A_1142 : memref<1x100000xf32, #tpu.memory_space<hbm>> -> memref<100000xf32, #tpu.memory_space<hbm>>
    %dma_wait3A_1144 = arith.constant 0 : i32
    %dma_wait3A_1145 = tpu.memref_slice %dma_wait3A_1143[%dma_wait3A_1144] : memref<100000xf32, #tpu.memory_space<hbm>> -> memref<100000xf32, #tpu.memory_space<hbm>>
    tpu.wait_indirect_dma semaphore(%arg15 : memref<!tpu.dma_semaphore, #tpu.memory_space<semaphore_mem>>) src(%dma_wait3A_1145 : memref<100000xf32, #tpu.memory_space<hbm>>) dst(%dma_wait3A_1137 : memref<128xf32, #tpu.memory_space<vmem>>)
    %dma_wait3A_1146 = arith.constant 4 : i32
    %dma_wait3A_1147 = arith.constant 4 : i32
    %dma_wait3A_1148 = arith.constant 512 : i32
    %dma_wait3A_1149 = tpu.memref_slice %arg11[%dma_wait3A_1148] : memref<3328xf32, #tpu.memory_space<vmem>> -> memref<128xf32, #tpu.memory_space<vmem>>
    %dma_wait3A_1150 = arith.constant 0 : i32
    %dma_wait3A_1151 = tpu.memref_slice %arg9[%dma_wait3A_1147, %dma_wait3A_1150] : memref<26x128xi32, #tpu.memory_space<vmem>> -> memref<1x128xi32, #tpu.memory_space<vmem>>
    %dma_wait3A_1152 = tpu.memref_squeeze %dma_wait3A_1151 : memref<1x128xi32, #tpu.memory_space<vmem>> -> memref<128xi32, #tpu.memory_space<vmem>>
    %dma_wait3A_1153 = arith.constant 0 : i32
    %dma_wait3A_1154 = tpu.memref_slice %arg3[%dma_wait3A_1146, %dma_wait3A_1153] : memref<26x100000xf32, #tpu.memory_space<hbm>> -> memref<1x100000xf32, #tpu.memory_space<hbm>>
    %dma_wait3A_1155 = tpu.memref_squeeze %dma_wait3A_1154 : memref<1x100000xf32, #tpu.memory_space<hbm>> -> memref<100000xf32, #tpu.memory_space<hbm>>
    %dma_wait3A_1156 = arith.constant 0 : i32
    %dma_wait3A_1157 = tpu.memref_slice %dma_wait3A_1155[%dma_wait3A_1156] : memref<100000xf32, #tpu.memory_space<hbm>> -> memref<100000xf32, #tpu.memory_space<hbm>>
    tpu.wait_indirect_dma semaphore(%arg15 : memref<!tpu.dma_semaphore, #tpu.memory_space<semaphore_mem>>) src(%dma_wait3A_1157 : memref<100000xf32, #tpu.memory_space<hbm>>) dst(%dma_wait3A_1149 : memref<128xf32, #tpu.memory_space<vmem>>)
    %dma_wait3A_1158 = arith.constant 5 : i32
    %dma_wait3A_1159 = arith.constant 5 : i32
    %dma_wait3A_1160 = arith.constant 640 : i32
    %dma_wait3A_1161 = tpu.memref_slice %arg11[%dma_wait3A_1160] : memref<3328xf32, #tpu.memory_space<vmem>> -> memref<128xf32, #tpu.memory_space<vmem>>
    %dma_wait3A_1162 = arith.constant 0 : i32
    %dma_wait3A_1163 = tpu.memref_slice %arg9[%dma_wait3A_1159, %dma_wait3A_1162] : memref<26x128xi32, #tpu.memory_space<vmem>> -> memref<1x128xi32, #tpu.memory_space<vmem>>
    %dma_wait3A_1164 = tpu.memref_squeeze %dma_wait3A_1163 : memref<1x128xi32, #tpu.memory_space<vmem>> -> memref<128xi32, #tpu.memory_space<vmem>>
    %dma_wait3A_1165 = arith.constant 0 : i32
    %dma_wait3A_1166 = tpu.memref_slice %arg3[%dma_wait3A_1158, %dma_wait3A_1165] : memref<26x100000xf32, #tpu.memory_space<hbm>> -> memref<1x100000xf32, #tpu.memory_space<hbm>>
    %dma_wait3A_1167 = tpu.memref_squeeze %dma_wait3A_1166 : memref<1x100000xf32, #tpu.memory_space<hbm>> -> memref<100000xf32, #tpu.memory_space<hbm>>
    %dma_wait3A_1168 = arith.constant 0 : i32
    %dma_wait3A_1169 = tpu.memref_slice %dma_wait3A_1167[%dma_wait3A_1168] : memref<100000xf32, #tpu.memory_space<hbm>> -> memref<100000xf32, #tpu.memory_space<hbm>>
    tpu.wait_indirect_dma semaphore(%arg15 : memref<!tpu.dma_semaphore, #tpu.memory_space<semaphore_mem>>) src(%dma_wait3A_1169 : memref<100000xf32, #tpu.memory_space<hbm>>) dst(%dma_wait3A_1161 : memref<128xf32, #tpu.memory_space<vmem>>)
    %dma_wait3A_1170 = arith.constant 6 : i32
    %dma_wait3A_1171 = arith.constant 6 : i32
    %dma_wait3A_1172 = arith.constant 768 : i32
    %dma_wait3A_1173 = tpu.memref_slice %arg11[%dma_wait3A_1172] : memref<3328xf32, #tpu.memory_space<vmem>> -> memref<128xf32, #tpu.memory_space<vmem>>
    %dma_wait3A_1174 = arith.constant 0 : i32
    %dma_wait3A_1175 = tpu.memref_slice %arg9[%dma_wait3A_1171, %dma_wait3A_1174] : memref<26x128xi32, #tpu.memory_space<vmem>> -> memref<1x128xi32, #tpu.memory_space<vmem>>
    %dma_wait3A_1176 = tpu.memref_squeeze %dma_wait3A_1175 : memref<1x128xi32, #tpu.memory_space<vmem>> -> memref<128xi32, #tpu.memory_space<vmem>>
    %dma_wait3A_1177 = arith.constant 0 : i32
    %dma_wait3A_1178 = tpu.memref_slice %arg3[%dma_wait3A_1170, %dma_wait3A_1177] : memref<26x100000xf32, #tpu.memory_space<hbm>> -> memref<1x100000xf32, #tpu.memory_space<hbm>>
    %dma_wait3A_1179 = tpu.memref_squeeze %dma_wait3A_1178 : memref<1x100000xf32, #tpu.memory_space<hbm>> -> memref<100000xf32, #tpu.memory_space<hbm>>
    %dma_wait3A_1180 = arith.constant 0 : i32
    %dma_wait3A_1181 = tpu.memref_slice %dma_wait3A_1179[%dma_wait3A_1180] : memref<100000xf32, #tpu.memory_space<hbm>> -> memref<100000xf32, #tpu.memory_space<hbm>>
    tpu.wait_indirect_dma semaphore(%arg15 : memref<!tpu.dma_semaphore, #tpu.memory_space<semaphore_mem>>) src(%dma_wait3A_1181 : memref<100000xf32, #tpu.memory_space<hbm>>) dst(%dma_wait3A_1173 : memref<128xf32, #tpu.memory_space<vmem>>)
    %dma_wait3A_1182 = arith.constant 7 : i32
    %dma_wait3A_1183 = arith.constant 7 : i32
    %dma_wait3A_1184 = arith.constant 896 : i32
    %dma_wait3A_1185 = tpu.memref_slice %arg11[%dma_wait3A_1184] : memref<3328xf32, #tpu.memory_space<vmem>> -> memref<128xf32, #tpu.memory_space<vmem>>
    %dma_wait3A_1186 = arith.constant 0 : i32
    %dma_wait3A_1187 = tpu.memref_slice %arg9[%dma_wait3A_1183, %dma_wait3A_1186] : memref<26x128xi32, #tpu.memory_space<vmem>> -> memref<1x128xi32, #tpu.memory_space<vmem>>
    %dma_wait3A_1188 = tpu.memref_squeeze %dma_wait3A_1187 : memref<1x128xi32, #tpu.memory_space<vmem>> -> memref<128xi32, #tpu.memory_space<vmem>>
    %dma_wait3A_1189 = arith.constant 0 : i32
    %dma_wait3A_1190 = tpu.memref_slice %arg3[%dma_wait3A_1182, %dma_wait3A_1189] : memref<26x100000xf32, #tpu.memory_space<hbm>> -> memref<1x100000xf32, #tpu.memory_space<hbm>>
    %dma_wait3A_1191 = tpu.memref_squeeze %dma_wait3A_1190 : memref<1x100000xf32, #tpu.memory_space<hbm>> -> memref<100000xf32, #tpu.memory_space<hbm>>
    %dma_wait3A_1192 = arith.constant 0 : i32
    %dma_wait3A_1193 = tpu.memref_slice %dma_wait3A_1191[%dma_wait3A_1192] : memref<100000xf32, #tpu.memory_space<hbm>> -> memref<100000xf32, #tpu.memory_space<hbm>>
    tpu.wait_indirect_dma semaphore(%arg15 : memref<!tpu.dma_semaphore, #tpu.memory_space<semaphore_mem>>) src(%dma_wait3A_1193 : memref<100000xf32, #tpu.memory_space<hbm>>) dst(%dma_wait3A_1185 : memref<128xf32, #tpu.memory_space<vmem>>)
    %dma_wait3A_1194 = arith.constant 8 : i32
    %dma_wait3A_1195 = arith.constant 8 : i32
    %dma_wait3A_1196 = arith.constant 1024 : i32
    %dma_wait3A_1197 = tpu.memref_slice %arg11[%dma_wait3A_1196] : memref<3328xf32, #tpu.memory_space<vmem>> -> memref<128xf32, #tpu.memory_space<vmem>>
    %dma_wait3A_1198 = arith.constant 0 : i32
    %dma_wait3A_1199 = tpu.memref_slice %arg9[%dma_wait3A_1195, %dma_wait3A_1198] : memref<26x128xi32, #tpu.memory_space<vmem>> -> memref<1x128xi32, #tpu.memory_space<vmem>>
    %dma_wait3A_1200 = tpu.memref_squeeze %dma_wait3A_1199 : memref<1x128xi32, #tpu.memory_space<vmem>> -> memref<128xi32, #tpu.memory_space<vmem>>
    %dma_wait3A_1201 = arith.constant 0 : i32
    %dma_wait3A_1202 = tpu.memref_slice %arg3[%dma_wait3A_1194, %dma_wait3A_1201] : memref<26x100000xf32, #tpu.memory_space<hbm>> -> memref<1x100000xf32, #tpu.memory_space<hbm>>
    %dma_wait3A_1203 = tpu.memref_squeeze %dma_wait3A_1202 : memref<1x100000xf32, #tpu.memory_space<hbm>> -> memref<100000xf32, #tpu.memory_space<hbm>>
    %dma_wait3A_1204 = arith.constant 0 : i32
    %dma_wait3A_1205 = tpu.memref_slice %dma_wait3A_1203[%dma_wait3A_1204] : memref<100000xf32, #tpu.memory_space<hbm>> -> memref<100000xf32, #tpu.memory_space<hbm>>
    tpu.wait_indirect_dma semaphore(%arg15 : memref<!tpu.dma_semaphore, #tpu.memory_space<semaphore_mem>>) src(%dma_wait3A_1205 : memref<100000xf32, #tpu.memory_space<hbm>>) dst(%dma_wait3A_1197 : memref<128xf32, #tpu.memory_space<vmem>>)
    %dma_wait3A_1206 = arith.constant 9 : i32
    %dma_wait3A_1207 = arith.constant 9 : i32
    %dma_wait3A_1208 = arith.constant 1152 : i32
    %dma_wait3A_1209 = tpu.memref_slice %arg11[%dma_wait3A_1208] : memref<3328xf32, #tpu.memory_space<vmem>> -> memref<128xf32, #tpu.memory_space<vmem>>
    %dma_wait3A_1210 = arith.constant 0 : i32
    %dma_wait3A_1211 = tpu.memref_slice %arg9[%dma_wait3A_1207, %dma_wait3A_1210] : memref<26x128xi32, #tpu.memory_space<vmem>> -> memref<1x128xi32, #tpu.memory_space<vmem>>
    %dma_wait3A_1212 = tpu.memref_squeeze %dma_wait3A_1211 : memref<1x128xi32, #tpu.memory_space<vmem>> -> memref<128xi32, #tpu.memory_space<vmem>>
    %dma_wait3A_1213 = arith.constant 0 : i32
    %dma_wait3A_1214 = tpu.memref_slice %arg3[%dma_wait3A_1206, %dma_wait3A_1213] : memref<26x100000xf32, #tpu.memory_space<hbm>> -> memref<1x100000xf32, #tpu.memory_space<hbm>>
    %dma_wait3A_1215 = tpu.memref_squeeze %dma_wait3A_1214 : memref<1x100000xf32, #tpu.memory_space<hbm>> -> memref<100000xf32, #tpu.memory_space<hbm>>
    %dma_wait3A_1216 = arith.constant 0 : i32
    %dma_wait3A_1217 = tpu.memref_slice %dma_wait3A_1215[%dma_wait3A_1216] : memref<100000xf32, #tpu.memory_space<hbm>> -> memref<100000xf32, #tpu.memory_space<hbm>>
    tpu.wait_indirect_dma semaphore(%arg15 : memref<!tpu.dma_semaphore, #tpu.memory_space<semaphore_mem>>) src(%dma_wait3A_1217 : memref<100000xf32, #tpu.memory_space<hbm>>) dst(%dma_wait3A_1209 : memref<128xf32, #tpu.memory_space<vmem>>)
    %dma_wait3A_1218 = arith.constant 10 : i32
    %dma_wait3A_1219 = arith.constant 10 : i32
    %dma_wait3A_1220 = arith.constant 1280 : i32
    %dma_wait3A_1221 = tpu.memref_slice %arg11[%dma_wait3A_1220] : memref<3328xf32, #tpu.memory_space<vmem>> -> memref<128xf32, #tpu.memory_space<vmem>>
    %dma_wait3A_1222 = arith.constant 0 : i32
    %dma_wait3A_1223 = tpu.memref_slice %arg9[%dma_wait3A_1219, %dma_wait3A_1222] : memref<26x128xi32, #tpu.memory_space<vmem>> -> memref<1x128xi32, #tpu.memory_space<vmem>>
    %dma_wait3A_1224 = tpu.memref_squeeze %dma_wait3A_1223 : memref<1x128xi32, #tpu.memory_space<vmem>> -> memref<128xi32, #tpu.memory_space<vmem>>
    %dma_wait3A_1225 = arith.constant 0 : i32
    %dma_wait3A_1226 = tpu.memref_slice %arg3[%dma_wait3A_1218, %dma_wait3A_1225] : memref<26x100000xf32, #tpu.memory_space<hbm>> -> memref<1x100000xf32, #tpu.memory_space<hbm>>
    %dma_wait3A_1227 = tpu.memref_squeeze %dma_wait3A_1226 : memref<1x100000xf32, #tpu.memory_space<hbm>> -> memref<100000xf32, #tpu.memory_space<hbm>>
    %dma_wait3A_1228 = arith.constant 0 : i32
    %dma_wait3A_1229 = tpu.memref_slice %dma_wait3A_1227[%dma_wait3A_1228] : memref<100000xf32, #tpu.memory_space<hbm>> -> memref<100000xf32, #tpu.memory_space<hbm>>
    tpu.wait_indirect_dma semaphore(%arg15 : memref<!tpu.dma_semaphore, #tpu.memory_space<semaphore_mem>>) src(%dma_wait3A_1229 : memref<100000xf32, #tpu.memory_space<hbm>>) dst(%dma_wait3A_1221 : memref<128xf32, #tpu.memory_space<vmem>>)
    %dma_wait3A_1230 = arith.constant 11 : i32
    %dma_wait3A_1231 = arith.constant 11 : i32
    %dma_wait3A_1232 = arith.constant 1408 : i32
    %dma_wait3A_1233 = tpu.memref_slice %arg11[%dma_wait3A_1232] : memref<3328xf32, #tpu.memory_space<vmem>> -> memref<128xf32, #tpu.memory_space<vmem>>
    %dma_wait3A_1234 = arith.constant 0 : i32
    %dma_wait3A_1235 = tpu.memref_slice %arg9[%dma_wait3A_1231, %dma_wait3A_1234] : memref<26x128xi32, #tpu.memory_space<vmem>> -> memref<1x128xi32, #tpu.memory_space<vmem>>
    %dma_wait3A_1236 = tpu.memref_squeeze %dma_wait3A_1235 : memref<1x128xi32, #tpu.memory_space<vmem>> -> memref<128xi32, #tpu.memory_space<vmem>>
    %dma_wait3A_1237 = arith.constant 0 : i32
    %dma_wait3A_1238 = tpu.memref_slice %arg3[%dma_wait3A_1230, %dma_wait3A_1237] : memref<26x100000xf32, #tpu.memory_space<hbm>> -> memref<1x100000xf32, #tpu.memory_space<hbm>>
    %dma_wait3A_1239 = tpu.memref_squeeze %dma_wait3A_1238 : memref<1x100000xf32, #tpu.memory_space<hbm>> -> memref<100000xf32, #tpu.memory_space<hbm>>
    %dma_wait3A_1240 = arith.constant 0 : i32
    %dma_wait3A_1241 = tpu.memref_slice %dma_wait3A_1239[%dma_wait3A_1240] : memref<100000xf32, #tpu.memory_space<hbm>> -> memref<100000xf32, #tpu.memory_space<hbm>>
    tpu.wait_indirect_dma semaphore(%arg15 : memref<!tpu.dma_semaphore, #tpu.memory_space<semaphore_mem>>) src(%dma_wait3A_1241 : memref<100000xf32, #tpu.memory_space<hbm>>) dst(%dma_wait3A_1233 : memref<128xf32, #tpu.memory_space<vmem>>)
    %dma_wait3A_1242 = arith.constant 12 : i32
    %dma_wait3A_1243 = arith.constant 12 : i32
    %dma_wait3A_1244 = arith.constant 1536 : i32
    %dma_wait3A_1245 = tpu.memref_slice %arg11[%dma_wait3A_1244] : memref<3328xf32, #tpu.memory_space<vmem>> -> memref<128xf32, #tpu.memory_space<vmem>>
    %dma_wait3A_1246 = arith.constant 0 : i32
    %dma_wait3A_1247 = tpu.memref_slice %arg9[%dma_wait3A_1243, %dma_wait3A_1246] : memref<26x128xi32, #tpu.memory_space<vmem>> -> memref<1x128xi32, #tpu.memory_space<vmem>>
    %dma_wait3A_1248 = tpu.memref_squeeze %dma_wait3A_1247 : memref<1x128xi32, #tpu.memory_space<vmem>> -> memref<128xi32, #tpu.memory_space<vmem>>
    %dma_wait3A_1249 = arith.constant 0 : i32
    %dma_wait3A_1250 = tpu.memref_slice %arg3[%dma_wait3A_1242, %dma_wait3A_1249] : memref<26x100000xf32, #tpu.memory_space<hbm>> -> memref<1x100000xf32, #tpu.memory_space<hbm>>
    %dma_wait3A_1251 = tpu.memref_squeeze %dma_wait3A_1250 : memref<1x100000xf32, #tpu.memory_space<hbm>> -> memref<100000xf32, #tpu.memory_space<hbm>>
    %dma_wait3A_1252 = arith.constant 0 : i32
    %dma_wait3A_1253 = tpu.memref_slice %dma_wait3A_1251[%dma_wait3A_1252] : memref<100000xf32, #tpu.memory_space<hbm>> -> memref<100000xf32, #tpu.memory_space<hbm>>
    tpu.wait_indirect_dma semaphore(%arg15 : memref<!tpu.dma_semaphore, #tpu.memory_space<semaphore_mem>>) src(%dma_wait3A_1253 : memref<100000xf32, #tpu.memory_space<hbm>>) dst(%dma_wait3A_1245 : memref<128xf32, #tpu.memory_space<vmem>>)
    %dma_wait3A_1254 = arith.constant 13 : i32
    %dma_wait3A_1255 = arith.constant 13 : i32
    %dma_wait3A_1256 = arith.constant 1664 : i32
    %dma_wait3A_1257 = tpu.memref_slice %arg11[%dma_wait3A_1256] : memref<3328xf32, #tpu.memory_space<vmem>> -> memref<128xf32, #tpu.memory_space<vmem>>
    %dma_wait3A_1258 = arith.constant 0 : i32
    %dma_wait3A_1259 = tpu.memref_slice %arg9[%dma_wait3A_1255, %dma_wait3A_1258] : memref<26x128xi32, #tpu.memory_space<vmem>> -> memref<1x128xi32, #tpu.memory_space<vmem>>
    %dma_wait3A_1260 = tpu.memref_squeeze %dma_wait3A_1259 : memref<1x128xi32, #tpu.memory_space<vmem>> -> memref<128xi32, #tpu.memory_space<vmem>>
    %dma_wait3A_1261 = arith.constant 0 : i32
    %dma_wait3A_1262 = tpu.memref_slice %arg3[%dma_wait3A_1254, %dma_wait3A_1261] : memref<26x100000xf32, #tpu.memory_space<hbm>> -> memref<1x100000xf32, #tpu.memory_space<hbm>>
    %dma_wait3A_1263 = tpu.memref_squeeze %dma_wait3A_1262 : memref<1x100000xf32, #tpu.memory_space<hbm>> -> memref<100000xf32, #tpu.memory_space<hbm>>
    %dma_wait3A_1264 = arith.constant 0 : i32
    %dma_wait3A_1265 = tpu.memref_slice %dma_wait3A_1263[%dma_wait3A_1264] : memref<100000xf32, #tpu.memory_space<hbm>> -> memref<100000xf32, #tpu.memory_space<hbm>>
    tpu.wait_indirect_dma semaphore(%arg15 : memref<!tpu.dma_semaphore, #tpu.memory_space<semaphore_mem>>) src(%dma_wait3A_1265 : memref<100000xf32, #tpu.memory_space<hbm>>) dst(%dma_wait3A_1257 : memref<128xf32, #tpu.memory_space<vmem>>)
    %dma_wait3A_1266 = arith.constant 14 : i32
    %dma_wait3A_1267 = arith.constant 14 : i32
    %dma_wait3A_1268 = arith.constant 1792 : i32
    %dma_wait3A_1269 = tpu.memref_slice %arg11[%dma_wait3A_1268] : memref<3328xf32, #tpu.memory_space<vmem>> -> memref<128xf32, #tpu.memory_space<vmem>>
    %dma_wait3A_1270 = arith.constant 0 : i32
    %dma_wait3A_1271 = tpu.memref_slice %arg9[%dma_wait3A_1267, %dma_wait3A_1270] : memref<26x128xi32, #tpu.memory_space<vmem>> -> memref<1x128xi32, #tpu.memory_space<vmem>>
    %dma_wait3A_1272 = tpu.memref_squeeze %dma_wait3A_1271 : memref<1x128xi32, #tpu.memory_space<vmem>> -> memref<128xi32, #tpu.memory_space<vmem>>
    %dma_wait3A_1273 = arith.constant 0 : i32
    %dma_wait3A_1274 = tpu.memref_slice %arg3[%dma_wait3A_1266, %dma_wait3A_1273] : memref<26x100000xf32, #tpu.memory_space<hbm>> -> memref<1x100000xf32, #tpu.memory_space<hbm>>
    %dma_wait3A_1275 = tpu.memref_squeeze %dma_wait3A_1274 : memref<1x100000xf32, #tpu.memory_space<hbm>> -> memref<100000xf32, #tpu.memory_space<hbm>>
    %dma_wait3A_1276 = arith.constant 0 : i32
    %dma_wait3A_1277 = tpu.memref_slice %dma_wait3A_1275[%dma_wait3A_1276] : memref<100000xf32, #tpu.memory_space<hbm>> -> memref<100000xf32, #tpu.memory_space<hbm>>
    tpu.wait_indirect_dma semaphore(%arg15 : memref<!tpu.dma_semaphore, #tpu.memory_space<semaphore_mem>>) src(%dma_wait3A_1277 : memref<100000xf32, #tpu.memory_space<hbm>>) dst(%dma_wait3A_1269 : memref<128xf32, #tpu.memory_space<vmem>>)
    %dma_wait3A_1278 = arith.constant 15 : i32
    %dma_wait3A_1279 = arith.constant 15 : i32
    %dma_wait3A_1280 = arith.constant 1920 : i32
    %dma_wait3A_1281 = tpu.memref_slice %arg11[%dma_wait3A_1280] : memref<3328xf32, #tpu.memory_space<vmem>> -> memref<128xf32, #tpu.memory_space<vmem>>
    %dma_wait3A_1282 = arith.constant 0 : i32
    %dma_wait3A_1283 = tpu.memref_slice %arg9[%dma_wait3A_1279, %dma_wait3A_1282] : memref<26x128xi32, #tpu.memory_space<vmem>> -> memref<1x128xi32, #tpu.memory_space<vmem>>
    %dma_wait3A_1284 = tpu.memref_squeeze %dma_wait3A_1283 : memref<1x128xi32, #tpu.memory_space<vmem>> -> memref<128xi32, #tpu.memory_space<vmem>>
    %dma_wait3A_1285 = arith.constant 0 : i32
    %dma_wait3A_1286 = tpu.memref_slice %arg3[%dma_wait3A_1278, %dma_wait3A_1285] : memref<26x100000xf32, #tpu.memory_space<hbm>> -> memref<1x100000xf32, #tpu.memory_space<hbm>>
    %dma_wait3A_1287 = tpu.memref_squeeze %dma_wait3A_1286 : memref<1x100000xf32, #tpu.memory_space<hbm>> -> memref<100000xf32, #tpu.memory_space<hbm>>
    %dma_wait3A_1288 = arith.constant 0 : i32
    %dma_wait3A_1289 = tpu.memref_slice %dma_wait3A_1287[%dma_wait3A_1288] : memref<100000xf32, #tpu.memory_space<hbm>> -> memref<100000xf32, #tpu.memory_space<hbm>>
    tpu.wait_indirect_dma semaphore(%arg15 : memref<!tpu.dma_semaphore, #tpu.memory_space<semaphore_mem>>) src(%dma_wait3A_1289 : memref<100000xf32, #tpu.memory_space<hbm>>) dst(%dma_wait3A_1281 : memref<128xf32, #tpu.memory_space<vmem>>)
    %dma_wait3A_1290 = arith.constant 16 : i32
    %dma_wait3A_1291 = arith.constant 16 : i32
    %dma_wait3A_1292 = arith.constant 2048 : i32
    %dma_wait3A_1293 = tpu.memref_slice %arg11[%dma_wait3A_1292] : memref<3328xf32, #tpu.memory_space<vmem>> -> memref<128xf32, #tpu.memory_space<vmem>>
    %dma_wait3A_1294 = arith.constant 0 : i32
    %dma_wait3A_1295 = tpu.memref_slice %arg9[%dma_wait3A_1291, %dma_wait3A_1294] : memref<26x128xi32, #tpu.memory_space<vmem>> -> memref<1x128xi32, #tpu.memory_space<vmem>>
    %dma_wait3A_1296 = tpu.memref_squeeze %dma_wait3A_1295 : memref<1x128xi32, #tpu.memory_space<vmem>> -> memref<128xi32, #tpu.memory_space<vmem>>
    %dma_wait3A_1297 = arith.constant 0 : i32
    %dma_wait3A_1298 = tpu.memref_slice %arg3[%dma_wait3A_1290, %dma_wait3A_1297] : memref<26x100000xf32, #tpu.memory_space<hbm>> -> memref<1x100000xf32, #tpu.memory_space<hbm>>
    %dma_wait3A_1299 = tpu.memref_squeeze %dma_wait3A_1298 : memref<1x100000xf32, #tpu.memory_space<hbm>> -> memref<100000xf32, #tpu.memory_space<hbm>>
    %dma_wait3A_1300 = arith.constant 0 : i32
    %dma_wait3A_1301 = tpu.memref_slice %dma_wait3A_1299[%dma_wait3A_1300] : memref<100000xf32, #tpu.memory_space<hbm>> -> memref<100000xf32, #tpu.memory_space<hbm>>
    tpu.wait_indirect_dma semaphore(%arg15 : memref<!tpu.dma_semaphore, #tpu.memory_space<semaphore_mem>>) src(%dma_wait3A_1301 : memref<100000xf32, #tpu.memory_space<hbm>>) dst(%dma_wait3A_1293 : memref<128xf32, #tpu.memory_space<vmem>>)
    %dma_wait3A_1302 = arith.constant 17 : i32
    %dma_wait3A_1303 = arith.constant 17 : i32
    %dma_wait3A_1304 = arith.constant 2176 : i32
    %dma_wait3A_1305 = tpu.memref_slice %arg11[%dma_wait3A_1304] : memref<3328xf32, #tpu.memory_space<vmem>> -> memref<128xf32, #tpu.memory_space<vmem>>
    %dma_wait3A_1306 = arith.constant 0 : i32
    %dma_wait3A_1307 = tpu.memref_slice %arg9[%dma_wait3A_1303, %dma_wait3A_1306] : memref<26x128xi32, #tpu.memory_space<vmem>> -> memref<1x128xi32, #tpu.memory_space<vmem>>
    %dma_wait3A_1308 = tpu.memref_squeeze %dma_wait3A_1307 : memref<1x128xi32, #tpu.memory_space<vmem>> -> memref<128xi32, #tpu.memory_space<vmem>>
    %dma_wait3A_1309 = arith.constant 0 : i32
    %dma_wait3A_1310 = tpu.memref_slice %arg3[%dma_wait3A_1302, %dma_wait3A_1309] : memref<26x100000xf32, #tpu.memory_space<hbm>> -> memref<1x100000xf32, #tpu.memory_space<hbm>>
    %dma_wait3A_1311 = tpu.memref_squeeze %dma_wait3A_1310 : memref<1x100000xf32, #tpu.memory_space<hbm>> -> memref<100000xf32, #tpu.memory_space<hbm>>
    %dma_wait3A_1312 = arith.constant 0 : i32
    %dma_wait3A_1313 = tpu.memref_slice %dma_wait3A_1311[%dma_wait3A_1312] : memref<100000xf32, #tpu.memory_space<hbm>> -> memref<100000xf32, #tpu.memory_space<hbm>>
    tpu.wait_indirect_dma semaphore(%arg15 : memref<!tpu.dma_semaphore, #tpu.memory_space<semaphore_mem>>) src(%dma_wait3A_1313 : memref<100000xf32, #tpu.memory_space<hbm>>) dst(%dma_wait3A_1305 : memref<128xf32, #tpu.memory_space<vmem>>)
    %dma_wait3A_1314 = arith.constant 18 : i32
    %dma_wait3A_1315 = arith.constant 18 : i32
    %dma_wait3A_1316 = arith.constant 2304 : i32
    %dma_wait3A_1317 = tpu.memref_slice %arg11[%dma_wait3A_1316] : memref<3328xf32, #tpu.memory_space<vmem>> -> memref<128xf32, #tpu.memory_space<vmem>>
    %dma_wait3A_1318 = arith.constant 0 : i32
    %dma_wait3A_1319 = tpu.memref_slice %arg9[%dma_wait3A_1315, %dma_wait3A_1318] : memref<26x128xi32, #tpu.memory_space<vmem>> -> memref<1x128xi32, #tpu.memory_space<vmem>>
    %dma_wait3A_1320 = tpu.memref_squeeze %dma_wait3A_1319 : memref<1x128xi32, #tpu.memory_space<vmem>> -> memref<128xi32, #tpu.memory_space<vmem>>
    %dma_wait3A_1321 = arith.constant 0 : i32
    %dma_wait3A_1322 = tpu.memref_slice %arg3[%dma_wait3A_1314, %dma_wait3A_1321] : memref<26x100000xf32, #tpu.memory_space<hbm>> -> memref<1x100000xf32, #tpu.memory_space<hbm>>
    %dma_wait3A_1323 = tpu.memref_squeeze %dma_wait3A_1322 : memref<1x100000xf32, #tpu.memory_space<hbm>> -> memref<100000xf32, #tpu.memory_space<hbm>>
    %dma_wait3A_1324 = arith.constant 0 : i32
    %dma_wait3A_1325 = tpu.memref_slice %dma_wait3A_1323[%dma_wait3A_1324] : memref<100000xf32, #tpu.memory_space<hbm>> -> memref<100000xf32, #tpu.memory_space<hbm>>
    tpu.wait_indirect_dma semaphore(%arg15 : memref<!tpu.dma_semaphore, #tpu.memory_space<semaphore_mem>>) src(%dma_wait3A_1325 : memref<100000xf32, #tpu.memory_space<hbm>>) dst(%dma_wait3A_1317 : memref<128xf32, #tpu.memory_space<vmem>>)
    %dma_wait3A_1326 = arith.constant 19 : i32
    %dma_wait3A_1327 = arith.constant 19 : i32
    %dma_wait3A_1328 = arith.constant 2432 : i32
    %dma_wait3A_1329 = tpu.memref_slice %arg11[%dma_wait3A_1328] : memref<3328xf32, #tpu.memory_space<vmem>> -> memref<128xf32, #tpu.memory_space<vmem>>
    %dma_wait3A_1330 = arith.constant 0 : i32
    %dma_wait3A_1331 = tpu.memref_slice %arg9[%dma_wait3A_1327, %dma_wait3A_1330] : memref<26x128xi32, #tpu.memory_space<vmem>> -> memref<1x128xi32, #tpu.memory_space<vmem>>
    %dma_wait3A_1332 = tpu.memref_squeeze %dma_wait3A_1331 : memref<1x128xi32, #tpu.memory_space<vmem>> -> memref<128xi32, #tpu.memory_space<vmem>>
    %dma_wait3A_1333 = arith.constant 0 : i32
    %dma_wait3A_1334 = tpu.memref_slice %arg3[%dma_wait3A_1326, %dma_wait3A_1333] : memref<26x100000xf32, #tpu.memory_space<hbm>> -> memref<1x100000xf32, #tpu.memory_space<hbm>>
    %dma_wait3A_1335 = tpu.memref_squeeze %dma_wait3A_1334 : memref<1x100000xf32, #tpu.memory_space<hbm>> -> memref<100000xf32, #tpu.memory_space<hbm>>
    %dma_wait3A_1336 = arith.constant 0 : i32
    %dma_wait3A_1337 = tpu.memref_slice %dma_wait3A_1335[%dma_wait3A_1336] : memref<100000xf32, #tpu.memory_space<hbm>> -> memref<100000xf32, #tpu.memory_space<hbm>>
    tpu.wait_indirect_dma semaphore(%arg15 : memref<!tpu.dma_semaphore, #tpu.memory_space<semaphore_mem>>) src(%dma_wait3A_1337 : memref<100000xf32, #tpu.memory_space<hbm>>) dst(%dma_wait3A_1329 : memref<128xf32, #tpu.memory_space<vmem>>)
    %dma_wait3A_1338 = arith.constant 20 : i32
    %dma_wait3A_1339 = arith.constant 20 : i32
    %dma_wait3A_1340 = arith.constant 2560 : i32
    %dma_wait3A_1341 = tpu.memref_slice %arg11[%dma_wait3A_1340] : memref<3328xf32, #tpu.memory_space<vmem>> -> memref<128xf32, #tpu.memory_space<vmem>>
    %dma_wait3A_1342 = arith.constant 0 : i32
    %dma_wait3A_1343 = tpu.memref_slice %arg9[%dma_wait3A_1339, %dma_wait3A_1342] : memref<26x128xi32, #tpu.memory_space<vmem>> -> memref<1x128xi32, #tpu.memory_space<vmem>>
    %dma_wait3A_1344 = tpu.memref_squeeze %dma_wait3A_1343 : memref<1x128xi32, #tpu.memory_space<vmem>> -> memref<128xi32, #tpu.memory_space<vmem>>
    %dma_wait3A_1345 = arith.constant 0 : i32
    %dma_wait3A_1346 = tpu.memref_slice %arg3[%dma_wait3A_1338, %dma_wait3A_1345] : memref<26x100000xf32, #tpu.memory_space<hbm>> -> memref<1x100000xf32, #tpu.memory_space<hbm>>
    %dma_wait3A_1347 = tpu.memref_squeeze %dma_wait3A_1346 : memref<1x100000xf32, #tpu.memory_space<hbm>> -> memref<100000xf32, #tpu.memory_space<hbm>>
    %dma_wait3A_1348 = arith.constant 0 : i32
    %dma_wait3A_1349 = tpu.memref_slice %dma_wait3A_1347[%dma_wait3A_1348] : memref<100000xf32, #tpu.memory_space<hbm>> -> memref<100000xf32, #tpu.memory_space<hbm>>
    tpu.wait_indirect_dma semaphore(%arg15 : memref<!tpu.dma_semaphore, #tpu.memory_space<semaphore_mem>>) src(%dma_wait3A_1349 : memref<100000xf32, #tpu.memory_space<hbm>>) dst(%dma_wait3A_1341 : memref<128xf32, #tpu.memory_space<vmem>>)
    %dma_wait3A_1350 = arith.constant 21 : i32
    %dma_wait3A_1351 = arith.constant 21 : i32
    %dma_wait3A_1352 = arith.constant 2688 : i32
    %dma_wait3A_1353 = tpu.memref_slice %arg11[%dma_wait3A_1352] : memref<3328xf32, #tpu.memory_space<vmem>> -> memref<128xf32, #tpu.memory_space<vmem>>
    %dma_wait3A_1354 = arith.constant 0 : i32
    %dma_wait3A_1355 = tpu.memref_slice %arg9[%dma_wait3A_1351, %dma_wait3A_1354] : memref<26x128xi32, #tpu.memory_space<vmem>> -> memref<1x128xi32, #tpu.memory_space<vmem>>
    %dma_wait3A_1356 = tpu.memref_squeeze %dma_wait3A_1355 : memref<1x128xi32, #tpu.memory_space<vmem>> -> memref<128xi32, #tpu.memory_space<vmem>>
    %dma_wait3A_1357 = arith.constant 0 : i32
    %dma_wait3A_1358 = tpu.memref_slice %arg3[%dma_wait3A_1350, %dma_wait3A_1357] : memref<26x100000xf32, #tpu.memory_space<hbm>> -> memref<1x100000xf32, #tpu.memory_space<hbm>>
    %dma_wait3A_1359 = tpu.memref_squeeze %dma_wait3A_1358 : memref<1x100000xf32, #tpu.memory_space<hbm>> -> memref<100000xf32, #tpu.memory_space<hbm>>
    %dma_wait3A_1360 = arith.constant 0 : i32
    %dma_wait3A_1361 = tpu.memref_slice %dma_wait3A_1359[%dma_wait3A_1360] : memref<100000xf32, #tpu.memory_space<hbm>> -> memref<100000xf32, #tpu.memory_space<hbm>>
    tpu.wait_indirect_dma semaphore(%arg15 : memref<!tpu.dma_semaphore, #tpu.memory_space<semaphore_mem>>) src(%dma_wait3A_1361 : memref<100000xf32, #tpu.memory_space<hbm>>) dst(%dma_wait3A_1353 : memref<128xf32, #tpu.memory_space<vmem>>)
    %dma_wait3A_1362 = arith.constant 22 : i32
    %dma_wait3A_1363 = arith.constant 22 : i32
    %dma_wait3A_1364 = arith.constant 2816 : i32
    %dma_wait3A_1365 = tpu.memref_slice %arg11[%dma_wait3A_1364] : memref<3328xf32, #tpu.memory_space<vmem>> -> memref<128xf32, #tpu.memory_space<vmem>>
    %dma_wait3A_1366 = arith.constant 0 : i32
    %dma_wait3A_1367 = tpu.memref_slice %arg9[%dma_wait3A_1363, %dma_wait3A_1366] : memref<26x128xi32, #tpu.memory_space<vmem>> -> memref<1x128xi32, #tpu.memory_space<vmem>>
    %dma_wait3A_1368 = tpu.memref_squeeze %dma_wait3A_1367 : memref<1x128xi32, #tpu.memory_space<vmem>> -> memref<128xi32, #tpu.memory_space<vmem>>
    %dma_wait3A_1369 = arith.constant 0 : i32
    %dma_wait3A_1370 = tpu.memref_slice %arg3[%dma_wait3A_1362, %dma_wait3A_1369] : memref<26x100000xf32, #tpu.memory_space<hbm>> -> memref<1x100000xf32, #tpu.memory_space<hbm>>
    %dma_wait3A_1371 = tpu.memref_squeeze %dma_wait3A_1370 : memref<1x100000xf32, #tpu.memory_space<hbm>> -> memref<100000xf32, #tpu.memory_space<hbm>>
    %dma_wait3A_1372 = arith.constant 0 : i32
    %dma_wait3A_1373 = tpu.memref_slice %dma_wait3A_1371[%dma_wait3A_1372] : memref<100000xf32, #tpu.memory_space<hbm>> -> memref<100000xf32, #tpu.memory_space<hbm>>
    tpu.wait_indirect_dma semaphore(%arg15 : memref<!tpu.dma_semaphore, #tpu.memory_space<semaphore_mem>>) src(%dma_wait3A_1373 : memref<100000xf32, #tpu.memory_space<hbm>>) dst(%dma_wait3A_1365 : memref<128xf32, #tpu.memory_space<vmem>>)
    %dma_wait3A_1374 = arith.constant 23 : i32
    %dma_wait3A_1375 = arith.constant 23 : i32
    %dma_wait3A_1376 = arith.constant 2944 : i32
    %dma_wait3A_1377 = tpu.memref_slice %arg11[%dma_wait3A_1376] : memref<3328xf32, #tpu.memory_space<vmem>> -> memref<128xf32, #tpu.memory_space<vmem>>
    %dma_wait3A_1378 = arith.constant 0 : i32
    %dma_wait3A_1379 = tpu.memref_slice %arg9[%dma_wait3A_1375, %dma_wait3A_1378] : memref<26x128xi32, #tpu.memory_space<vmem>> -> memref<1x128xi32, #tpu.memory_space<vmem>>
    %dma_wait3A_1380 = tpu.memref_squeeze %dma_wait3A_1379 : memref<1x128xi32, #tpu.memory_space<vmem>> -> memref<128xi32, #tpu.memory_space<vmem>>
    %dma_wait3A_1381 = arith.constant 0 : i32
    %dma_wait3A_1382 = tpu.memref_slice %arg3[%dma_wait3A_1374, %dma_wait3A_1381] : memref<26x100000xf32, #tpu.memory_space<hbm>> -> memref<1x100000xf32, #tpu.memory_space<hbm>>
    %dma_wait3A_1383 = tpu.memref_squeeze %dma_wait3A_1382 : memref<1x100000xf32, #tpu.memory_space<hbm>> -> memref<100000xf32, #tpu.memory_space<hbm>>
    %dma_wait3A_1384 = arith.constant 0 : i32
    %dma_wait3A_1385 = tpu.memref_slice %dma_wait3A_1383[%dma_wait3A_1384] : memref<100000xf32, #tpu.memory_space<hbm>> -> memref<100000xf32, #tpu.memory_space<hbm>>
    tpu.wait_indirect_dma semaphore(%arg15 : memref<!tpu.dma_semaphore, #tpu.memory_space<semaphore_mem>>) src(%dma_wait3A_1385 : memref<100000xf32, #tpu.memory_space<hbm>>) dst(%dma_wait3A_1377 : memref<128xf32, #tpu.memory_space<vmem>>)
    %dma_wait3A_1386 = arith.constant 24 : i32
    %dma_wait3A_1387 = arith.constant 24 : i32
    %dma_wait3A_1388 = arith.constant 3072 : i32
    %dma_wait3A_1389 = tpu.memref_slice %arg11[%dma_wait3A_1388] : memref<3328xf32, #tpu.memory_space<vmem>> -> memref<128xf32, #tpu.memory_space<vmem>>
    %dma_wait3A_1390 = arith.constant 0 : i32
    %dma_wait3A_1391 = tpu.memref_slice %arg9[%dma_wait3A_1387, %dma_wait3A_1390] : memref<26x128xi32, #tpu.memory_space<vmem>> -> memref<1x128xi32, #tpu.memory_space<vmem>>
    %dma_wait3A_1392 = tpu.memref_squeeze %dma_wait3A_1391 : memref<1x128xi32, #tpu.memory_space<vmem>> -> memref<128xi32, #tpu.memory_space<vmem>>
    %dma_wait3A_1393 = arith.constant 0 : i32
    %dma_wait3A_1394 = tpu.memref_slice %arg3[%dma_wait3A_1386, %dma_wait3A_1393] : memref<26x100000xf32, #tpu.memory_space<hbm>> -> memref<1x100000xf32, #tpu.memory_space<hbm>>
    %dma_wait3A_1395 = tpu.memref_squeeze %dma_wait3A_1394 : memref<1x100000xf32, #tpu.memory_space<hbm>> -> memref<100000xf32, #tpu.memory_space<hbm>>
    %dma_wait3A_1396 = arith.constant 0 : i32
    %dma_wait3A_1397 = tpu.memref_slice %dma_wait3A_1395[%dma_wait3A_1396] : memref<100000xf32, #tpu.memory_space<hbm>> -> memref<100000xf32, #tpu.memory_space<hbm>>
    tpu.wait_indirect_dma semaphore(%arg15 : memref<!tpu.dma_semaphore, #tpu.memory_space<semaphore_mem>>) src(%dma_wait3A_1397 : memref<100000xf32, #tpu.memory_space<hbm>>) dst(%dma_wait3A_1389 : memref<128xf32, #tpu.memory_space<vmem>>)
    %dma_wait3A_1398 = arith.constant 25 : i32
    %dma_wait3A_1399 = arith.constant 25 : i32
    %dma_wait3A_1400 = arith.constant 3200 : i32
    %dma_wait3A_1401 = tpu.memref_slice %arg11[%dma_wait3A_1400] : memref<3328xf32, #tpu.memory_space<vmem>> -> memref<128xf32, #tpu.memory_space<vmem>>
    %dma_wait3A_1402 = arith.constant 0 : i32
    %dma_wait3A_1403 = tpu.memref_slice %arg9[%dma_wait3A_1399, %dma_wait3A_1402] : memref<26x128xi32, #tpu.memory_space<vmem>> -> memref<1x128xi32, #tpu.memory_space<vmem>>
    %dma_wait3A_1404 = tpu.memref_squeeze %dma_wait3A_1403 : memref<1x128xi32, #tpu.memory_space<vmem>> -> memref<128xi32, #tpu.memory_space<vmem>>
    %dma_wait3A_1405 = arith.constant 0 : i32
    %dma_wait3A_1406 = tpu.memref_slice %arg3[%dma_wait3A_1398, %dma_wait3A_1405] : memref<26x100000xf32, #tpu.memory_space<hbm>> -> memref<1x100000xf32, #tpu.memory_space<hbm>>
    %dma_wait3A_1407 = tpu.memref_squeeze %dma_wait3A_1406 : memref<1x100000xf32, #tpu.memory_space<hbm>> -> memref<100000xf32, #tpu.memory_space<hbm>>
    %dma_wait3A_1408 = arith.constant 0 : i32
    %dma_wait3A_1409 = tpu.memref_slice %dma_wait3A_1407[%dma_wait3A_1408] : memref<100000xf32, #tpu.memory_space<hbm>> -> memref<100000xf32, #tpu.memory_space<hbm>>
    tpu.wait_indirect_dma semaphore(%arg15 : memref<!tpu.dma_semaphore, #tpu.memory_space<semaphore_mem>>) src(%dma_wait3A_1409 : memref<100000xf32, #tpu.memory_space<hbm>>) dst(%dma_wait3A_1401 : memref<128xf32, #tpu.memory_space<vmem>>)
    %scan3A_1410 = arith.constant 0 : i32
    %scan3A_1411 = arith.constant 0 : i32
    %scan3A_1412 = arith.constant 128 : i32
    %scan3A_1413 = arith.addi %scan3A_1411, %scan3A_1412 : i32
    %scan3A_1414 = arith.constant 1 : i32
    scf.for %scan3A_1418 = %scan3A_1411 to %scan3A_1413 step %scan3A_1414  : i32 {
      %broadcast_in_dim3A = arith.constant 0.000000e+00 : f32
      %broadcast_in_dim3A_1419 = vector.broadcast %broadcast_in_dim3A : f32 to vector<16xf32>
      %broadcast_in_dim3A_1420 = arith.constant 0.000000e+00 : f32
      %broadcast_in_dim3A_1421 = vector.broadcast %broadcast_in_dim3A_1420 : f32 to vector<16xf32>
      %add3A_1422 = arith.constant 0 : i32
      %add3A_1423 = arith.addi %add3A_1422, %scan3A_1418 : i32
      %get3A = arith.index_cast %add3A_1423 : i32 to index
      %get3A_1424 = arith.constant 0 : index
      %get3A_1425 = tpu.vector_load %arg10[%get3A, %get3A_1424] {strides = array<i32>} : memref<3328x16xf32, #tpu.memory_space<vmem>>, vector<16xf32>,
      %add3A_1426 = arith.addf %broadcast_in_dim3A_1419, %get3A_1425 : vector<16xf32>
      %mul3A_1427 = arith.mulf %get3A_1425, %get3A_1425 : vector<16xf32>
      %add3A_1428 = arith.addf %broadcast_in_dim3A_1421, %mul3A_1427 : vector<16xf32>
      %add3A_1429 = arith.constant 128 : i32
      %add3A_1430 = arith.addi %add3A_1429, %scan3A_1418 : i32
      %get3A_1431 = arith.index_cast %add3A_1430 : i32 to index
      %get3A_1432 = arith.constant 0 : index
      %get3A_1433 = tpu.vector_load %arg10[%get3A_1431, %get3A_1432] {strides = array<i32>} : memref<3328x16xf32, #tpu.memory_space<vmem>>, vector<16xf32>,
      %add3A_1434 = arith.addf %add3A_1426, %get3A_1433 : vector<16xf32>
      %mul3A_1435 = arith.mulf %get3A_1433, %get3A_1433 : vector<16xf32>
      %add3A_1436 = arith.addf %add3A_1428, %mul3A_1435 : vector<16xf32>
      %add3A_1437 = arith.constant 256 : i32
      %add3A_1438 = arith.addi %add3A_1437, %scan3A_1418 : i32
      %get3A_1439 = arith.index_cast %add3A_1438 : i32 to index
      %get3A_1440 = arith.constant 0 : index
      %get3A_1441 = tpu.vector_load %arg10[%get3A_1439, %get3A_1440] {strides = array<i32>} : memref<3328x16xf32, #tpu.memory_space<vmem>>, vector<16xf32>,
      %add3A_1442 = arith.addf %add3A_1434, %get3A_1441 : vector<16xf32>
      %mul3A_1443 = arith.mulf %get3A_1441, %get3A_1441 : vector<16xf32>
      %add3A_1444 = arith.addf %add3A_1436, %mul3A_1443 : vector<16xf32>
      %add3A_1445 = arith.constant 384 : i32
      %add3A_1446 = arith.addi %add3A_1445, %scan3A_1418 : i32
      %get3A_1447 = arith.index_cast %add3A_1446 : i32 to index
      %get3A_1448 = arith.constant 0 : index
      %get3A_1449 = tpu.vector_load %arg10[%get3A_1447, %get3A_1448] {strides = array<i32>} : memref<3328x16xf32, #tpu.memory_space<vmem>>, vector<16xf32>,
      %add3A_1450 = arith.addf %add3A_1442, %get3A_1449 : vector<16xf32>
      %mul3A_1451 = arith.mulf %get3A_1449, %get3A_1449 : vector<16xf32>
      %add3A_1452 = arith.addf %add3A_1444, %mul3A_1451 : vector<16xf32>
      %add3A_1453 = arith.constant 512 : i32
      %add3A_1454 = arith.addi %add3A_1453, %scan3A_1418 : i32
      %get3A_1455 = arith.index_cast %add3A_1454 : i32 to index
      %get3A_1456 = arith.constant 0 : index
      %get3A_1457 = tpu.vector_load %arg10[%get3A_1455, %get3A_1456] {strides = array<i32>} : memref<3328x16xf32, #tpu.memory_space<vmem>>, vector<16xf32>,
      %add3A_1458 = arith.addf %add3A_1450, %get3A_1457 : vector<16xf32>
      %mul3A_1459 = arith.mulf %get3A_1457, %get3A_1457 : vector<16xf32>
      %add3A_1460 = arith.addf %add3A_1452, %mul3A_1459 : vector<16xf32>
      %add3A_1461 = arith.constant 640 : i32
      %add3A_1462 = arith.addi %add3A_1461, %scan3A_1418 : i32
      %get3A_1463 = arith.index_cast %add3A_1462 : i32 to index
      %get3A_1464 = arith.constant 0 : index
      %get3A_1465 = tpu.vector_load %arg10[%get3A_1463, %get3A_1464] {strides = array<i32>} : memref<3328x16xf32, #tpu.memory_space<vmem>>, vector<16xf32>,
      %add3A_1466 = arith.addf %add3A_1458, %get3A_1465 : vector<16xf32>
      %mul3A_1467 = arith.mulf %get3A_1465, %get3A_1465 : vector<16xf32>
      %add3A_1468 = arith.addf %add3A_1460, %mul3A_1467 : vector<16xf32>
      %add3A_1469 = arith.constant 768 : i32
      %add3A_1470 = arith.addi %add3A_1469, %scan3A_1418 : i32
      %get3A_1471 = arith.index_cast %add3A_1470 : i32 to index
      %get3A_1472 = arith.constant 0 : index
      %get3A_1473 = tpu.vector_load %arg10[%get3A_1471, %get3A_1472] {strides = array<i32>} : memref<3328x16xf32, #tpu.memory_space<vmem>>, vector<16xf32>,
      %add3A_1474 = arith.addf %add3A_1466, %get3A_1473 : vector<16xf32>
      %mul3A_1475 = arith.mulf %get3A_1473, %get3A_1473 : vector<16xf32>
      %add3A_1476 = arith.addf %add3A_1468, %mul3A_1475 : vector<16xf32>
      %add3A_1477 = arith.constant 896 : i32
      %add3A_1478 = arith.addi %add3A_1477, %scan3A_1418 : i32
      %get3A_1479 = arith.index_cast %add3A_1478 : i32 to index
      %get3A_1480 = arith.constant 0 : index
      %get3A_1481 = tpu.vector_load %arg10[%get3A_1479, %get3A_1480] {strides = array<i32>} : memref<3328x16xf32, #tpu.memory_space<vmem>>, vector<16xf32>,
      %add3A_1482 = arith.addf %add3A_1474, %get3A_1481 : vector<16xf32>
      %mul3A_1483 = arith.mulf %get3A_1481, %get3A_1481 : vector<16xf32>
      %add3A_1484 = arith.addf %add3A_1476, %mul3A_1483 : vector<16xf32>
      %add3A_1485 = arith.constant 1024 : i32
      %add3A_1486 = arith.addi %add3A_1485, %scan3A_1418 : i32
      %get3A_1487 = arith.index_cast %add3A_1486 : i32 to index
      %get3A_1488 = arith.constant 0 : index
      %get3A_1489 = tpu.vector_load %arg10[%get3A_1487, %get3A_1488] {strides = array<i32>} : memref<3328x16xf32, #tpu.memory_space<vmem>>, vector<16xf32>,
      %add3A_1490 = arith.addf %add3A_1482, %get3A_1489 : vector<16xf32>
      %mul3A_1491 = arith.mulf %get3A_1489, %get3A_1489 : vector<16xf32>
      %add3A_1492 = arith.addf %add3A_1484, %mul3A_1491 : vector<16xf32>
      %add3A_1493 = arith.constant 1152 : i32
      %add3A_1494 = arith.addi %add3A_1493, %scan3A_1418 : i32
      %get3A_1495 = arith.index_cast %add3A_1494 : i32 to index
      %get3A_1496 = arith.constant 0 : index
      %get3A_1497 = tpu.vector_load %arg10[%get3A_1495, %get3A_1496] {strides = array<i32>} : memref<3328x16xf32, #tpu.memory_space<vmem>>, vector<16xf32>,
      %add3A_1498 = arith.addf %add3A_1490, %get3A_1497 : vector<16xf32>
      %mul3A_1499 = arith.mulf %get3A_1497, %get3A_1497 : vector<16xf32>
      %add3A_1500 = arith.addf %add3A_1492, %mul3A_1499 : vector<16xf32>
      %add3A_1501 = arith.constant 1280 : i32
      %add3A_1502 = arith.addi %add3A_1501, %scan3A_1418 : i32
      %get3A_1503 = arith.index_cast %add3A_1502 : i32 to index
      %get3A_1504 = arith.constant 0 : index
      %get3A_1505 = tpu.vector_load %arg10[%get3A_1503, %get3A_1504] {strides = array<i32>} : memref<3328x16xf32, #tpu.memory_space<vmem>>, vector<16xf32>,
      %add3A_1506 = arith.addf %add3A_1498, %get3A_1505 : vector<16xf32>
      %mul3A_1507 = arith.mulf %get3A_1505, %get3A_1505 : vector<16xf32>
      %add3A_1508 = arith.addf %add3A_1500, %mul3A_1507 : vector<16xf32>
      %add3A_1509 = arith.constant 1408 : i32
      %add3A_1510 = arith.addi %add3A_1509, %scan3A_1418 : i32
      %get3A_1511 = arith.index_cast %add3A_1510 : i32 to index
      %get3A_1512 = arith.constant 0 : index
      %get3A_1513 = tpu.vector_load %arg10[%get3A_1511, %get3A_1512] {strides = array<i32>} : memref<3328x16xf32, #tpu.memory_space<vmem>>, vector<16xf32>,
      %add3A_1514 = arith.addf %add3A_1506, %get3A_1513 : vector<16xf32>
      %mul3A_1515 = arith.mulf %get3A_1513, %get3A_1513 : vector<16xf32>
      %add3A_1516 = arith.addf %add3A_1508, %mul3A_1515 : vector<16xf32>
      %add3A_1517 = arith.constant 1536 : i32
      %add3A_1518 = arith.addi %add3A_1517, %scan3A_1418 : i32
      %get3A_1519 = arith.index_cast %add3A_1518 : i32 to index
      %get3A_1520 = arith.constant 0 : index
      %get3A_1521 = tpu.vector_load %arg10[%get3A_1519, %get3A_1520] {strides = array<i32>} : memref<3328x16xf32, #tpu.memory_space<vmem>>, vector<16xf32>,
      %add3A_1522 = arith.addf %add3A_1514, %get3A_1521 : vector<16xf32>
      %mul3A_1523 = arith.mulf %get3A_1521, %get3A_1521 : vector<16xf32>
      %add3A_1524 = arith.addf %add3A_1516, %mul3A_1523 : vector<16xf32>
      %add3A_1525 = arith.constant 1664 : i32
      %add3A_1526 = arith.addi %add3A_1525, %scan3A_1418 : i32
      %get3A_1527 = arith.index_cast %add3A_1526 : i32 to index
      %get3A_1528 = arith.constant 0 : index
      %get3A_1529 = tpu.vector_load %arg10[%get3A_1527, %get3A_1528] {strides = array<i32>} : memref<3328x16xf32, #tpu.memory_space<vmem>>, vector<16xf32>,
      %add3A_1530 = arith.addf %add3A_1522, %get3A_1529 : vector<16xf32>
      %mul3A_1531 = arith.mulf %get3A_1529, %get3A_1529 : vector<16xf32>
      %add3A_1532 = arith.addf %add3A_1524, %mul3A_1531 : vector<16xf32>
      %add3A_1533 = arith.constant 1792 : i32
      %add3A_1534 = arith.addi %add3A_1533, %scan3A_1418 : i32
      %get3A_1535 = arith.index_cast %add3A_1534 : i32 to index
      %get3A_1536 = arith.constant 0 : index
      %get3A_1537 = tpu.vector_load %arg10[%get3A_1535, %get3A_1536] {strides = array<i32>} : memref<3328x16xf32, #tpu.memory_space<vmem>>, vector<16xf32>,
      %add3A_1538 = arith.addf %add3A_1530, %get3A_1537 : vector<16xf32>
      %mul3A_1539 = arith.mulf %get3A_1537, %get3A_1537 : vector<16xf32>
      %add3A_1540 = arith.addf %add3A_1532, %mul3A_1539 : vector<16xf32>
      %add3A_1541 = arith.constant 1920 : i32
      %add3A_1542 = arith.addi %add3A_1541, %scan3A_1418 : i32
      %get3A_1543 = arith.index_cast %add3A_1542 : i32 to index
      %get3A_1544 = arith.constant 0 : index
      %get3A_1545 = tpu.vector_load %arg10[%get3A_1543, %get3A_1544] {strides = array<i32>} : memref<3328x16xf32, #tpu.memory_space<vmem>>, vector<16xf32>,
      %add3A_1546 = arith.addf %add3A_1538, %get3A_1545 : vector<16xf32>
      %mul3A_1547 = arith.mulf %get3A_1545, %get3A_1545 : vector<16xf32>
      %add3A_1548 = arith.addf %add3A_1540, %mul3A_1547 : vector<16xf32>
      %add3A_1549 = arith.constant 2048 : i32
      %add3A_1550 = arith.addi %add3A_1549, %scan3A_1418 : i32
      %get3A_1551 = arith.index_cast %add3A_1550 : i32 to index
      %get3A_1552 = arith.constant 0 : index
      %get3A_1553 = tpu.vector_load %arg10[%get3A_1551, %get3A_1552] {strides = array<i32>} : memref<3328x16xf32, #tpu.memory_space<vmem>>, vector<16xf32>,
      %add3A_1554 = arith.addf %add3A_1546, %get3A_1553 : vector<16xf32>
      %mul3A_1555 = arith.mulf %get3A_1553, %get3A_1553 : vector<16xf32>
      %add3A_1556 = arith.addf %add3A_1548, %mul3A_1555 : vector<16xf32>
      %add3A_1557 = arith.constant 2176 : i32
      %add3A_1558 = arith.addi %add3A_1557, %scan3A_1418 : i32
      %get3A_1559 = arith.index_cast %add3A_1558 : i32 to index
      %get3A_1560 = arith.constant 0 : index
      %get3A_1561 = tpu.vector_load %arg10[%get3A_1559, %get3A_1560] {strides = array<i32>} : memref<3328x16xf32, #tpu.memory_space<vmem>>, vector<16xf32>,
      %add3A_1562 = arith.addf %add3A_1554, %get3A_1561 : vector<16xf32>
      %mul3A_1563 = arith.mulf %get3A_1561, %get3A_1561 : vector<16xf32>
      %add3A_1564 = arith.addf %add3A_1556, %mul3A_1563 : vector<16xf32>
      %add3A_1565 = arith.constant 2304 : i32
      %add3A_1566 = arith.addi %add3A_1565, %scan3A_1418 : i32
      %get3A_1567 = arith.index_cast %add3A_1566 : i32 to index
      %get3A_1568 = arith.constant 0 : index
      %get3A_1569 = tpu.vector_load %arg10[%get3A_1567, %get3A_1568] {strides = array<i32>} : memref<3328x16xf32, #tpu.memory_space<vmem>>, vector<16xf32>,
      %add3A_1570 = arith.addf %add3A_1562, %get3A_1569 : vector<16xf32>
      %mul3A_1571 = arith.mulf %get3A_1569, %get3A_1569 : vector<16xf32>
      %add3A_1572 = arith.addf %add3A_1564, %mul3A_1571 : vector<16xf32>
      %add3A_1573 = arith.constant 2432 : i32
      %add3A_1574 = arith.addi %add3A_1573, %scan3A_1418 : i32
      %get3A_1575 = arith.index_cast %add3A_1574 : i32 to index
      %get3A_1576 = arith.constant 0 : index
      %get3A_1577 = tpu.vector_load %arg10[%get3A_1575, %get3A_1576] {strides = array<i32>} : memref<3328x16xf32, #tpu.memory_space<vmem>>, vector<16xf32>,
      %add3A_1578 = arith.addf %add3A_1570, %get3A_1577 : vector<16xf32>
      %mul3A_1579 = arith.mulf %get3A_1577, %get3A_1577 : vector<16xf32>
      %add3A_1580 = arith.addf %add3A_1572, %mul3A_1579 : vector<16xf32>
      %add3A_1581 = arith.constant 2560 : i32
      %add3A_1582 = arith.addi %add3A_1581, %scan3A_1418 : i32
      %get3A_1583 = arith.index_cast %add3A_1582 : i32 to index
      %get3A_1584 = arith.constant 0 : index
      %get3A_1585 = tpu.vector_load %arg10[%get3A_1583, %get3A_1584] {strides = array<i32>} : memref<3328x16xf32, #tpu.memory_space<vmem>>, vector<16xf32>,
      %add3A_1586 = arith.addf %add3A_1578, %get3A_1585 : vector<16xf32>
      %mul3A_1587 = arith.mulf %get3A_1585, %get3A_1585 : vector<16xf32>
      %add3A_1588 = arith.addf %add3A_1580, %mul3A_1587 : vector<16xf32>
      %add3A_1589 = arith.constant 2688 : i32
      %add3A_1590 = arith.addi %add3A_1589, %scan3A_1418 : i32
      %get3A_1591 = arith.index_cast %add3A_1590 : i32 to index
      %get3A_1592 = arith.constant 0 : index
      %get3A_1593 = tpu.vector_load %arg10[%get3A_1591, %get3A_1592] {strides = array<i32>} : memref<3328x16xf32, #tpu.memory_space<vmem>>, vector<16xf32>,
      %add3A_1594 = arith.addf %add3A_1586, %get3A_1593 : vector<16xf32>
      %mul3A_1595 = arith.mulf %get3A_1593, %get3A_1593 : vector<16xf32>
      %add3A_1596 = arith.addf %add3A_1588, %mul3A_1595 : vector<16xf32>
      %add3A_1597 = arith.constant 2816 : i32
      %add3A_1598 = arith.addi %add3A_1597, %scan3A_1418 : i32
      %get3A_1599 = arith.index_cast %add3A_1598 : i32 to index
      %get3A_1600 = arith.constant 0 : index
      %get3A_1601 = tpu.vector_load %arg10[%get3A_1599, %get3A_1600] {strides = array<i32>} : memref<3328x16xf32, #tpu.memory_space<vmem>>, vector<16xf32>,
      %add3A_1602 = arith.addf %add3A_1594, %get3A_1601 : vector<16xf32>
      %mul3A_1603 = arith.mulf %get3A_1601, %get3A_1601 : vector<16xf32>
      %add3A_1604 = arith.addf %add3A_1596, %mul3A_1603 : vector<16xf32>
      %add3A_1605 = arith.constant 2944 : i32
      %add3A_1606 = arith.addi %add3A_1605, %scan3A_1418 : i32
      %get3A_1607 = arith.index_cast %add3A_1606 : i32 to index
      %get3A_1608 = arith.constant 0 : index
      %get3A_1609 = tpu.vector_load %arg10[%get3A_1607, %get3A_1608] {strides = array<i32>} : memref<3328x16xf32, #tpu.memory_space<vmem>>, vector<16xf32>,
      %add3A_1610 = arith.addf %add3A_1602, %get3A_1609 : vector<16xf32>
      %mul3A_1611 = arith.mulf %get3A_1609, %get3A_1609 : vector<16xf32>
      %add3A_1612 = arith.addf %add3A_1604, %mul3A_1611 : vector<16xf32>
      %add3A_1613 = arith.constant 3072 : i32
      %add3A_1614 = arith.addi %add3A_1613, %scan3A_1418 : i32
      %get3A_1615 = arith.index_cast %add3A_1614 : i32 to index
      %get3A_1616 = arith.constant 0 : index
      %get3A_1617 = tpu.vector_load %arg10[%get3A_1615, %get3A_1616] {strides = array<i32>} : memref<3328x16xf32, #tpu.memory_space<vmem>>, vector<16xf32>,
      %add3A_1618 = arith.addf %add3A_1610, %get3A_1617 : vector<16xf32>
      %mul3A_1619 = arith.mulf %get3A_1617, %get3A_1617 : vector<16xf32>
      %add3A_1620 = arith.addf %add3A_1612, %mul3A_1619 : vector<16xf32>
      %add3A_1621 = arith.constant 3200 : i32
      %add3A_1622 = arith.addi %add3A_1621, %scan3A_1418 : i32
      %get3A_1623 = arith.index_cast %add3A_1622 : i32 to index
      %get3A_1624 = arith.constant 0 : index
      %get3A_1625 = tpu.vector_load %arg10[%get3A_1623, %get3A_1624] {strides = array<i32>} : memref<3328x16xf32, #tpu.memory_space<vmem>>, vector<16xf32>,
      %add3A_1626 = arith.addf %add3A_1618, %get3A_1625 : vector<16xf32>
      %mul3A_1627 = arith.mulf %get3A_1625, %get3A_1625 : vector<16xf32>
      %add3A_1628 = arith.addf %add3A_1620, %mul3A_1627 : vector<16xf32>
      %mul3A_1629 = arith.mulf %add3A_1626, %add3A_1626 : vector<16xf32>
      %sub3A = arith.subf %mul3A_1629, %add3A_1628 : vector<16xf32>
      %mul3A_1630 = arith.constant 5.000000e-01 : f32
      %mul3A_1631 = vector.broadcast %mul3A_1630 : f32 to vector<16xf32>
      %mul3A_1632 = arith.mulf %mul3A_1631, %sub3A : vector<16xf32>
      %mul3A_1633 = arith.constant 16 : i32
      %mul3A_1634 = arith.muli %scan3A_1418, %mul3A_1633 : i32
      %swap3A = arith.index_cast %mul3A_1634 : i32 to index
      %swap3A_1635 = tpu.vector_load %arg13[%swap3A] {strides = array<i32>} : memref<2048xf32, #tpu.memory_space<vmem>>, vector<16xf32>,
      tpu.vector_store %arg13[%swap3A], %mul3A_1632 {strides = array<i32>} : memref<2048xf32, #tpu.memory_space<vmem>>, vector<16xf32>,
      %swap3A_1636 = arith.index_cast %scan3A_1418 : i32 to index
      %swap3A_1637 = arith.constant 0 : index
      %swap3A_1638 = tpu.vector_load %arg12[%swap3A_1636, %swap3A_1637] {strides = array<i32>} : memref<128x16xf32, #tpu.memory_space<vmem>>, vector<16xf32>,
      tpu.vector_store %arg12[%swap3A_1636, %swap3A_1637], %add3A_1626 {strides = array<i32>} : memref<128x16xf32, #tpu.memory_space<vmem>>, vector<16xf32>,
    }
    %scan3A_1415 = arith.constant 128 : i32
    "tpu.region"() ({
      %run_scoped3A = tpu.sem_alloc : memref<!tpu.dma_semaphore, #tpu.memory_space<semaphore_mem>>
      %dma_start3A_1418 = arith.constant 0 : i32
      %dma_start3A_1419 = tpu.memref_slice %arg5[%mul3A_2, %dma_start3A_1418] : memref<4096x16xf32, #tpu.memory_space<hbm>> -> memref<128x16xf32, #tpu.memory_space<hbm>>
      %dma_start3A_1420 = arith.constant 0 : i32
      %dma_start3A_1421 = tpu.memref_slice %arg5[%mul3A_2, %dma_start3A_1420] : memref<4096x16xf32, #tpu.memory_space<hbm>> -> memref<128x16xf32, #tpu.memory_space<hbm>>
      tpu.enqueue_dma source(%arg12 : memref<128x16xf32, #tpu.memory_space<vmem>>) target(%dma_start3A_1421 : memref<128x16xf32, #tpu.memory_space<hbm>>) target_semaphore(%run_scoped3A : memref<!tpu.dma_semaphore, #tpu.memory_space<semaphore_mem>>)
      %dma_wait3A_1422 = arith.constant 0 : i32
      %dma_wait3A_1423 = tpu.memref_slice %arg5[%mul3A_2, %dma_wait3A_1422] : memref<4096x16xf32, #tpu.memory_space<hbm>> -> memref<128x16xf32, #tpu.memory_space<hbm>>
      %dma_wait3A_1424 = arith.constant 0 : i32
      %dma_wait3A_1425 = tpu.memref_slice %arg5[%mul3A_2, %dma_wait3A_1424] : memref<4096x16xf32, #tpu.memory_space<hbm>> -> memref<128x16xf32, #tpu.memory_space<hbm>>
      tpu.wait_dma2 semaphore(%run_scoped3A : memref<!tpu.dma_semaphore, #tpu.memory_space<semaphore_mem>>) src(%arg12 : memref<128x16xf32, #tpu.memory_space<vmem>>) dst(%dma_wait3A_1425 : memref<128x16xf32, #tpu.memory_space<hbm>>)
      tpu.yield
    }) : () -> ()
    %mul3A_1416 = arith.constant 16 : i32
    %mul3A_1417 = arith.muli %mul3A_2, %mul3A_1416 : i32
    "tpu.region"() ({
      %run_scoped3A = tpu.sem_alloc : memref<!tpu.dma_semaphore, #tpu.memory_space<semaphore_mem>>
      %dma_start3A_1418 = tpu.memref_slice %arg6[%mul3A_1417] : memref<65536xf32, #tpu.memory_space<hbm>> -> memref<2048xf32, #tpu.memory_space<hbm>>
      %dma_start3A_1419 = tpu.memref_slice %arg6[%mul3A_1417] : memref<65536xf32, #tpu.memory_space<hbm>> -> memref<2048xf32, #tpu.memory_space<hbm>>
      tpu.enqueue_dma source(%arg13 : memref<2048xf32, #tpu.memory_space<vmem>>) target(%dma_start3A_1419 : memref<2048xf32, #tpu.memory_space<hbm>>) target_semaphore(%run_scoped3A : memref<!tpu.dma_semaphore, #tpu.memory_space<semaphore_mem>>)
      %dma_wait3A_1420 = tpu.memref_slice %arg6[%mul3A_1417] : memref<65536xf32, #tpu.memory_space<hbm>> -> memref<2048xf32, #tpu.memory_space<hbm>>
      %dma_wait3A_1421 = tpu.memref_slice %arg6[%mul3A_1417] : memref<65536xf32, #tpu.memory_space<hbm>> -> memref<2048xf32, #tpu.memory_space<hbm>>
      tpu.wait_dma2 semaphore(%run_scoped3A : memref<!tpu.dma_semaphore, #tpu.memory_space<semaphore_mem>>) src(%arg13 : memref<2048xf32, #tpu.memory_space<vmem>>) dst(%dma_wait3A_1421 : memref<2048xf32, #tpu.memory_space<hbm>>)
      tpu.yield
    }) : () -> ()
    "tpu.region"() ({
      %run_scoped3A = tpu.sem_alloc : memref<!tpu.dma_semaphore, #tpu.memory_space<semaphore_mem>>
      %dma_start3A_1418 = arith.constant 0 : i32
      %dma_start3A_1419 = tpu.memref_slice %arg7[%add3A, %dma_start3A_1418] : memref<32x3328xf32, #tpu.memory_space<hbm>> -> memref<1x3328xf32, #tpu.memory_space<hbm>>
      %dma_start3A_1420 = tpu.memref_squeeze %dma_start3A_1419 : memref<1x3328xf32, #tpu.memory_space<hbm>> -> memref<3328xf32, #tpu.memory_space<hbm>>
      %dma_start3A_1421 = arith.constant 0 : i32
      %dma_start3A_1422 = tpu.memref_slice %arg7[%add3A, %dma_start3A_1421] : memref<32x3328xf32, #tpu.memory_space<hbm>> -> memref<1x3328xf32, #tpu.memory_space<hbm>>
      %dma_start3A_1423 = tpu.memref_squeeze %dma_start3A_1422 : memref<1x3328xf32, #tpu.memory_space<hbm>> -> memref<3328xf32, #tpu.memory_space<hbm>>
      tpu.enqueue_dma source(%arg11 : memref<3328xf32, #tpu.memory_space<vmem>>) target(%dma_start3A_1423 : memref<3328xf32, #tpu.memory_space<hbm>>) target_semaphore(%run_scoped3A : memref<!tpu.dma_semaphore, #tpu.memory_space<semaphore_mem>>)
      %dma_wait3A_1424 = arith.constant 0 : i32
      %dma_wait3A_1425 = tpu.memref_slice %arg7[%add3A, %dma_wait3A_1424] : memref<32x3328xf32, #tpu.memory_space<hbm>> -> memref<1x3328xf32, #tpu.memory_space<hbm>>
      %dma_wait3A_1426 = tpu.memref_squeeze %dma_wait3A_1425 : memref<1x3328xf32, #tpu.memory_space<hbm>> -> memref<3328xf32, #tpu.memory_space<hbm>>
      %dma_wait3A_1427 = arith.constant 0 : i32
      %dma_wait3A_1428 = tpu.memref_slice %arg7[%add3A, %dma_wait3A_1427] : memref<32x3328xf32, #tpu.memory_space<hbm>> -> memref<1x3328xf32, #tpu.memory_space<hbm>>
      %dma_wait3A_1429 = tpu.memref_squeeze %dma_wait3A_1428 : memref<1x3328xf32, #tpu.memory_space<hbm>> -> memref<3328xf32, #tpu.memory_space<hbm>>
      tpu.wait_dma2 semaphore(%run_scoped3A : memref<!tpu.dma_semaphore, #tpu.memory_space<semaphore_mem>>) src(%arg11 : memref<3328xf32, #tpu.memory_space<vmem>>) dst(%dma_wait3A_1429 : memref<3328xf32, #tpu.memory_space<hbm>>)
      tpu.yield
    }) : () -> ()
    return
  }
}

module attributes {stable_mosaic.version = 14 : i64} {
  func.func @_tc_body(%arg0: memref<4096x13xf32, #tpu.memory_space<vmem>>, %arg1: memref<4096x16xf32, #tpu.memory_space<vmem>>, %arg2: memref<4096x16xf32, #tpu.memory_space<vmem>>, %arg3: memref<4096x26xf32, #tpu.memory_space<vmem>>, %arg4: memref<13x16xf32, #tpu.memory_space<vmem>>, %arg5: memref<13x16xf32, #tpu.memory_space<vmem>>, %arg6: memref<13x1xf32, #tpu.memory_space<vmem>>, %arg7: memref<1x1xf32, #tpu.memory_space<vmem>>, %arg8: memref<4096x1xf32, #tpu.memory_space<vmem>>) attributes {dimension_semantics = [], scalar_prefetch = 0 : i64, scratch_operands = 0 : i64, tpu.core_type = #tpu.core_type<tc>} {
    %get3A = arith.constant 0 : index
    %get3A_0 = arith.constant 0 : index
    %get3A_1 = vector.load %arg0[%get3A, %get3A_0] : memref<4096x13xf32, #tpu.memory_space<vmem>>, vector<4096x13xf32>
    %get3A_2 = arith.constant 0 : index
    %get3A_3 = arith.constant 0 : index
    %get3A_4 = vector.load %arg4[%get3A_2, %get3A_3] : memref<13x16xf32, #tpu.memory_space<vmem>>, vector<13x16xf32>
    %get3A_5 = arith.constant 0 : index
    %get3A_6 = arith.constant 0 : index
    %get3A_7 = vector.load %arg5[%get3A_5, %get3A_6] : memref<13x16xf32, #tpu.memory_space<vmem>>, vector<13x16xf32>
    %dot_general3A = arith.constant dense<0.000000e+00> : vector<4096x16xf32>
    %dot_general3A_8 = tpu.matmul %get3A_1, %get3A_4, %dot_general3A {dimension_numbers = #tpu.dot_dimension_numbers<[1], [0], [0], [1], [0, 0, 1, 1], [], []>, transpose_lhs_hint = false} : vector<4096x13xf32>, vector<13x16xf32>, vector<4096x16xf32> -> vector<4096x16xf32>
    %reduce_sum3A = arith.constant dense<0.000000e+00> : vector<16xf32>
    %reduce_sum3A_9 = vector.multi_reduction <add>, %get3A_7, %reduce_sum3A [0] : vector<13x16xf32> to vector<16xf32>
    %broadcast_in_dim3A = vector.shape_cast %reduce_sum3A_9 : vector<16xf32> to vector<1x16xf32>
    %add3A = vector.broadcast %broadcast_in_dim3A : vector<1x16xf32> to vector<4096x16xf32>
    %add3A_10 = arith.addf %dot_general3A_8, %add3A : vector<4096x16xf32>
    %mul3A = arith.mulf %get3A_4, %get3A_4 : vector<13x16xf32>
    %reduce_sum3A_11 = arith.constant dense<0.000000e+00> : vector<13xf32>
    %reduce_sum3A_12 = vector.multi_reduction <add>, %mul3A, %reduce_sum3A_11 [1] : vector<13x16xf32> to vector<13xf32>
    %broadcast_in_dim3A_13 = vector.shape_cast %reduce_sum3A_12 : vector<13xf32> to vector<13x1xf32>
    %mul3A_14 = arith.mulf %get3A_4, %get3A_7 : vector<13x16xf32>
    %reduce_sum3A_15 = arith.constant dense<0.000000e+00> : vector<13xf32>
    %reduce_sum3A_16 = vector.multi_reduction <add>, %mul3A_14, %reduce_sum3A_15 [1] : vector<13x16xf32> to vector<13xf32>
    %broadcast_in_dim3A_17 = vector.shape_cast %reduce_sum3A_16 : vector<13xf32> to vector<13x1xf32>
    %mul3A_18 = arith.mulf %get3A_7, %get3A_7 : vector<13x16xf32>
    %reduce_sum3A_19 = vector.shape_cast %mul3A_18 : vector<13x16xf32> to vector<1x13x16xf32>
    %reduce_sum3A_20 = arith.constant dense<0.000000e+00> : vector<1xf32>
    %reduce_sum3A_21 = vector.multi_reduction <add>, %reduce_sum3A_19, %reduce_sum3A_20 [1, 2] : vector<1x13x16xf32> to vector<1xf32>
    %reduce_sum3A_22 = vector.shape_cast %reduce_sum3A_21 : vector<1xf32> to vector<1x1x1xf32>
    %reduce_sum3A_23 = vector.extract %reduce_sum3A_22[0, 0, 0] : f32 from vector<1x1x1xf32>
    %broadcast_in_dim3A_24 = vector.broadcast %reduce_sum3A_23 : f32 to vector<1x1xf32>
    %mul3A_25 = arith.mulf %get3A_1, %get3A_1 : vector<4096x13xf32>
    %dot_general3A_26 = arith.constant dense<0.000000e+00> : vector<4096x1xf32>
    %dot_general3A_27 = tpu.matmul %mul3A_25, %broadcast_in_dim3A_13, %dot_general3A_26 {dimension_numbers = #tpu.dot_dimension_numbers<[1], [0], [0], [1], [0, 0, 1, 1], [], []>, transpose_lhs_hint = false} : vector<4096x13xf32>, vector<13x1xf32>, vector<4096x1xf32> -> vector<4096x1xf32>
    %dot_general3A_28 = arith.constant dense<0.000000e+00> : vector<4096x1xf32>
    %dot_general3A_29 = tpu.matmul %get3A_1, %broadcast_in_dim3A_17, %dot_general3A_28 {dimension_numbers = #tpu.dot_dimension_numbers<[1], [0], [0], [1], [0, 0, 1, 1], [], []>, transpose_lhs_hint = false} : vector<4096x13xf32>, vector<13x1xf32>, vector<4096x1xf32> -> vector<4096x1xf32>
    %mul3A_30 = arith.constant 2.000000e+00 : f32
    %mul3A_31 = vector.broadcast %mul3A_30 : f32 to vector<4096x1xf32>
    %mul3A_32 = arith.mulf %mul3A_31, %dot_general3A_29 : vector<4096x1xf32>
    %add3A_33 = arith.addf %dot_general3A_27, %mul3A_32 : vector<4096x1xf32>
    %add3A_34 = vector.broadcast %broadcast_in_dim3A_24 : vector<1x1xf32> to vector<4096x1xf32>
    %add3A_35 = arith.addf %add3A_33, %add3A_34 : vector<4096x1xf32>
    %get3A_36 = arith.constant 0 : index
    %get3A_37 = arith.constant 0 : index
    %get3A_38 = vector.load %arg6[%get3A_36, %get3A_37] : memref<13x1xf32, #tpu.memory_space<vmem>>, vector<13x1xf32>
    %dot_general3A_39 = arith.constant dense<0.000000e+00> : vector<4096x1xf32>
    %dot_general3A_40 = tpu.matmul %get3A_1, %get3A_38, %dot_general3A_39 {dimension_numbers = #tpu.dot_dimension_numbers<[1], [0], [0], [1], [0, 0, 1, 1], [], []>, transpose_lhs_hint = false} : vector<4096x13xf32>, vector<13x1xf32>, vector<4096x1xf32> -> vector<4096x1xf32>
    %get3A_41 = arith.constant 0 : index
    %get3A_42 = arith.constant 0 : index
    %get3A_43 = vector.load %arg1[%get3A_41, %get3A_42] : memref<4096x16xf32, #tpu.memory_space<vmem>>, vector<4096x16xf32>
    %get3A_44 = arith.constant 0 : index
    %get3A_45 = arith.constant 0 : index
    %get3A_46 = vector.load %arg3[%get3A_44, %get3A_45] : memref<4096x26xf32, #tpu.memory_space<vmem>>, vector<4096x26xf32>
    %reduce_sum3A_47 = arith.constant dense<0.000000e+00> : vector<4096xf32>
    %reduce_sum3A_48 = vector.multi_reduction <add>, %get3A_46, %reduce_sum3A_47 [1] : vector<4096x26xf32> to vector<4096xf32>
    %broadcast_in_dim3A_49 = vector.shape_cast %reduce_sum3A_48 : vector<4096xf32> to vector<4096x1xf32>
    %get3A_50 = arith.constant 0 : index
    %get3A_51 = arith.constant 0 : index
    %get3A_52 = vector.load %arg2[%get3A_50, %get3A_51] : memref<4096x16xf32, #tpu.memory_space<vmem>>, vector<4096x16xf32>
    %reduce_sum3A_53 = arith.constant dense<0.000000e+00> : vector<4096xf32>
    %reduce_sum3A_54 = vector.multi_reduction <add>, %get3A_52, %reduce_sum3A_53 [1] : vector<4096x16xf32> to vector<4096xf32>
    %broadcast_in_dim3A_55 = vector.shape_cast %reduce_sum3A_54 : vector<4096xf32> to vector<4096x1xf32>
    %mul3A_56 = arith.mulf %get3A_43, %add3A_10 : vector<4096x16xf32>
    %reduce_sum3A_57 = arith.constant dense<0.000000e+00> : vector<4096xf32>
    %reduce_sum3A_58 = vector.multi_reduction <add>, %mul3A_56, %reduce_sum3A_57 [1] : vector<4096x16xf32> to vector<4096xf32>
    %broadcast_in_dim3A_59 = vector.shape_cast %reduce_sum3A_58 : vector<4096xf32> to vector<4096x1xf32>
    %add3A_60 = arith.addf %broadcast_in_dim3A_55, %broadcast_in_dim3A_59 : vector<4096x1xf32>
    %mul3A_61 = arith.mulf %add3A_10, %add3A_10 : vector<4096x16xf32>
    %reduce_sum3A_62 = arith.constant dense<0.000000e+00> : vector<4096xf32>
    %reduce_sum3A_63 = vector.multi_reduction <add>, %mul3A_61, %reduce_sum3A_62 [1] : vector<4096x16xf32> to vector<4096xf32>
    %broadcast_in_dim3A_64 = vector.shape_cast %reduce_sum3A_63 : vector<4096xf32> to vector<4096x1xf32>
    %sub3A = arith.subf %broadcast_in_dim3A_64, %add3A_35 : vector<4096x1xf32>
    %mul3A_65 = arith.constant 5.000000e-01 : f32
    %mul3A_66 = vector.broadcast %mul3A_65 : f32 to vector<4096x1xf32>
    %mul3A_67 = arith.mulf %mul3A_66, %sub3A : vector<4096x1xf32>
    %add3A_68 = arith.addf %add3A_60, %mul3A_67 : vector<4096x1xf32>
    %add3A_69 = arith.addf %add3A_68, %broadcast_in_dim3A_49 : vector<4096x1xf32>
    %add3A_70 = arith.addf %add3A_69, %dot_general3A_40 : vector<4096x1xf32>
    %get3A_71 = arith.constant 0 : index
    %get3A_72 = arith.constant 0 : index
    %get3A_73 = vector.load %arg7[%get3A_71, %get3A_72] : memref<1x1xf32, #tpu.memory_space<vmem>>, vector<1x1xf32>
    %add3A_74 = vector.broadcast %get3A_73 : vector<1x1xf32> to vector<4096x1xf32>
    %add3A_75 = arith.addf %add3A_70, %add3A_74 : vector<4096x1xf32>
    %swap3A = arith.constant 0 : index
    %swap3A_76 = arith.constant 0 : index
    %swap3A_77 = vector.load %arg8[%swap3A, %swap3A_76] : memref<4096x1xf32, #tpu.memory_space<vmem>>, vector<4096x1xf32>
    tpu.vector_store %arg8[%swap3A, %swap3A_76], %add3A_75 {strides = array<i32>} : memref<4096x1xf32, #tpu.memory_space<vmem>>, vector<4096x1xf32>,
    return
  }
}

</mosaic_0001>

<sc_bundles>
// kernel: kernel.4.cloned.1.call-start
scs
__scs_entry_jumppad:
0x0: {  	(pc) =	sbr.rel $0x88, $3  }
0x1: {  	(tag) =	ssettag $0x0;
	lr =	simm.s32 $0x1  }
0x2: {  	[smem:$0x3F99] =	sst lr;
	_ =	strace $0xD0000000  }
0x3: {  	_ = 	snop  }
0x4: {  	_ = 	snop  }
0x5: {  	_ = 	snop  }
0x6: {  	_ = 	snop  }
0x7: {  	_ = 	snop  }
__scs_overlays_trampoline_lowered:
0x8: {  	[smem:$0x3FA8] =	sst s0  }
0x9: {  	[smem:$0x3FA9] =	sst s1  }
0xa: {  	[smem:$0x3FAA] =	sst s2  }
0xb: {  	[smem:$0x3FAB] =	sst s3  }
0xc: {  	[smem:$0x3FAC] =	sst s4  }
0xd: {  	[smem:$0x3FAD] =	sst s5  }
0xe: {  	[smem:$0x3FAE] =	sst s6  }
0xf: {  	[smem:$0x3FAF] =	sst s7  }
0x10: {  	[smem:$0x3FB0] =	sst s8  }
0x11: {  	[smem:$0x3FB1] =	sst s9;
	s0 =	simm.s32 @!p0 $0x0  }
0x12: {  	s1 =	sld [smem:$0x3F97];
	s0 =	simm.s32 @p0 $0x1  }
0x13: {  	[smem:$0x3FB2] =	sst s0;
	s0 =	simm.s32 @!p1 $0x0  }
0x14: {  	s2 =	sld [smem:$0x3F96];
	s0 =	simm.s32 @p1 $0x1  }
0x15: {  	[smem:$0x3FB3] =	sst s0;
	s0 =	simm.s32 @!p2 $0x0  }
0x16: {  	s3 =	sld [smem:$0x3FDB];
	s0 =	simm.s32 @p2 $0x1  }
0x17: {  	s4 =	simm.s32 $0x1BF5;
	[smem:$0x3FB5] =	sst s0  }
0x18: {  	s0 =	sld [smem:$0x3F98];
	_ =	swait.ge [sflag:s4], $0x0  }
0x19: {  	s7 =	sld [smem:$0x3F99]  }
0x1a: {  	s8 =	sadd.s32 $0xFFFFE003, lr  }
0x1b: {  	s9 =	sadd.s32 $0xFFFFFEF7, lr;
	s5 =	simm.s32 $0xFFFFFFFF;
	p2 =	slt.u32 s8, $0xFFFFF086  }
0x1c: {  	p1 =	slt.u32 s9, $0xF7A;
	s5 =	simm.s32 @!p2 $0x0  }
0x1d: {  	s5 =	simm.s32 @p1 $0x1;
	p0 =	seq.s32 s7, s2  }
0x1e: {  	s7 =	smul.u32 @!p0 $0xF7A, s2;
	p2 =	seq.s32 @!p0 s5, $0x0  }
0x1f: {  	s9 =	smul.u32 $0xF7A, s1;
	s8 =	simm.s32 @!p0 $0x1BF5;
	p2 =	por !p2, p0  }
0x20: {  	[sflag:s8] =	ssyncset.s32 @!p0 $0xFFFFF086;
	s6 =	sadd.s32 @!p0 s3, s7;
	s7 =	simm.s32 @!p0 $0x108  }
0x21: {  	s3 =	sadd.s32 s3, s9;
	s6 =	sadd.s32 @!p0 $0x88, s6;
	s7 =	simm.s32 @p2 $0x1082  }
0x22: {  	[simem:s7], [sflag:s8] =	dma.local @!p0 [hbm:s6], $0xF7A  }
0x23: {  	s9 =	sor.u32 $0xD0000000, s2;
	s6 =	simm.s32 $0x108;
	_ =	swait.ge @!p0 [sflag:s8], $0x0  }
0x24: {  	s3 =	sadd.s32 $0x88, s3;
	s6 =	simm.s32 @!p1 $0x1082;
	[sflag:s4] =	ssyncset.s32 $0xFFFFF086  }
0x25: {  	[simem:s6], [sflag:s4] =	dma.local [hbm:s3], $0xF7A  }
0x26: {  	[smem:$0x3F99] =	sst s1;
	(tag) =	ssettag s2;
	_ =	strace s9  }
0x27: {  	s1 =	sld [smem:$0x3FA9]  }
0x28: {  	s2 =	sld [smem:$0x3FAA]  }
0x29: {  	s4 =	sld [smem:$0x3FAC]  }
0x2a: {  	p0 =	seq.s32 s5, $0x0;
	s5 =	sld [smem:$0x3FAD]  }
0x2b: {  	s6 =	sld [smem:$0x3FAE]  }
0x2c: {  	s7 =	sld [smem:$0x3FAF]  }
0x2d: {  	s3 =	simm.s32 $0x108;
	s8 =	sld [smem:$0x3FB0]  }
0x2e: {  	s3 =	simm.s32 @!p0 $0x1082;
	s9 =	sld [smem:$0x3FB1]  }
0x2f: {  	lr =	sadd.s32 s0, s3;
	s0 =	sld [smem:$0x3FA8]  }
0x30: {  	s3 =	sld [smem:$0x3FAB]  }
0x31: {  	[smem:$0x3FB4] =	sst s10  }
0x32: {  	s10 =	sld [smem:$0x3FB2];
	_ =	sdelay $0x3  }
0x33: {  	p0 =	seq.s32 s10, $0x1;
	s10 =	sld [smem:$0x3FB4];
	_ =	sdelay $0x3  }
0x34: {  	[smem:$0x3FB4] =	sst s10  }
0x35: {  	s10 =	sld [smem:$0x3FB3];
	_ =	sdelay $0x3  }
0x36: {  	p1 =	seq.s32 s10, $0x1;
	s10 =	sld [smem:$0x3FB4];
	_ =	sdelay $0x3  }
0x37: {  	[smem:$0x3FB4] =	sst s10  }
0x38: {  	s10 =	sld [smem:$0x3FB5]  }
0x39: {  	_ = 	snop;
	(pc) =	sbr.ind lr, $3  }
0x3a: {  	_ = 	snop  }
0x3b: {  	_ = 	snop  }
0x3c: {  	p2 =	seq.s32 s10, $0x1;
	s10 =	sld [smem:$0x3FB4]  }
0x3d: {  	_ =	shalt  }
0x3e: {  	_ =	shalt  }
0x3f: {  	_ =	shalt  }
0x40: {  	_ =	shalt  }
0x41: {  	_ =	shalt  }
0x42: {  	_ =	shalt  }
0x43: {  	_ =	shalt  }
0x44: {  	_ =	shalt  }
0x45: {  	_ =	shalt  }
0x46: {  	_ =	shalt  }
0x47: {  	_ =	shalt  }
0x48: {  	_ =	shalt  }
0x49: {  	_ =	shalt  }
0x4a: {  	_ =	shalt  }
0x4b: {  	_ =	shalt  }
0x4c: {  	_ =	shalt  }
0x4d: {  	_ =	shalt  }
0x4e: {  	_ =	shalt  }
0x4f: {  	_ =	shalt  }
0x50: {  	_ =	shalt  }
0x51: {  	_ =	shalt  }
0x52: {  	_ =	shalt  }
0x53: {  	_ =	shalt  }
0x54: {  	_ =	shalt  }
0x55: {  	_ =	shalt  }
0x56: {  	_ =	shalt  }
0x57: {  	_ =	shalt  }
0x58: {  	_ =	shalt  }
0x59: {  	_ =	shalt  }
0x5a: {  	_ =	shalt  }
0x5b: {  	_ =	shalt  }
0x5c: {  	_ =	shalt  }
0x5d: {  	_ =	shalt  }
0x5e: {  	_ =	shalt  }
0x5f: {  	_ =	shalt  }
0x60: {  	_ =	shalt  }
0x61: {  	_ =	shalt  }
0x62: {  	_ =	shalt  }
0x63: {  	_ =	shalt  }
0x64: {  	_ =	shalt  }
0x65: {  	_ =	shalt  }
0x66: {  	_ =	shalt  }
0x67: {  	_ =	shalt  }
0x68: {  	_ =	shalt  }
0x69: {  	_ =	shalt  }
0x6a: {  	_ =	shalt  }
0x6b: {  	_ =	shalt  }
0x6c: {  	_ =	shalt  }
0x6d: {  	_ =	shalt  }
0x6e: {  	_ =	shalt  }
0x6f: {  	_ =	shalt  }
0x70: {  	_ =	shalt  }
0x71: {  	_ =	shalt  }
0x72: {  	_ =	shalt  }
0x73: {  	_ =	shalt  }
0x74: {  	_ =	shalt  }
0x75: {  	_ =	shalt  }
0x76: {  	_ =	shalt  }
0x77: {  	_ =	shalt  }
0x78: {  	_ =	shalt  }
0x79: {  	_ =	shalt  }
0x7a: {  	_ =	shalt  }
0x7b: {  	_ =	shalt  }
0x7c: {  	_ =	shalt  }
0x7d: {  	_ =	shalt  }
0x7e: {  	_ =	shalt  }
0x7f: {  	_ =	shalt  }
0x80: {  	_ =	shalt  }
0x81: {  	_ =	shalt  }
0x82: {  	_ =	shalt  }
0x83: {  	_ =	shalt  }
0x84: {  	_ =	shalt  }
0x85: {  	_ =	shalt  }
0x86: {  	_ =	shalt  }
0x87: {  	_ =	shalt  }
.Lfunc_end0:
.L_simem_size_0:
called_computation_lowered:
.L_overlay_start_0:
0x88: {  	s2 =	sld [smem:$0x3FD9]  }
0x89: {  	s3 =	sld [smem:$0x3FFE];
	_ =	sdelay $0x1  }
0x8a: {  	s1 =	srdreg.scid  }
0x8b: {  	s0 =	sand.u32 $0x1, s1  }
0x8c: {  	s16 =	sshll.u32 s0, $0xA;
	s2 =	sadd.s32 s3, s2  }
0x8d: {  	s2 =	sadd.s32 s2, s16  }
0x8e: {  	[smem:$0x3FC0] =	sst s2  }
0x8f: {  	_ = 	snop  }
0x90: {  	(tm) =	ssettm $0x1  }
0x91: {  	s17 =	sld [smem:$0x3FFB];
	_ =	sdelay $0x3  }
0x92: {  	_ =	strace s17  }
0x93: {  	s2 =	sld [smem:$0x3FFC];
	_ =	sdelay $0x3  }
0x94: {  	_ =	strace s2  }
0x95: {  	s2 =	sld [smem:$0x3FFD];
	_ =	sdelay $0x3  }
0x96: {  	_ =	strace s2  }
0x97: {  	_ =	strace $0x8FFFFFFF  }
0x98: {  	s18 =	sld [smem:$0x3FDB];
	_ =	sdelay $0x1  }
0x99: {  	s19 =	simm.s32 $_scs_section_size  }
0x9a: {  	s4 =	simm.s32 $_size__tile_overlayer_lowered;
	s5 =	simm.s32 $_tile_overlayer_lowered  }
0x9b: {  	s22 =	simm.s32 $0x1BFF;
	s21 =	sshll.u32 s5, $0x1;
	s2 =	sadd.s32 s19, s18  }
0x9c: {  	s6 =	simm.s32 $0x0;
	s20 =	sshll.u32 s4, $0x1;
	s4 =	sadd.s32 s21, s2  }
0x9d: {  	[timem:s6], [sflag:s22] =	dma.local [hbm:s4], s20  }
0x9e: {  	_ =	swait.ge [sflag:s22], s20  }
0x9f: {  	s3 =	ssub.s32 $0x0, s20;
	[sflag:s22] =	ssyncset.done $0x0  }
0xa0: {  	[sflag:s22] =	ssyncadd.s32 s3;
	_ =	sdelay $0x1  }
0xa1: {  	s23 =	simm.s32 $0x1B8B  }
0xa2: {  	_ =	swait.ge [sflag:s23], $0x1  }
0xa3: {  	[sflag:s23] =	ssyncset.done $0x0  }
0xa4: {  	s25 =	simm.s32 $0x1B8E;
	s24 =	sld [smem:$0x3FFE];
	[sflag:s23] =	ssyncadd.s32 $0xFFFFFFFF  }
0xa5: {  	s26 =	simm.s32 $execute0_lowered;
	[smem:$0x3FD2] =	sst s25  }
0xa6: {  	s4 =	sshll.u32 s26, $0x1;
	_ =	strace $0x80000046;
	[dreg:$0x1] =	wrdreg $0xFFFFFFFF  }
0xa7: {  	s28 =	simm.s32 $_size_execute0_lowered;
	s2 =	sadd.s32 s2, s4;
	[dreg:$0x0] =	wrdreg $0x0  }
0xa8: {  	s4 =	sshll.u32 s28, $0x1;
	[dreg:$0x2] =	wrdreg s2  }
0xa9: {  	[dreg:$0x3] =	wrdreg s4  }
0xaa: {  	[dreg:$0x4] =	wrdreg $0xC0  }
0xab: {  	_ =	task [dreg:s6], $0x5FFFF  }
0xac: {  	[dreg:$0x1] =	wrdreg $0xFFFFFFFF  }
0xad: {  	[dreg:$0x0] =	wrdreg $0x60  }
0xae: {  	[dreg:$0x2] =	wrdreg s24  }
0xaf: {  	[dreg:$0x3] =	wrdreg $0x9  }
0xb0: {  	_ =	task.clear_ibuf [dreg:s6], $0x4FFFF;
	_ =	strace $0x90000046  }
0xb1: {  	s29 =	simm.s32 $0x9;
	_ =	strace $0x80000048  }
0xb2: {  	_ =	swait.ge [sflag:s29], $0x1  }
0xb3: {  	[sflag:s29] =	ssyncadd.s32 $0xFFFFFFFF  }
0xb4: {  	_ =	strace $0x90000048  }
0xb5: {  	_ =	sfence  }
0xb6: {  	s30 =	sld [smem:$0x0];
	_ =	sdelay $0x2  }
0xb7: {  	s31 =	sshll.u32 s1, $0xD;
	s1 =	sshrl.u32 s1, $0x2  }
0xb8: {  	s3 =	sand.u32 $0x4000, s31;
	s1 =	sadd.s32 s1, s30  }
0xb9: {  	s0 =	sor.u32 s3, s0;
	s1 =	sshll.u32 s1, $0x11  }
0xba: {  	s0 =	sor.u32 s1, s0  }
0xbb: {  	s0 =	sadd.s32 $0x8F2B, s0  }
0xbc: {  	[sflag:s0] =	ssyncadd.remote.s32 $0x1  }
0xbd: {  	_ =	sfence.sel $0xFFFF  }
0xbe: {  	[dreg:$0x0] =	wrdreg $0xFFFFFFFF;
	(pc) =	sbr.abs _section_cstart, $3  }
0xbf: {  	[dreg:$0x1] =	wrdreg $0xFFFFFFFF  }
0xc0: {  	_ =	task.clear_ibuf [dreg:s6], $0x2FFFF;
	_ =	strace $0x9FFFFFFF  }
0xc1: {  	(tm) =	ssettm $0x7FFFFFFF  }
tec
execute0_lowered:
.L_overlay_start_1:
0x0: {  	(tag) =	ssettag $0x1  }
0x1: {  	s0 =	rddreg [dreg:$0x0];
	s2 =	simm.s32 $0x0  }
0x2: {  	[smem:$0x7FF] =	sst s2;
	s5 =	sadd.s32 $0x27AD600, s0  }
0x3: {  	s19 =	sadd.s32 $0x1200, s0;
	_ =	strace $0x80000047;
	[dreg:$0x2] =	wrdreg s5  }
0x4: {  	s6 =	sadd.s32 $0x27DE340, s0;
	[dreg:$0x3] =	wrdreg s19  }
0x5: {  	s20 =	sadd.s32 $0x42D4, s0;
	[dreg:$0x4] =	wrdreg s6  }
0x6: {  	s21 =	sadd.s32 $0x280F080, s0;
	[dreg:$0x6] =	wrdreg s20  }
0x7: {  	s22 =	sadd.s32 $0x73A8, s0;
	[dreg:$0x7] =	wrdreg s21  }
0x8: {  	s23 =	sadd.s32 $0x283FDC0, s0;
	[dreg:$0x8] =	wrdreg s22  }
0x9: {  	s24 =	sadd.s32 $0xA47C, s0;
	[dreg:$0x9] =	wrdreg s23  }
0xa: {  	s26 =	sadd.s32 $0x2870B00, s0;
	[dreg:$0xa] =	wrdreg s24  }
0xb: {  	s29 =	sadd.s32 $0x28A1840, s0;
	[dreg:$0xb] =	wrdreg s26  }
0xc: {  	s30 =	sadd.s32 $0xD550, s0;
	[dreg:$0xc] =	wrdreg s29  }
0xd: {  	s7 =	sadd.s32 $0x10624, s0;
	[dreg:$0xd] =	wrdreg s30  }
0xe: {  	s8 =	sadd.s32 $0x28D2580, s0;
	[dreg:$0xe] =	wrdreg s7  }
0xf: {  	s9 =	sadd.s32 $0x136F8, s0;
	[dreg:$0xf] =	wrdreg s8  }
0x10: {  	s10 =	sadd.s32 $0x29032C0, s0;
	[dreg:$0x10] =	wrdreg s9  }
0x11: {  	s11 =	sadd.s32 $0x167CC, s0;
	[dreg:$0x11] =	wrdreg s10  }
0x12: {  	s12 =	sadd.s32 $0x2934000, s0;
	[dreg:$0x12] =	wrdreg s11  }
0x13: {  	s13 =	sadd.s32 $0x198A0, s0;
	[dreg:$0x13] =	wrdreg s12  }
0x14: {  	s14 =	sadd.s32 $0x2964D40, s0;
	[dreg:$0x14] =	wrdreg s13  }
0x15: {  	s15 =	sadd.s32 $0x1C974, s0;
	[dreg:$0x15] =	wrdreg s14  }
0x16: {  	s16 =	sadd.s32 $0x2995A80, s0;
	[dreg:$0x16] =	wrdreg s15  }
0x17: {  	s17 =	sadd.s32 $0x1FA48, s0;
	[dreg:$0x17] =	wrdreg s16  }
0x18: {  	s18 =	sadd.s32 $0x29C67C0, s0;
	[dreg:$0x18] =	wrdreg s17  }
0x19: {  	[dreg:$0x19] =	wrdreg s18;
	s19 =	sadd.s32 $0x29F7500, s0  }
0x1a: {  	s20 =	sadd.s32 $0x22B1C, s0;
	[dreg:$0x1a] =	wrdreg s19  }
0x1b: {  	s21 =	sadd.s32 $0x25BF0, s0;
	[dreg:$0x1b] =	wrdreg s20  }
0x1c: {  	s22 =	sadd.s32 $0x2A28240, s0;
	[dreg:$0x1c] =	wrdreg s21  }
0x1d: {  	s23 =	sadd.s32 $0x28CC4, s0;
	[dreg:$0x1d] =	wrdreg s22  }
0x1e: {  	s24 =	sadd.s32 $0x2A58F80, s0;
	[dreg:$0x1e] =	wrdreg s23  }
0x1f: {  	s26 =	sadd.s32 $0x2A89CC0, s0;
	[dreg:$0x1f] =	wrdreg s24  }
0x20: {  	s29 =	sadd.s32 $0x2ABAA00, s0;
	[smem:$0x7E4] =	sst s26  }
0x21: {  	s30 =	sadd.s32 $0x2EE6C, s0;
	[smem:$0x7E5] =	sst s29  }
0x22: {  	s6 =	sadd.s32 $0x31F40, s0;
	[smem:$0x7E6] =	sst s30  }
0x23: {  	s7 =	sadd.s32 $0x2AEB740, s0;
	[smem:$0x7E7] =	sst s6  }
0x24: {  	s8 =	sadd.s32 $0x35014, s0;
	[smem:$0x7E8] =	sst s7  }
0x25: {  	s9 =	sadd.s32 $0x2B1C480, s0;
	[smem:$0x7E9] =	sst s8  }
0x26: {  	s1 =	srdreg.scid;
	s10 =	sadd.s32 $0x380E8, s0;
	[smem:$0x7EA] =	sst s9  }
0x27: {  	s3 =	stileid.u32;
	s11 =	sadd.s32 $0x2B4D1C0, s0;
	[smem:$0x7EB] =	sst s10  }
0x28: {  	s31 =	simm.s32 $0x3;
	s12 =	sadd.s32 $0x2B7DF00, s0;
	[smem:$0x7EC] =	sst s11  }
0x29: {  	s28 =	simm.s32 $0x0;
	s13 =	sadd.s32 $0x3B1BC, s0;
	[smem:$0x7ED] =	sst s12  }
0x2a: {  	s1 =	sand.u32 $0x1, s1;
	s14 =	sadd.s32 $0x3E290, s0;
	[smem:$0x7EE] =	sst s13  }
0x2b: {  	s3 =	sshll.u32 s3, $0x1;
	s15 =	sadd.s32 $0x2BAEC40, s0;
	[smem:$0x7EF] =	sst s14  }
0x2c: {  	s3 =	sor.u32 s1, s3;
	s16 =	sadd.s32 $0x41364, s0;
	[smem:$0x7F0] =	sst s15  }
0x2d: {  	s1 =	ssub.s32 $0x2, s1;
	s17 =	sadd.s32 $0x2BDF980, s0;
	[smem:$0x7F1] =	sst s16  }
0x2e: {  	s18 =	sadd.s32 $0x44438, s0;
	s4 =	sshll.u32 s3, $0x9;
	[smem:$0x7F2] =	sst s17  }
0x2f: {  	s5 =	smul.u32 $0x1A0, s3;
	s25 =	sshrl.u32 s1, $0x1;
	[smem:$0x7F3] =	sst s18  }
0x30: {  	s3 =	sshll.u32 s3, $0x8;
	s20 =	sadd.s32 $0x2C106C0, s0;
	s21 =	sadd.s32 $0x2C41400, s0  }
0x31: {  	s22 =	sadd.s32 $0x4750C, s0;
	s23 =	sadd.s32 $0x4A5E0, s0;
	s24 =	sadd.s32 $0x2C72140, s0  }
0x32: {  	s13 =	simm.s32 $0x1500;
	s14 =	simm.s32 $0x1580;
	[smem:$0x7F4] =	sst s20  }
0x33: {  	s15 =	simm.s32 $0x1600;
	s16 =	simm.s32 $0x1680;
	[smem:$0x7F5] =	sst s21  }
0x34: {  	s17 =	simm.s32 $0x1700;
	s18 =	simm.s32 $0x1780;
	[smem:$0x7F6] =	sst s22  }
0x35: {  	s4 =	sadd.s32 s4, s0;
	s1 =	ssub.s32 s1, s25;
	[smem:$0x7F7] =	sst s23  }
0x36: {  	s25 =	sadd.s32 $0x2BD98, s0;
	s3 =	sadd.s32 s3, s0;
	[smem:$0x7F8] =	sst s24  }
0x37: {  	s20 =	simm.s32 $0x1900;
	s21 =	simm.s32 $0x1A00;
	s22 =	simm.s32 $0x1B00  }
0x38: {  	s23 =	simm.s32 $0x1B80;
	s4 =	sadd.s32 $0x50800, s4;
	[smem:$0x7E3] =	sst s25  }
0x39: {  	s19 =	sadd.s32 s5, s0;
	s0 =	sadd.s32 $0x4D6B4, s0;
	[dreg:$0x5] =	wrdreg s4  }
0x3a: {  	s24 =	simm.s32 $0x1C00;
	s25 =	sadd.s32 $0x57C00, s3;
	[smem:$0x7F9] =	sst s0  }
0x3b: {  	s26 =	sadd.s32 $0x59C00, s3;
	s30 =	smax.u32 s1, $0x1;
	[smem:$0x7FA] =	sst s25  }
0x3c: {  	s1 =	simm.s32 $0x1880;
	s3 =	simm.s32 $0x1980;
	[smem:$0x7FB] =	sst s26  }
0x3d: {  	s5 =	simm.s32 $0x1C80;
	s29 =	sadd.s32 $0x54800, s19;
	[smem:$0x7FD] =	sst s30  }
0x3e: {  	v0 =	vlaneseq.u32;
	s0 =	simm.s32 $0x80;
	s19 =	simm.s32 $0x1800;
	s4 =	simm.s32 $0x1A80  }
0x3f: {  	v0 =	vmul.u32 $0x20, v0;
	s25 =	simm.s32 $0x1;
	s26 =	simm.s32 $0x2;
	[smem:$0x7FC] =	sst s29  }
.LBB2_1:
0x40: {  	s6 =	simm.s32 $0x0  }
0x41: {  	s7 =	sand.u32 $0x70, s2;
	v1 =	vmov s6  }
0x42: {  	v2 =	vmov s7;
	v1 =	vand.u32 $0x1F, v1  }
0x43: {  	v2 =	vshll.u32 v2, $0x5;
	v1 =	vbroadcast v1, $0x0  }
0x44: {  	v2 =	vor.u32 v0, v2  }
0x45: {  	s11 =	rddreg [dreg:$0x5];
	s12 =	simm.s32 $0x10;
	s8 =	simm.s32 $0x0;
	v1 =	vor.u32 v1, v2  }
0x46: {  	[tilespmem:s2], [sflag:$0x3] =	stream.linear.gather [hbm4b:s11+s2], $0x1000, $0x38;
	[tilespmem:$0x10A00] =	vst v63  }
0x47: {  	s6 =	sand.u32 $0x70, s12;
	_ =	swait.ge [sflag:s31], $0x1000;
	v2 =	vmov s8  }
0x48: {  	v3 =	vmov s6;
	[sflag:s31] =	ssyncset.done $0x0;
	v2 =	vand.u32 $0x1F, v2  }
0x49: {  	v3 =	vshll.u32 v3, $0x5;
	[sflag:s31] =	ssyncadd.s32 $0xFFFFF000;
	v4 =	vbroadcast v2, $0x0  }
0x4a: {  	v3 =	vor.u32 v0, v3;
	v2 =	vld.idx.msk [tilespmem:v1+s2+$0x0], $0xffff  }
0x4b: {  	s29 =	simm.s32 $0x1;
	v1 =	vor.u32 v4, v3  }
0x4c: {  	s30 =	simm.s32 $0x2;
	s10 =	simm.s32 $0x0;
	s11 =	simm.s32 $0x0  }
0x4d: {  	s9 =	simm.s32 $0x3;
	s11 =	sand.u32 $0x3FFFFF80, s11;
	s8 =	simm.s32 $0x20  }
.LBB2_2:
0x4e: {  	p0 =	sne.s32 s9, $0xCF;
	s12 =	sand.u32 $0x70, s8;
	v3 =	vmov s10;
	s7 =	sor.u32 s7, s11  }
0x4f: {  	s10 =	smov.u32 s30;
	v4 =	vmov s12;
	v3 =	vand.u32 $0x1F, v3;
	[tilespmem:s7+$0x1000] =	vst v2;
	s7 =	smov.u32 s6;
	s6 =	smov.u32 s12  }
.Ltmp0:
0x50: {  	s30 =	smov.u32 s9;
	v4 =	vshll.u32 v4, $0x5;
	v3 =	vbroadcast v3, $0x0;
	v2 =	vld.idx.msk [tilespmem:v1+s2+$0x0], $0xffff;
	(pc) =	sbr.rel @p0 .LBB2_2-.Ltmp0, $4  }
0x51: {  	v1 =	vor.u32 v0, v4  }
0x52: {  	v1 =	vor.u32 v3, v1  }
0x53: {  	s8 =	sadd.s32 $0x10, s8;
	s11 =	sshll.u32 s29, $0x4;
	s29 =	smov.u32 s10  }
0x54: {  	s9 =	sadd.s32 $0x1, s9;
	s10 =	sshrl.u32 s30, $0x3;
	s11 =	sand.u32 $0x3FFFFF80, s11  }
0x55: {  	_ = 	snop  }
0x56: {  	v3 =	vmov s10;
	s8 =	sand.u32 $0x70, s8  }
0x57: {  	s7 =	sor.u32 s7, s11;
	v4 =	vmov s8;
	v3 =	vand.u32 $0x1F, v3  }
0x58: {  	[tilespmem:s7+$0x1000] =	vst v2;
	v2 =	vshll.u32 v4, $0x5;
	v3 =	vbroadcast v3, $0x0  }
0x59: {  	v1 =	vld.idx.msk [tilespmem:v1+s2+$0x0], $0xffff;
	v2 =	vor.u32 v0, v2  }
0x5a: {  	v2 =	vor.u32 v3, v2  }
0x5b: {  	s12 =	sshll.u32 s29, $0x4  }
0x5c: {  	s7 =	sand.u32 $0x3FFFFF80, s12  }
0x5d: {  	s6 =	sor.u32 s6, s7  }
0x5e: {  	[tilespmem:s6+$0x1000] =	vst v1  }
0x5f: {  	v1 =	vld.idx.msk [tilespmem:v2+s2+$0x0], $0xffff;
	_ =	sdelay $0x1  }
0x60: {  	s7 =	sshll.u32 s30, $0x4  }
0x61: {  	s6 =	sand.u32 $0x3FFFFF80, s7  }
0x62: {  	s9 =	rddreg [dreg:$0x2];
	s6 =	sor.u32 s8, s6  }
0x63: {  	s10 =	simm.s32 $0x1000;
	s11 =	simm.s32 $0x1D00;
	s12 =	rddreg [dreg:$0x3];
	[tilespmem:s6+$0x1000] =	vst v1  }
0x64: {  	[tilespmem:s11], [sflag:$0x1] =	stream.indirect.gather [hbm4b:s9+s0], $0x10, s10, s0, $0xb8;
	[tilespmem:$0x10A00] =	vst v63  }
0x65: {  	s7 =	rddreg [dreg:$0x4];
	s8 =	simm.s32 $0xED00  }
0x66: {  	[tilespmem:s8], [sflag:$0x2] =	stream.indirect.gather [hbm4b:s12+s0], $0x1, s10, s0, $0xb8;
	[tilespmem:$0x10A00] =	vst v63  }
0x67: {  	s9 =	simm.s32 $0x2500;
	s11 =	rddreg [dreg:$0x6];
	s10 =	simm.s32 $0x1080  }
0x68: {  	[tilespmem:s9], [sflag:$0x1] =	stream.indirect.gather [hbm4b:s7+s0], $0x10, s10, s0, $0xb8;
	[tilespmem:$0x10A00] =	vst v63  }
0x69: {  	s12 =	simm.s32 $0xED80;
	s9 =	rddreg [dreg:$0x7]  }
0x6a: {  	[tilespmem:s12], [sflag:$0x2] =	stream.indirect.gather [hbm4b:s11+s0], $0x1, s10, s0, $0xb8;
	[tilespmem:$0x10A00] =	vst v63  }
0x6b: {  	s7 =	simm.s32 $0x1100;
	s10 =	simm.s32 $0x2D00;
	s11 =	rddreg [dreg:$0x8]  }
0x6c: {  	[tilespmem:s10], [sflag:$0x1] =	stream.indirect.gather [hbm4b:s9+s0], $0x10, s7, s0, $0xb8;
	[tilespmem:$0x10A00] =	vst v63  }
0x6d: {  	s12 =	simm.s32 $0xEE00;
	s9 =	rddreg [dreg:$0x9]  }
0x6e: {  	[tilespmem:s12], [sflag:$0x2] =	stream.indirect.gather [hbm4b:s11+s0], $0x1, s7, s0, $0xb8;
	[tilespmem:$0x10A00] =	vst v63  }
0x6f: {  	s10 =	simm.s32 $0x3500;
	s7 =	simm.s32 $0x1180;
	s11 =	rddreg [dreg:$0xa]  }
0x70: {  	[tilespmem:s10], [sflag:$0x1] =	stream.indirect.gather [hbm4b:s9+s0], $0x10, s7, s0, $0xb8;
	[tilespmem:$0x10A00] =	vst v63  }
0x71: {  	s12 =	simm.s32 $0xEE80;
	s9 =	rddreg [dreg:$0xb]  }
0x72: {  	[tilespmem:s12], [sflag:$0x2] =	stream.indirect.gather [hbm4b:s11+s0], $0x1, s7, s0, $0xb8;
	[tilespmem:$0x10A00] =	vst v63  }
0x73: {  	s10 =	simm.s32 $0x3D00;
	s7 =	simm.s32 $0x1200;
	s11 =	rddreg [dreg:$0xd]  }
0x74: {  	[tilespmem:s10], [sflag:$0x1] =	stream.indirect.gather [hbm4b:s9+s0], $0x10, s7, s0, $0xb8;
	[tilespmem:$0x10A00] =	vst v63  }
0x75: {  	s12 =	simm.s32 $0xEF00;
	s9 =	rddreg [dreg:$0xc]  }
0x76: {  	[tilespmem:s12], [sflag:$0x2] =	stream.indirect.gather [hbm4b:s11+s0], $0x1, s7, s0, $0xb8;
	[tilespmem:$0x10A00] =	vst v63  }
0x77: {  	s10 =	simm.s32 $0x4500;
	s7 =	simm.s32 $0x1280;
	s11 =	rddreg [dreg:$0xe]  }
0x78: {  	[tilespmem:s10], [sflag:$0x1] =	stream.indirect.gather [hbm4b:s9+s0], $0x10, s7, s0, $0xb8;
	[tilespmem:$0x10A00] =	vst v63  }
0x79: {  	s12 =	simm.s32 $0xEF80;
	s9 =	rddreg [dreg:$0xf]  }
0x7a: {  	[tilespmem:s12], [sflag:$0x2] =	stream.indirect.gather [hbm4b:s11+s0], $0x1, s7, s0, $0xb8;
	[tilespmem:$0x10A00] =	vst v63  }
0x7b: {  	s10 =	simm.s32 $0x4D00;
	s7 =	simm.s32 $0x1300;
	s11 =	rddreg [dreg:$0x10]  }
0x7c: {  	[tilespmem:s10], [sflag:$0x1] =	stream.indirect.gather [hbm4b:s9+s0], $0x10, s7, s0, $0xb8;
	[tilespmem:$0x10A00] =	vst v63  }
0x7d: {  	s12 =	simm.s32 $0xF000;
	s9 =	rddreg [dreg:$0x11]  }
0x7e: {  	[tilespmem:s12], [sflag:$0x2] =	stream.indirect.gather [hbm4b:s11+s0], $0x1, s7, s0, $0xb8;
	[tilespmem:$0x10A00] =	vst v63  }
0x7f: {  	s10 =	simm.s32 $0x5500;
	s7 =	simm.s32 $0x1380;
	s11 =	rddreg [dreg:$0x12]  }
0x80: {  	[tilespmem:s10], [sflag:$0x1] =	stream.indirect.gather [hbm4b:s9+s0], $0x10, s7, s0, $0xb8;
	[tilespmem:$0x10A00] =	vst v63  }
0x81: {  	s12 =	simm.s32 $0xF080;
	s9 =	rddreg [dreg:$0x13]  }
0x82: {  	[tilespmem:s12], [sflag:$0x2] =	stream.indirect.gather [hbm4b:s11+s0], $0x1, s7, s0, $0xb8;
	[tilespmem:$0x10A00] =	vst v63  }
0x83: {  	s10 =	simm.s32 $0x5D00;
	s7 =	simm.s32 $0x1400;
	s11 =	rddreg [dreg:$0x14]  }
0x84: {  	[tilespmem:s10], [sflag:$0x1] =	stream.indirect.gather [hbm4b:s9+s0], $0x10, s7, s0, $0xb8;
	[tilespmem:$0x10A00] =	vst v63  }
0x85: {  	s12 =	simm.s32 $0xF100;
	s9 =	rddreg [dreg:$0x15]  }
0x86: {  	[tilespmem:s12], [sflag:$0x2] =	stream.indirect.gather [hbm4b:s11+s0], $0x1, s7, s0, $0xb8;
	[tilespmem:$0x10A00] =	vst v63  }
0x87: {  	s10 =	simm.s32 $0x6500;
	s7 =	simm.s32 $0x1480;
	s11 =	rddreg [dreg:$0x16]  }
0x88: {  	[tilespmem:s10], [sflag:$0x1] =	stream.indirect.gather [hbm4b:s9+s0], $0x10, s7, s0, $0xb8;
	[tilespmem:$0x10A00] =	vst v63  }
0x89: {  	s12 =	simm.s32 $0xF180;
	s9 =	rddreg [dreg:$0x17]  }
0x8a: {  	[tilespmem:s12], [sflag:$0x2] =	stream.indirect.gather [hbm4b:s11+s0], $0x1, s7, s0, $0xb8;
	[tilespmem:$0x10A00] =	vst v63  }
0x8b: {  	s10 =	simm.s32 $0x6D00;
	s11 =	rddreg [dreg:$0x18]  }
0x8c: {  	[tilespmem:s10], [sflag:$0x1] =	stream.indirect.gather [hbm4b:s9+s0], $0x10, s13, s0, $0xb8;
	[tilespmem:$0x10A00] =	vst v63  }
0x8d: {  	s12 =	simm.s32 $0xF200;
	s9 =	rddreg [dreg:$0x19]  }
0x8e: {  	[tilespmem:s12], [sflag:$0x2] =	stream.indirect.gather [hbm4b:s11+s0], $0x1, s13, s0, $0xb8;
	[tilespmem:$0x10A00] =	vst v63  }
0x8f: {  	s10 =	simm.s32 $0x7500;
	s11 =	rddreg [dreg:$0x1b]  }
0x90: {  	[tilespmem:s10], [sflag:$0x1] =	stream.indirect.gather [hbm4b:s9+s0], $0x10, s14, s0, $0xb8;
	[tilespmem:$0x10A00] =	vst v63  }
0x91: {  	s12 =	simm.s32 $0xF280;
	s9 =	rddreg [dreg:$0x1a]  }
0x92: {  	[tilespmem:s12], [sflag:$0x2] =	stream.indirect.gather [hbm4b:s11+s0], $0x1, s14, s0, $0xb8;
	[tilespmem:$0x10A00] =	vst v63  }
0x93: {  	s10 =	simm.s32 $0x7D00;
	s11 =	rddreg [dreg:$0x1c]  }
0x94: {  	[tilespmem:s10], [sflag:$0x1] =	stream.indirect.gather [hbm4b:s9+s0], $0x10, s15, s0, $0xb8;
	[tilespmem:$0x10A00] =	vst v63  }
0x95: {  	s12 =	simm.s32 $0xF300;
	s9 =	rddreg [dreg:$0x1d]  }
0x96: {  	[tilespmem:s12], [sflag:$0x2] =	stream.indirect.gather [hbm4b:s11+s0], $0x1, s15, s0, $0xb8;
	[tilespmem:$0x10A00] =	vst v63  }
0x97: {  	s10 =	simm.s32 $0x8500;
	s11 =	rddreg [dreg:$0x1e]  }
0x98: {  	[tilespmem:s10], [sflag:$0x1] =	stream.indirect.gather [hbm4b:s9+s0], $0x10, s16, s0, $0xb8;
	[tilespmem:$0x10A00] =	vst v63  }
0x99: {  	s12 =	simm.s32 $0xF380;
	s9 =	rddreg [dreg:$0x1f]  }
0x9a: {  	[tilespmem:s12], [sflag:$0x2] =	stream.indirect.gather [hbm4b:s11+s0], $0x1, s16, s0, $0xb8;
	[tilespmem:$0x10A00] =	vst v63  }
0x9b: {  	s10 =	simm.s32 $0x8D00;
	s11 =	sld [smem:$0x7E3]  }
0x9c: {  	[tilespmem:s10], [sflag:$0x1] =	stream.indirect.gather [hbm4b:s9+s0], $0x10, s17, s0, $0xb8;
	[tilespmem:$0x10A00] =	vst v63  }
0x9d: {  	s12 =	simm.s32 $0xF400;
	s9 =	sld [smem:$0x7E4]  }
0x9e: {  	[tilespmem:s12], [sflag:$0x2] =	stream.indirect.gather [hbm4b:s11+s0], $0x1, s17, s0, $0xb8;
	[tilespmem:$0x10A00] =	vst v63  }
0x9f: {  	s10 =	simm.s32 $0x9500;
	s11 =	sld [smem:$0x7E6]  }
0xa0: {  	[tilespmem:s10], [sflag:$0x1] =	stream.indirect.gather [hbm4b:s9+s0], $0x10, s18, s0, $0xb8;
	[tilespmem:$0x10A00] =	vst v63  }
0xa1: {  	s12 =	simm.s32 $0xF480;
	s9 =	sld [smem:$0x7E5]  }
0xa2: {  	[tilespmem:s12], [sflag:$0x2] =	stream.indirect.gather [hbm4b:s11+s0], $0x1, s18, s0, $0xb8;
	[tilespmem:$0x10A00] =	vst v63  }
0xa3: {  	s10 =	simm.s32 $0x9D00;
	s11 =	sld [smem:$0x7E7]  }
0xa4: {  	[tilespmem:s10], [sflag:$0x1] =	stream.indirect.gather [hbm4b:s9+s0], $0x10, s19, s0, $0xb8;
	[tilespmem:$0x10A00] =	vst v63  }
0xa5: {  	s12 =	simm.s32 $0xF500;
	s9 =	sld [smem:$0x7E8]  }
0xa6: {  	[tilespmem:s12], [sflag:$0x2] =	stream.indirect.gather [hbm4b:s11+s0], $0x1, s19, s0, $0xb8;
	[tilespmem:$0x10A00] =	vst v63  }
0xa7: {  	s10 =	simm.s32 $0xA500;
	s11 =	sld [smem:$0x7E9]  }
0xa8: {  	[tilespmem:s10], [sflag:$0x1] =	stream.indirect.gather [hbm4b:s9+s0], $0x10, s1, s0, $0xb8;
	[tilespmem:$0x10A00] =	vst v63  }
0xa9: {  	s12 =	simm.s32 $0xF580;
	s9 =	sld [smem:$0x7EA]  }
0xaa: {  	[tilespmem:s12], [sflag:$0x2] =	stream.indirect.gather [hbm4b:s11+s0], $0x1, s1, s0, $0xb8;
	[tilespmem:$0x10A00] =	vst v63  }
0xab: {  	s10 =	simm.s32 $0xAD00;
	s11 =	sld [smem:$0x7EB]  }
0xac: {  	[tilespmem:s10], [sflag:$0x1] =	stream.indirect.gather [hbm4b:s9+s0], $0x10, s20, s0, $0xb8;
	[tilespmem:$0x10A00] =	vst v63  }
0xad: {  	s12 =	simm.s32 $0xF600;
	s9 =	sld [smem:$0x7EC]  }
0xae: {  	[tilespmem:s12], [sflag:$0x2] =	stream.indirect.gather [hbm4b:s11+s0], $0x1, s20, s0, $0xb8;
	[tilespmem:$0x10A00] =	vst v63  }
0xaf: {  	s10 =	simm.s32 $0xB500;
	s11 =	sld [smem:$0x7EE]  }
0xb0: {  	[tilespmem:s10], [sflag:$0x1] =	stream.indirect.gather [hbm4b:s9+s0], $0x10, s3, s0, $0xb8;
	[tilespmem:$0x10A00] =	vst v63  }
0xb1: {  	s12 =	simm.s32 $0xF680;
	s9 =	sld [smem:$0x7ED]  }
0xb2: {  	[tilespmem:s12], [sflag:$0x2] =	stream.indirect.gather [hbm4b:s11+s0], $0x1, s3, s0, $0xb8;
	[tilespmem:$0x10A00] =	vst v63  }
0xb3: {  	s10 =	simm.s32 $0xBD00;
	s11 =	sld [smem:$0x7EF]  }
0xb4: {  	[tilespmem:s10], [sflag:$0x1] =	stream.indirect.gather [hbm4b:s9+s0], $0x10, s21, s0, $0xb8;
	[tilespmem:$0x10A00] =	vst v63  }
0xb5: {  	s12 =	simm.s32 $0xF700;
	s9 =	sld [smem:$0x7F0]  }
0xb6: {  	[tilespmem:s12], [sflag:$0x2] =	stream.indirect.gather [hbm4b:s11+s0], $0x1, s21, s0, $0xb8;
	[tilespmem:$0x10A00] =	vst v63  }
0xb7: {  	s10 =	simm.s32 $0xC500;
	s11 =	sld [smem:$0x7F1]  }
0xb8: {  	[tilespmem:s10], [sflag:$0x1] =	stream.indirect.gather [hbm4b:s9+s0], $0x10, s4, s0, $0xb8;
	[tilespmem:$0x10A00] =	vst v63  }
0xb9: {  	s12 =	simm.s32 $0xF780;
	s9 =	sld [smem:$0x7F2]  }
0xba: {  	[tilespmem:s12], [sflag:$0x2] =	stream.indirect.gather [hbm4b:s11+s0], $0x1, s4, s0, $0xb8;
	[tilespmem:$0x10A00] =	vst v63  }
0xbb: {  	s10 =	simm.s32 $0xCD00;
	s11 =	sld [smem:$0x7F3]  }
0xbc: {  	[tilespmem:s10], [sflag:$0x1] =	stream.indirect.gather [hbm4b:s9+s0], $0x10, s22, s0, $0xb8;
	[tilespmem:$0x10A00] =	vst v63  }
0xbd: {  	s12 =	simm.s32 $0xF800;
	s9 =	sld [smem:$0x7F4]  }
0xbe: {  	[tilespmem:s12], [sflag:$0x2] =	stream.indirect.gather [hbm4b:s11+s0], $0x1, s22, s0, $0xb8;
	[tilespmem:$0x10A00] =	vst v63  }
0xbf: {  	s10 =	simm.s32 $0xD500;
	s11 =	sld [smem:$0x7F6]  }
0xc0: {  	[tilespmem:s10], [sflag:$0x1] =	stream.indirect.gather [hbm4b:s9+s0], $0x10, s23, s0, $0xb8;
	[tilespmem:$0x10A00] =	vst v63  }
0xc1: {  	s12 =	simm.s32 $0xF880;
	s9 =	sld [smem:$0x7F5]  }
0xc2: {  	[tilespmem:s12], [sflag:$0x2] =	stream.indirect.gather [hbm4b:s11+s0], $0x1, s23, s0, $0xb8;
	[tilespmem:$0x10A00] =	vst v63  }
0xc3: {  	s10 =	simm.s32 $0xDD00;
	s11 =	sld [smem:$0x7F7]  }
0xc4: {  	[tilespmem:s10], [sflag:$0x1] =	stream.indirect.gather [hbm4b:s9+s0], $0x10, s24, s0, $0xb8;
	[tilespmem:$0x10A00] =	vst v63  }
0xc5: {  	s12 =	simm.s32 $0xF900;
	s9 =	sld [smem:$0x7F8]  }
0xc6: {  	[tilespmem:s12], [sflag:$0x2] =	stream.indirect.gather [hbm4b:s11+s0], $0x1, s24, s0, $0xb8;
	[tilespmem:$0x10A00] =	vst v63  }
0xc7: {  	s10 =	simm.s32 $0xE500;
	s11 =	sld [smem:$0x7F9]  }
0xc8: {  	[tilespmem:s10], [sflag:$0x1] =	stream.indirect.gather [hbm4b:s9+s0], $0x10, s5, s0, $0xb8;
	[tilespmem:$0x10A00] =	vst v63  }
0xc9: {  	s12 =	simm.s32 $0xF980  }
0xca: {  	[tilespmem:s12], [sflag:$0x2] =	stream.indirect.gather [hbm4b:s11+s0], $0x1, s5, s0, $0xb8;
	[tilespmem:$0x10A00] =	vst v63  }
0xcb: {  	_ =	swait.ge [sflag:s25], $0x800  }
0xcc: {  	[sflag:s25] =	ssyncset.done $0x0  }
0xcd: {  	[sflag:s25] =	ssyncadd.s32 $0xFFFFF800  }
0xce: {  	_ =	swait.ge [sflag:s25], $0x800  }
0xcf: {  	[sflag:s25] =	ssyncset.done $0x0  }
0xd0: {  	[sflag:s25] =	ssyncadd.s32 $0xFFFFF800  }
0xd1: {  	_ =	swait.ge [sflag:s25], $0x800  }
0xd2: {  	[sflag:s25] =	ssyncset.done $0x0  }
0xd3: {  	[sflag:s25] =	ssyncadd.s32 $0xFFFFF800  }
0xd4: {  	_ =	swait.ge [sflag:s25], $0x800  }
0xd5: {  	[sflag:s25] =	ssyncset.done $0x0  }
0xd6: {  	[sflag:s25] =	ssyncadd.s32 $0xFFFFF800  }
0xd7: {  	_ =	swait.ge [sflag:s25], $0x800  }
0xd8: {  	[sflag:s25] =	ssyncset.done $0x0  }
0xd9: {  	[sflag:s25] =	ssyncadd.s32 $0xFFFFF800  }
0xda: {  	_ =	swait.ge [sflag:s25], $0x800  }
0xdb: {  	[sflag:s25] =	ssyncset.done $0x0  }
0xdc: {  	[sflag:s25] =	ssyncadd.s32 $0xFFFFF800  }
0xdd: {  	_ =	swait.ge [sflag:s25], $0x800  }
0xde: {  	[sflag:s25] =	ssyncset.done $0x0  }
0xdf: {  	[sflag:s25] =	ssyncadd.s32 $0xFFFFF800  }
0xe0: {  	_ =	swait.ge [sflag:s25], $0x800  }
0xe1: {  	[sflag:s25] =	ssyncset.done $0x0  }
0xe2: {  	[sflag:s25] =	ssyncadd.s32 $0xFFFFF800  }
0xe3: {  	_ =	swait.ge [sflag:s25], $0x800  }
0xe4: {  	[sflag:s25] =	ssyncset.done $0x0  }
0xe5: {  	[sflag:s25] =	ssyncadd.s32 $0xFFFFF800  }
0xe6: {  	_ =	swait.ge [sflag:s25], $0x800  }
0xe7: {  	[sflag:s25] =	ssyncset.done $0x0  }
0xe8: {  	[sflag:s25] =	ssyncadd.s32 $0xFFFFF800  }
0xe9: {  	_ =	swait.ge [sflag:s25], $0x800  }
0xea: {  	[sflag:s25] =	ssyncset.done $0x0  }
0xeb: {  	[sflag:s25] =	ssyncadd.s32 $0xFFFFF800  }
0xec: {  	_ =	swait.ge [sflag:s25], $0x800  }
0xed: {  	[sflag:s25] =	ssyncset.done $0x0  }
0xee: {  	[sflag:s25] =	ssyncadd.s32 $0xFFFFF800  }
0xef: {  	_ =	swait.ge [sflag:s25], $0x800  }
0xf0: {  	[sflag:s25] =	ssyncset.done $0x0  }
0xf1: {  	[sflag:s25] =	ssyncadd.s32 $0xFFFFF800  }
0xf2: {  	_ =	swait.ge [sflag:s25], $0x800  }
0xf3: {  	[sflag:s25] =	ssyncset.done $0x0  }
0xf4: {  	[sflag:s25] =	ssyncadd.s32 $0xFFFFF800  }
0xf5: {  	_ =	swait.ge [sflag:s25], $0x800  }
0xf6: {  	[sflag:s25] =	ssyncset.done $0x0  }
0xf7: {  	[sflag:s25] =	ssyncadd.s32 $0xFFFFF800  }
0xf8: {  	_ =	swait.ge [sflag:s25], $0x800  }
0xf9: {  	[sflag:s25] =	ssyncset.done $0x0  }
0xfa: {  	[sflag:s25] =	ssyncadd.s32 $0xFFFFF800  }
0xfb: {  	_ =	swait.ge [sflag:s25], $0x800  }
0xfc: {  	[sflag:s25] =	ssyncset.done $0x0  }
0xfd: {  	[sflag:s25] =	ssyncadd.s32 $0xFFFFF800  }
0xfe: {  	_ =	swait.ge [sflag:s25], $0x800  }
0xff: {  	[sflag:s25] =	ssyncset.done $0x0  }
0x100: {  	[sflag:s25] =	ssyncadd.s32 $0xFFFFF800  }
0x101: {  	_ =	swait.ge [sflag:s25], $0x800  }
0x102: {  	[sflag:s25] =	ssyncset.done $0x0  }
0x103: {  	[sflag:s25] =	ssyncadd.s32 $0xFFFFF800  }
0x104: {  	_ =	swait.ge [sflag:s25], $0x800  }
0x105: {  	[sflag:s25] =	ssyncset.done $0x0  }
0x106: {  	[sflag:s25] =	ssyncadd.s32 $0xFFFFF800  }
0x107: {  	_ =	swait.ge [sflag:s25], $0x800  }
0x108: {  	[sflag:s25] =	ssyncset.done $0x0  }
0x109: {  	[sflag:s25] =	ssyncadd.s32 $0xFFFFF800  }
0x10a: {  	_ =	swait.ge [sflag:s25], $0x800  }
0x10b: {  	[sflag:s25] =	ssyncset.done $0x0  }
0x10c: {  	[sflag:s25] =	ssyncadd.s32 $0xFFFFF800  }
0x10d: {  	_ =	swait.ge [sflag:s25], $0x800  }
0x10e: {  	[sflag:s25] =	ssyncset.done $0x0  }
0x10f: {  	[sflag:s25] =	ssyncadd.s32 $0xFFFFF800  }
0x110: {  	_ =	swait.ge [sflag:s25], $0x800  }
0x111: {  	[sflag:s25] =	ssyncset.done $0x0  }
0x112: {  	[sflag:s25] =	ssyncadd.s32 $0xFFFFF800  }
0x113: {  	_ =	swait.ge [sflag:s25], $0x800  }
0x114: {  	[sflag:s25] =	ssyncset.done $0x0  }
0x115: {  	[sflag:s25] =	ssyncadd.s32 $0xFFFFF800  }
0x116: {  	_ =	swait.ge [sflag:s25], $0x800  }
0x117: {  	[sflag:s25] =	ssyncset.done $0x0  }
0x118: {  	[sflag:s25] =	ssyncadd.s32 $0xFFFFF800  }
0x119: {  	_ =	swait.ge [sflag:s26], $0x80  }
0x11a: {  	[sflag:s26] =	ssyncset.done $0x0  }
0x11b: {  	[sflag:s26] =	ssyncadd.s32 $0xFFFFFF80  }
0x11c: {  	_ =	swait.ge [sflag:s26], $0x80  }
0x11d: {  	[sflag:s26] =	ssyncset.done $0x0  }
0x11e: {  	[sflag:s26] =	ssyncadd.s32 $0xFFFFFF80  }
0x11f: {  	_ =	swait.ge [sflag:s26], $0x80  }
0x120: {  	[sflag:s26] =	ssyncset.done $0x0  }
0x121: {  	[sflag:s26] =	ssyncadd.s32 $0xFFFFFF80  }
0x122: {  	_ =	swait.ge [sflag:s26], $0x80  }
0x123: {  	[sflag:s26] =	ssyncset.done $0x0  }
0x124: {  	[sflag:s26] =	ssyncadd.s32 $0xFFFFFF80  }
0x125: {  	_ =	swait.ge [sflag:s26], $0x80  }
0x126: {  	[sflag:s26] =	ssyncset.done $0x0  }
0x127: {  	[sflag:s26] =	ssyncadd.s32 $0xFFFFFF80  }
0x128: {  	_ =	swait.ge [sflag:s26], $0x80  }
0x129: {  	[sflag:s26] =	ssyncset.done $0x0  }
0x12a: {  	[sflag:s26] =	ssyncadd.s32 $0xFFFFFF80  }
0x12b: {  	_ =	swait.ge [sflag:s26], $0x80  }
0x12c: {  	[sflag:s26] =	ssyncset.done $0x0  }
0x12d: {  	[sflag:s26] =	ssyncadd.s32 $0xFFFFFF80  }
0x12e: {  	_ =	swait.ge [sflag:s26], $0x80  }
0x12f: {  	[sflag:s26] =	ssyncset.done $0x0  }
0x130: {  	[sflag:s26] =	ssyncadd.s32 $0xFFFFFF80  }
0x131: {  	_ =	swait.ge [sflag:s26], $0x80  }
0x132: {  	[sflag:s26] =	ssyncset.done $0x0  }
0x133: {  	[sflag:s26] =	ssyncadd.s32 $0xFFFFFF80  }
0x134: {  	_ =	swait.ge [sflag:s26], $0x80  }
0x135: {  	[sflag:s26] =	ssyncset.done $0x0  }
0x136: {  	[sflag:s26] =	ssyncadd.s32 $0xFFFFFF80  }
0x137: {  	_ =	swait.ge [sflag:s26], $0x80  }
0x138: {  	[sflag:s26] =	ssyncset.done $0x0  }
0x139: {  	[sflag:s26] =	ssyncadd.s32 $0xFFFFFF80  }
0x13a: {  	_ =	swait.ge [sflag:s26], $0x80  }
0x13b: {  	[sflag:s26] =	ssyncset.done $0x0  }
0x13c: {  	[sflag:s26] =	ssyncadd.s32 $0xFFFFFF80  }
0x13d: {  	_ =	swait.ge [sflag:s26], $0x80  }
0x13e: {  	[sflag:s26] =	ssyncset.done $0x0  }
0x13f: {  	[sflag:s26] =	ssyncadd.s32 $0xFFFFFF80  }
0x140: {  	_ =	swait.ge [sflag:s26], $0x80  }
0x141: {  	[sflag:s26] =	ssyncset.done $0x0  }
0x142: {  	[sflag:s26] =	ssyncadd.s32 $0xFFFFFF80  }
0x143: {  	_ =	swait.ge [sflag:s26], $0x80  }
0x144: {  	[sflag:s26] =	ssyncset.done $0x0  }
0x145: {  	[sflag:s26] =	ssyncadd.s32 $0xFFFFFF80  }
0x146: {  	_ =	swait.ge [sflag:s26], $0x80  }
0x147: {  	[sflag:s26] =	ssyncset.done $0x0  }
0x148: {  	[sflag:s26] =	ssyncadd.s32 $0xFFFFFF80  }
0x149: {  	_ =	swait.ge [sflag:s26], $0x80  }
0x14a: {  	[sflag:s26] =	ssyncset.done $0x0  }
0x14b: {  	[sflag:s26] =	ssyncadd.s32 $0xFFFFFF80  }
0x14c: {  	_ =	swait.ge [sflag:s26], $0x80  }
0x14d: {  	[sflag:s26] =	ssyncset.done $0x0  }
0x14e: {  	[sflag:s26] =	ssyncadd.s32 $0xFFFFFF80  }
0x14f: {  	_ =	swait.ge [sflag:s26], $0x80  }
0x150: {  	[sflag:s26] =	ssyncset.done $0x0  }
0x151: {  	[sflag:s26] =	ssyncadd.s32 $0xFFFFFF80  }
0x152: {  	_ =	swait.ge [sflag:s26], $0x80  }
0x153: {  	[sflag:s26] =	ssyncset.done $0x0  }
0x154: {  	[sflag:s26] =	ssyncadd.s32 $0xFFFFFF80  }
0x155: {  	_ =	swait.ge [sflag:s26], $0x80  }
0x156: {  	[sflag:s26] =	ssyncset.done $0x0  }
0x157: {  	[sflag:s26] =	ssyncadd.s32 $0xFFFFFF80  }
0x158: {  	_ =	swait.ge [sflag:s26], $0x80  }
0x159: {  	[sflag:s26] =	ssyncset.done $0x0  }
0x15a: {  	[sflag:s26] =	ssyncadd.s32 $0xFFFFFF80  }
0x15b: {  	_ =	swait.ge [sflag:s26], $0x80  }
0x15c: {  	[sflag:s26] =	ssyncset.done $0x0  }
0x15d: {  	[sflag:s26] =	ssyncadd.s32 $0xFFFFFF80  }
0x15e: {  	_ =	swait.ge [sflag:s26], $0x80  }
0x15f: {  	[sflag:s26] =	ssyncset.done $0x0  }
0x160: {  	[sflag:s26] =	ssyncadd.s32 $0xFFFFFF80  }
0x161: {  	_ =	swait.ge [sflag:s26], $0x80  }
0x162: {  	[sflag:s26] =	ssyncset.done $0x0  }
0x163: {  	[sflag:s26] =	ssyncadd.s32 $0xFFFFFF80  }
0x164: {  	_ =	swait.ge [sflag:s26], $0x80  }
0x165: {  	[sflag:s26] =	ssyncset.done $0x0  }
0x166: {  	s29 =	simm.s32 $0x0;
	[sflag:s26] =	ssyncadd.s32 $0xFFFFFF80  }
0x167: {  	v1 =	vld [tilespmem:s29+$0x1D00];
	_ =	sdelay $0x1  }
0x168: {  	v2 =	vld [tilespmem:s29+$0x2500];
	_ =	sdelay $0x1  }
0x169: {  	v3 =	vld [tilespmem:s29+$0x2D00]  }
0x16a: {  	v4 =	vadd.f32 $0.0e+00, v1  }
0x16b: {  	v5 =	vld [tilespmem:s29+$0x3500]  }
0x16c: {  	v1 =	vmul.f32 v1, v1;
	v4 =	vadd.f32 v2, v4;
	v2 =	vmul.f32 v2, v2  }
0x16d: {  	v6 =	vld [tilespmem:s29+$0x3D00]  }
0x16e: {  	v1 =	vadd.f32 v2, v1;
	v2 =	vadd.f32 v3, v4;
	v3 =	vmul.f32 v3, v3  }
0x16f: {  	v4 =	vld [tilespmem:s29+$0x4500]  }
0x170: {  	v1 =	vadd.f32 v3, v1;
	v2 =	vadd.f32 v5, v2;
	v3 =	vmul.f32 v5, v5  }
0x171: {  	v5 =	vld [tilespmem:s29+$0x4D00]  }
0x172: {  	v1 =	vadd.f32 v3, v1;
	v2 =	vadd.f32 v6, v2;
	v3 =	vmul.f32 v6, v6  }
0x173: {  	v6 =	vld [tilespmem:s29+$0x5500]  }
0x174: {  	v1 =	vadd.f32 v3, v1;
	v2 =	vadd.f32 v4, v2;
	v3 =	vmul.f32 v4, v4  }
0x175: {  	v4 =	vld [tilespmem:s29+$0x5D00]  }
0x176: {  	v1 =	vadd.f32 v3, v1;
	v2 =	vadd.f32 v5, v2;
	v3 =	vmul.f32 v5, v5  }
0x177: {  	v5 =	vld [tilespmem:s29+$0x6500]  }
0x178: {  	v1 =	vadd.f32 v3, v1;
	v2 =	vadd.f32 v6, v2;
	v3 =	vmul.f32 v6, v6  }
0x179: {  	v6 =	vld [tilespmem:s29+$0x6D00]  }
0x17a: {  	v1 =	vadd.f32 v3, v1;
	v2 =	vadd.f32 v4, v2;
	v3 =	vmul.f32 v4, v4  }
0x17b: {  	v4 =	vld [tilespmem:s29+$0x7500]  }
0x17c: {  	v1 =	vadd.f32 v3, v1;
	v2 =	vadd.f32 v5, v2;
	v3 =	vmul.f32 v5, v5  }
0x17d: {  	v5 =	vld [tilespmem:s29+$0x7D00]  }
0x17e: {  	v1 =	vadd.f32 v3, v1;
	v2 =	vadd.f32 v6, v2;
	v3 =	vmul.f32 v6, v6  }
0x17f: {  	s6 =	simm.s32 $0x10;
	v6 =	vld [tilespmem:s29+$0x8500]  }
0x180: {  	v7 =	vld [tilespmem:s6+$0x1D00];
	v1 =	vadd.f32 v3, v1;
	v2 =	vadd.f32 v4, v2;
	v3 =	vmul.f32 v4, v4  }
0x181: {  	v4 =	vld [tilespmem:s29+$0x8D00]  }
0x182: {  	v8 =	vld [tilespmem:s6+$0x2500];
	v1 =	vadd.f32 v3, v1;
	v2 =	vadd.f32 v5, v2;
	v3 =	vmul.f32 v5, v5  }
0x183: {  	v5 =	vld [tilespmem:s29+$0x9500]  }
0x184: {  	v9 =	vld [tilespmem:s6+$0x2D00];
	v1 =	vadd.f32 v3, v1;
	v2 =	vadd.f32 v6, v2;
	v3 =	vmul.f32 v6, v6  }
0x185: {  	v10 =	vld [tilespmem:s29+$0x9D00];
	v6 =	vadd.f32 $0.0e+00, v7  }
0x186: {  	v12 =	vld [tilespmem:s6+$0x3500];
	v11 =	vmul.f32 v4, v4;
	v1 =	vadd.f32 v3, v1;
	v2 =	vadd.f32 v4, v2  }
0x187: {  	v3 =	vmul.f32 v7, v7;
	v4 =	vadd.f32 v8, v6;
	v6 =	vmul.f32 v8, v8;
	v7 =	vld [tilespmem:s29+$0xA500]  }
0x188: {  	v8 =	vld [tilespmem:s6+$0x3D00];
	v1 =	vadd.f32 v11, v1;
	v2 =	vadd.f32 v5, v2;
	v5 =	vmul.f32 v5, v5  }
0x189: {  	v3 =	vadd.f32 v6, v3;
	v4 =	vadd.f32 v9, v4;
	v6 =	vmul.f32 v9, v9;
	v9 =	vld [tilespmem:s29+$0xAD00]  }
0x18a: {  	v11 =	vld [tilespmem:s6+$0x4500];
	v1 =	vadd.f32 v5, v1;
	v2 =	vadd.f32 v10, v2;
	v5 =	vmul.f32 v10, v10  }
0x18b: {  	v3 =	vadd.f32 v6, v3;
	v4 =	vadd.f32 v12, v4;
	v6 =	vmul.f32 v12, v12;
	v10 =	vld [tilespmem:s29+$0xB500]  }
0x18c: {  	v62 =	vld [tilespmem:s6+$0x4D00];
	v1 =	vadd.f32 v5, v1;
	v2 =	vadd.f32 v7, v2;
	v5 =	vmul.f32 v7, v7  }
0x18d: {  	v3 =	vadd.f32 v6, v3;
	v4 =	vadd.f32 v8, v4;
	v6 =	vmul.f32 v8, v8;
	v7 =	vld [tilespmem:s29+$0xBD00]  }
0x18e: {  	v8 =	vld [tilespmem:s6+$0x5500];
	v1 =	vadd.f32 v5, v1;
	v2 =	vadd.f32 v9, v2;
	v5 =	vmul.f32 v9, v9  }
0x18f: {  	v3 =	vadd.f32 v6, v3;
	v4 =	vadd.f32 v11, v4;
	v6 =	vmul.f32 v11, v11;
	v9 =	vld [tilespmem:s29+$0xC500]  }
0x190: {  	v11 =	vld [tilespmem:s6+$0x5D00];
	v1 =	vadd.f32 v5, v1;
	v2 =	vadd.f32 v10, v2;
	v5 =	vmul.f32 v10, v10  }
0x191: {  	v3 =	vadd.f32 v6, v3;
	v4 =	vadd.f32 v62, v4;
	v6 =	vmul.f32 v62, v62;
	v10 =	vld [tilespmem:s29+$0xCD00]  }
0x192: {  	v63 =	vld [tilespmem:s6+$0x6500];
	v1 =	vadd.f32 v5, v1;
	v2 =	vadd.f32 v7, v2;
	v5 =	vmul.f32 v7, v7  }
0x193: {  	v3 =	vadd.f32 v6, v3;
	v4 =	vadd.f32 v8, v4;
	v6 =	vmul.f32 v8, v8;
	v7 =	vld [tilespmem:s29+$0xD500]  }
0x194: {  	v8 =	vld [tilespmem:s6+$0x6D00];
	v1 =	vadd.f32 v5, v1;
	v5 =	vadd.f32 v9, v2;
	v9 =	vmul.f32 v9, v9  }
0x195: {  	v3 =	vadd.f32 v6, v3;
	v4 =	vadd.f32 v11, v4;
	v6 =	vmul.f32 v11, v11;
	v11 =	vld [tilespmem:s29+$0xDD00]  }
0x196: {  	v2 =	vld [tilespmem:s6+$0x7500];
	v1 =	vadd.f32 v9, v1;
	v9 =	vadd.f32 v10, v5;
	v10 =	vmul.f32 v10, v10  }
0x197: {  	v12 =	vmul.f32 v63, v63;
	v6 =	vadd.f32 v6, v3;
	v4 =	vadd.f32 v63, v4;
	v5 =	vld [tilespmem:s29+$0xE500]  }
0x198: {  	v3 =	vld [tilespmem:s6+$0x7D00];
	v10 =	vadd.f32 v10, v1;
	v13 =	vadd.f32 v7, v9;
	v9 =	vmul.f32 v7, v7  }
0x199: {  	v6 =	vadd.f32 v12, v6;
	v7 =	vadd.f32 v8, v4;
	v8 =	vmul.f32 v8, v8;
	v1 =	vld [tilespmem:s6+$0x8D00]  }
0x19a: {  	s30 =	simm.s32 $0x20;
	s7 =	simm.s32 $0xC0;
	v4 =	vld [tilespmem:s6+$0x8500];
	v9 =	vadd.f32 v9, v10;
	v10 =	vadd.f32 v11, v13;
	v11 =	vmul.f32 v11, v11  }
.LBB2_4:
0x19b: {  	p0 =	sne.s32 s7, $0x1FC0;
	v12 =	vld [tilespmem:s30+$0x1D00];
	v6 =	vadd.f32 v8, v6;
	v7 =	vadd.f32 v2, v7;
	v2 =	vmul.f32 v2, v2  }
0x19c: {  	v8 =	vadd.f32 v11, v9;
	v9 =	vadd.f32 v5, v10;
	v5 =	vmul.f32 v5, v5  }
0x19d: {  	v10 =	vld [tilespmem:s30+$0x2500];
	v2 =	vadd.f32 v2, v6;
	v6 =	vadd.f32 v3, v7;
	v3 =	vmul.f32 v3, v3  }
0x19e: {  	v7 =	vld [tilespmem:s6+$0x9500];
	v5 =	vadd.f32 v5, v8;
	v8 =	vmul.f32 v9, v9;
	[tilespmem:s29+$0xFA00] =	vst v9  }
0x19f: {  	v9 =	vld [tilespmem:s30+$0x2D00];
	v2 =	vadd.f32 v3, v2;
	v3 =	vadd.f32 v4, v6;
	v4 =	vmul.f32 v4, v4  }
0x1a0: {  	v11 =	vmul.f32 v1, v1;
	v6 =	vadd.f32 $0.0e+00, v12;
	v13 =	vld [tilespmem:s6+$0x9D00];
	v5 =	vsub.f32 v8, v5  }
0x1a1: {  	v8 =	vmul.f32 v12, v12;
	v12 =	vld [tilespmem:s30+$0x3500];
	v2 =	vadd.f32 v4, v2;
	v1 =	vadd.f32 v1, v3  }
0x1a2: {  	v3 =	vadd.f32 v10, v6;
	v4 =	vmul.f32 v10, v10;
	v6 =	vld [tilespmem:s6+$0xA500];
	v5 =	vmul.f32 $5.000000000e-01, v5  }
0x1a3: {  	v10 =	vld [tilespmem:s30+$0x3D00];
	v2 =	vadd.f32 v11, v2;
	v1 =	vadd.f32 v7, v1;
	v7 =	vmul.f32 v7, v7  }
0x1a4: {  	v4 =	vadd.f32 v4, v8;
	v3 =	vadd.f32 v9, v3;
	v8 =	vmul.f32 v9, v9;
	v9 =	vld [tilespmem:s6+$0xAD00];
	[tilespmem:s29+$0x10200] =	vst v5;
	s29 =	smov.u32 s6;
	s6 =	smov.u32 s30  }
0x1a5: {  	v5 =	vld [tilespmem:s6+$0x4500];
	v2 =	vadd.f32 v7, v2;
	v1 =	vadd.f32 v13, v1;
	v7 =	vmul.f32 v13, v13  }
0x1a6: {  	v4 =	vadd.f32 v8, v4;
	v3 =	vadd.f32 v12, v3;
	v8 =	vmul.f32 v12, v12;
	v11 =	vld [tilespmem:s29+$0xB500]  }
0x1a7: {  	v12 =	vld [tilespmem:s6+$0x4D00];
	v2 =	vadd.f32 v7, v2;
	v1 =	vadd.f32 v6, v1;
	v6 =	vmul.f32 v6, v6  }
0x1a8: {  	v4 =	vadd.f32 v8, v4;
	v3 =	vadd.f32 v10, v3;
	v7 =	vmul.f32 v10, v10;
	v8 =	vld [tilespmem:s29+$0xBD00]  }
0x1a9: {  	v10 =	vld [tilespmem:s6+$0x5500];
	v2 =	vadd.f32 v6, v2;
	v1 =	vadd.f32 v9, v1;
	v6 =	vmul.f32 v9, v9  }
0x1aa: {  	v4 =	vadd.f32 v7, v4;
	v3 =	vadd.f32 v5, v3;
	v5 =	vmul.f32 v5, v5;
	v7 =	vld [tilespmem:s29+$0xC500]  }
0x1ab: {  	v9 =	vld [tilespmem:s6+$0x5D00];
	v2 =	vadd.f32 v6, v2;
	v1 =	vadd.f32 v11, v1;
	v6 =	vmul.f32 v11, v11  }
0x1ac: {  	v4 =	vadd.f32 v5, v4;
	v3 =	vadd.f32 v12, v3;
	v5 =	vmul.f32 v12, v12;
	v11 =	vld [tilespmem:s29+$0xCD00]  }
0x1ad: {  	v12 =	vld [tilespmem:s6+$0x6500];
	v2 =	vadd.f32 v6, v2;
	v1 =	vadd.f32 v8, v1;
	v6 =	vmul.f32 v8, v8  }
0x1ae: {  	v4 =	vadd.f32 v5, v4;
	v3 =	vadd.f32 v10, v3;
	v5 =	vmul.f32 v10, v10;
	v8 =	vld [tilespmem:s29+$0xD500]  }
0x1af: {  	v10 =	vld [tilespmem:s6+$0x6D00];
	v6 =	vadd.f32 v6, v2;
	v1 =	vadd.f32 v7, v1;
	v7 =	vmul.f32 v7, v7  }
0x1b0: {  	v4 =	vadd.f32 v5, v4;
	v3 =	vadd.f32 v9, v3;
	v5 =	vmul.f32 v9, v9;
	v13 =	vld [tilespmem:s29+$0xDD00]  }
.Ltmp1:
0x1b1: {  	v2 =	vld [tilespmem:s6+$0x7500];
	v6 =	vadd.f32 v7, v6;
	v1 =	vadd.f32 v11, v1;
	v7 =	vmul.f32 v11, v11;
	(pc) =	sbr.rel @p0 .LBB2_4-.Ltmp1, $4  }
0x1b2: {  	v4 =	vadd.f32 v5, v4;
	v9 =	vadd.f32 v12, v3;
	v11 =	vmul.f32 v12, v12;
	v5 =	vld [tilespmem:s29+$0xE500]  }
0x1b3: {  	v3 =	vld [tilespmem:s6+$0x7D00];
	v12 =	vadd.f32 v7, v6;
	v14 =	vadd.f32 v8, v1;
	v15 =	vmul.f32 v8, v8  }
0x1b4: {  	v6 =	vadd.f32 v11, v4;
	v7 =	vadd.f32 v10, v9;
	v8 =	vmul.f32 v10, v10;
	v1 =	vld [tilespmem:s6+$0x8D00]  }
0x1b5: {  	s30 =	sshra.s32 s7, $0x2;
	s7 =	sadd.s32 $0x40, s7;
	v4 =	vld [tilespmem:s6+$0x8500];
	v9 =	vadd.f32 v15, v12;
	v10 =	vadd.f32 v13, v14;
	v11 =	vmul.f32 v13, v13  }
0x1b6: {  	v12 =	vld [tilespmem:s30+$0x1D00];
	v6 =	vadd.f32 v8, v6;
	v7 =	vadd.f32 v2, v7;
	v2 =	vmul.f32 v2, v2  }
0x1b7: {  	v60 =	vadd.f32 v5, v10;
	v9 =	vadd.f32 v11, v9;
	v62 =	vmul.f32 v5, v5  }
0x1b8: {  	v61 =	vld [tilespmem:s30+$0x2500];
	v2 =	vadd.f32 v2, v6;
	v15 =	vadd.f32 v3, v7;
	v3 =	vmul.f32 v3, v3  }
0x1b9: {  	v63 =	vld [tilespmem:s6+$0x9500];
	[tilespmem:s29+$0xFA00] =	vst v60;
	v5 =	vadd.f32 v62, v9;
	v16 =	vmul.f32 v60, v60  }
0x1ba: {  	v17 =	vld [tilespmem:s30+$0x2D00];
	v2 =	vadd.f32 v3, v2;
	v3 =	vadd.f32 v4, v15;
	v18 =	vmul.f32 v4, v4  }
0x1bb: {  	v13 =	vmul.f32 v1, v1;
	v19 =	vld [tilespmem:s6+$0x9D00];
	v20 =	vadd.f32 $0.0e+00, v12;
	v5 =	vsub.f32 v16, v5  }
0x1bc: {  	v21 =	vld [tilespmem:s30+$0x3500];
	v12 =	vmul.f32 v12, v12;
	v2 =	vadd.f32 v18, v2;
	v1 =	vadd.f32 v1, v3  }
0x1bd: {  	v23 =	vmul.f32 v61, v61;
	v3 =	vld [tilespmem:s6+$0xA500];
	v22 =	vadd.f32 v61, v20;
	v5 =	vmul.f32 $5.000000000e-01, v5  }
0x1be: {  	v24 =	vld [tilespmem:s30+$0x3D00];
	v11 =	vmul.f32 v63, v63;
	v2 =	vadd.f32 v13, v2;
	v1 =	vadd.f32 v63, v1  }
0x1bf: {  	v25 =	vld [tilespmem:s6+$0xAD00];
	v9 =	vadd.f32 v23, v12;
	v4 =	vadd.f32 v17, v22;
	v8 =	vmul.f32 v17, v17;
	[tilespmem:s29+$0x10200] =	vst v5  }
0x1c0: {  	v6 =	vmul.f32 v19, v19;
	v5 =	vld [tilespmem:s30+$0x4500];
	v2 =	vadd.f32 v11, v2;
	v1 =	vadd.f32 v19, v1  }
0x1c1: {  	v7 =	vmul.f32 v21, v21;
	v26 =	vld [tilespmem:s6+$0xB500];
	v8 =	vadd.f32 v8, v9;
	v4 =	vadd.f32 v21, v4  }
0x1c2: {  	v27 =	vld [tilespmem:s30+$0x4D00];
	v2 =	vadd.f32 v6, v2;
	v1 =	vadd.f32 v3, v1;
	v3 =	vmul.f32 v3, v3  }
0x1c3: {  	v29 =	vmul.f32 v24, v24;
	v30 =	vld [tilespmem:s6+$0xBD00];
	v28 =	vadd.f32 v7, v8;
	v4 =	vadd.f32 v24, v4  }
0x1c4: {  	v31 =	vld [tilespmem:s30+$0x5500];
	v2 =	vadd.f32 v3, v2;
	v1 =	vadd.f32 v25, v1;
	v3 =	vmul.f32 v25, v25  }
0x1c5: {  	v32 =	vld [tilespmem:s6+$0xC500];
	v6 =	vadd.f32 v29, v28;
	v4 =	vadd.f32 v5, v4;
	v5 =	vmul.f32 v5, v5  }
0x1c6: {  	v33 =	vld [tilespmem:s30+$0x5D00];
	v2 =	vadd.f32 v3, v2;
	v1 =	vadd.f32 v26, v1;
	v3 =	vmul.f32 v26, v26  }
0x1c7: {  	v35 =	vld [tilespmem:s6+$0xCD00];
	v34 =	vmul.f32 v27, v27;
	v5 =	vadd.f32 v5, v6;
	v4 =	vadd.f32 v27, v4  }
0x1c8: {  	v36 =	vld [tilespmem:s30+$0x6500];
	v2 =	vadd.f32 v3, v2;
	v1 =	vadd.f32 v30, v1;
	v3 =	vmul.f32 v30, v30  }
0x1c9: {  	v38 =	vld [tilespmem:s6+$0xD500];
	v37 =	vmul.f32 v31, v31;
	v5 =	vadd.f32 v34, v5;
	v4 =	vadd.f32 v31, v4  }
0x1ca: {  	v39 =	vld [tilespmem:s30+$0x6D00];
	v2 =	vadd.f32 v3, v2;
	v1 =	vadd.f32 v32, v1;
	v3 =	vmul.f32 v32, v32  }
0x1cb: {  	v41 =	vld [tilespmem:s6+$0xDD00];
	v40 =	vmul.f32 v33, v33;
	v5 =	vadd.f32 v37, v5;
	v4 =	vadd.f32 v33, v4  }
0x1cc: {  	v42 =	vld [tilespmem:s30+$0x7500];
	v2 =	vadd.f32 v3, v2;
	v1 =	vadd.f32 v35, v1;
	v3 =	vmul.f32 v35, v35  }
0x1cd: {  	v44 =	vld [tilespmem:s6+$0xE500];
	v43 =	vmul.f32 v36, v36;
	v5 =	vadd.f32 v40, v5;
	v4 =	vadd.f32 v36, v4  }
0x1ce: {  	v45 =	vld [tilespmem:s30+$0x7D00];
	v2 =	vadd.f32 v3, v2;
	v1 =	vadd.f32 v38, v1;
	v3 =	vmul.f32 v38, v38  }
0x1cf: {  	v46 =	vmul.f32 v39, v39;
	v5 =	vadd.f32 v43, v5;
	v4 =	vadd.f32 v39, v4  }
0x1d0: {  	v47 =	vld [tilespmem:s30+$0x8500];
	v2 =	vadd.f32 v3, v2;
	v1 =	vadd.f32 v41, v1;
	v3 =	vmul.f32 v41, v41  }
0x1d1: {  	v48 =	vmul.f32 v42, v42;
	v5 =	vadd.f32 v46, v5;
	v4 =	vadd.f32 v42, v4  }
0x1d2: {  	v49 =	vld [tilespmem:s30+$0x8D00];
	v2 =	vadd.f32 v3, v2;
	v1 =	vadd.f32 v44, v1;
	v3 =	vmul.f32 v44, v44  }
0x1d3: {  	v51 =	vld [tilespmem:s30+$0x9500];
	v50 =	vmul.f32 v45, v45;
	v5 =	vadd.f32 v48, v5;
	v4 =	vadd.f32 v45, v4  }
0x1d4: {  	v2 =	vadd.f32 v3, v2;
	v3 =	vmul.f32 v1, v1  }
0x1d5: {  	v52 =	vmul.f32 v47, v47;
	[tilespmem:s6+$0xFA00] =	vst v1;
	v1 =	vadd.f32 v50, v5;
	v4 =	vadd.f32 v47, v4  }
0x1d6: {  	v53 =	vld [tilespmem:s30+$0x9D00];
	v2 =	vsub.f32 v3, v2  }
0x1d7: {  	v3 =	vmul.f32 v49, v49;
	v1 =	vadd.f32 v52, v1;
	v4 =	vadd.f32 v49, v4  }
0x1d8: {  	v55 =	vmul.f32 v51, v51;
	v54 =	vld [tilespmem:s30+$0xA500]  }
0x1d9: {  	v2 =	vmul.f32 $5.000000000e-01, v2;
	v1 =	vadd.f32 v3, v1;
	v3 =	vadd.f32 v51, v4  }
0x1da: {  	v56 =	vld [tilespmem:s30+$0xAD00]  }
0x1db: {  	[tilespmem:s6+$0x10200] =	vst v2;
	v1 =	vadd.f32 v55, v1;
	v2 =	vadd.f32 v53, v3;
	v3 =	vmul.f32 v53, v53  }
0x1dc: {  	v57 =	vld [tilespmem:s30+$0xB500]  }
0x1dd: {  	v1 =	vadd.f32 v3, v1;
	v2 =	vadd.f32 v54, v2;
	v3 =	vmul.f32 v54, v54  }
0x1de: {  	v58 =	vld [tilespmem:s30+$0xBD00]  }
0x1df: {  	v1 =	vadd.f32 v3, v1;
	v2 =	vadd.f32 v56, v2;
	v3 =	vmul.f32 v56, v56  }
0x1e0: {  	v59 =	vld [tilespmem:s30+$0xC500]  }
0x1e1: {  	v1 =	vadd.f32 v3, v1;
	v2 =	vadd.f32 v57, v2;
	v3 =	vmul.f32 v57, v57  }
0x1e2: {  	v60 =	vld [tilespmem:s30+$0xCD00]  }
0x1e3: {  	v1 =	vadd.f32 v3, v1;
	v2 =	vadd.f32 v58, v2;
	v3 =	vmul.f32 v58, v58  }
0x1e4: {  	v61 =	vld [tilespmem:s30+$0xD500]  }
0x1e5: {  	v1 =	vadd.f32 v3, v1;
	v2 =	vadd.f32 v59, v2;
	v3 =	vmul.f32 v59, v59  }
0x1e6: {  	v62 =	vld [tilespmem:s30+$0xDD00]  }
0x1e7: {  	v1 =	vadd.f32 v3, v1;
	v2 =	vadd.f32 v60, v2;
	v3 =	vmul.f32 v60, v60  }
0x1e8: {  	v63 =	vld [tilespmem:s30+$0xE500]  }
0x1e9: {  	v1 =	vadd.f32 v3, v1;
	v2 =	vadd.f32 v61, v2;
	v3 =	vmul.f32 v61, v61;
	_ =	sdelay $0x1  }
0x1ea: {  	v1 =	vadd.f32 v3, v1;
	v2 =	vadd.f32 v62, v2;
	v3 =	vmul.f32 v62, v62;
	_ =	sdelay $0x1  }
0x1eb: {  	v1 =	vadd.f32 v3, v1;
	v2 =	vadd.f32 v63, v2;
	v3 =	vmul.f32 v63, v63;
	_ =	sdelay $0x1  }
0x1ec: {  	v1 =	vadd.f32 v3, v1;
	v3 =	vmul.f32 v2, v2;
	_ =	sdelay $0x1  }
0x1ed: {  	v1 =	vsub.f32 v3, v1;
	_ =	sdelay $0x1  }
0x1ee: {  	s10 =	sld [smem:$0x7FA];
	v1 =	vmul.f32 $5.000000000e-01, v1  }
0x1ef: {  	[tilespmem:s30+$0xFA00] =	vst v2  }
0x1f0: {  	s7 =	simm.s32 $0xFA00;
	[tilespmem:s30+$0x10200] =	vst v1  }
0x1f1: {  	[hbm4b:s10+s2] =	stream.linear.scatter [tilespmem:s7], [sflag:$0x3], $0x800, $0x38;
	[tilespmem:$0x10A00] =	vst v63  }
0x1f2: {  	_ =	swait.ge [sflag:s31], $0x800  }
0x1f3: {  	s11 =	sld [smem:$0x7FB]  }
0x1f4: {  	[sflag:s31] =	ssyncset.done $0x0  }
0x1f5: {  	s12 =	simm.s32 $0x10200;
	[sflag:s31] =	ssyncadd.s32 $0xFFFFF800  }
0x1f6: {  	[hbm4b:s11+s2] =	stream.linear.scatter [tilespmem:s12], [sflag:$0x3], $0x800, $0x38;
	[tilespmem:$0x10A00] =	vst v63  }
0x1f7: {  	_ =	swait.ge [sflag:s31], $0x800  }
0x1f8: {  	s29 =	sld [smem:$0x7FC]  }
0x1f9: {  	[sflag:s31] =	ssyncset.done $0x0  }
0x1fa: {  	[sflag:s31] =	ssyncadd.s32 $0xFFFFF800  }
0x1fb: {  	[hbm4b:s29+s2] =	stream.linear.scatter [tilespmem:s8], [sflag:$0x3], $0xD00, $0x38;
	[tilespmem:$0x10A00] =	vst v63  }
0x1fc: {  	_ =	swait.ge [sflag:s31], $0xD00  }
0x1fd: {  	s30 =	sld [smem:$0x7FD];
	_ =	sdelay $0x1  }
0x1fe: {  	s28 =	sadd.s32 $0x1, s28  }
0x1ff: {  	p0 =	sne.s32 s28, s30  }
.Ltmp2:
0x200: {  	_ = 	snop;
	(pc) =	sbr.rel @p0 .LBB2_1-.Ltmp2, $3  }
0x201: {  	_ =	sdelay $0x1  }
0x202: {  	[sflag:s31] =	ssyncset.done $0x0  }
0x203: {  	[sflag:s31] =	ssyncadd.s32 $0xFFFFF300  }
0x204: {  	_ =	sfence.sel $0x180000  }
0x205: {  	[bflag:$0x0] =	sbarrier.arrive $0xFFFF  }
0x206: {  	_ =	strace $0x90000047  }
0x207: {  	s0 =	stileid.u32;
	[bflag:$0x2] =	sbarrier.arrive $0xFFFF  }
0x208: {  	p0 =	sne.s32 s0, $0x0;
	s0 =	rddreg [dreg:$0x1]  }
0x209: {  	s0 =	sadd.s32 @!p0 $0x100000, s0  }
0x20a: {  	[sflag:s0] =	ssyncadd.tile.s32 @!p0 $0x1;
	_ =	shalt  }
.Lfunc_end2:
_tile_overlayer_lowered:
.L_overlay_start_2:
0x20b: {  	(tag) =	ssettag $0x2  }
0x20c: {  	s0 =	rddreg [dreg:$0x0];
	s2 =	stileid.u32  }
0x20d: {  	s1 =	rddreg [dreg:$0x1];
	p0 =	sne.s32 s2, $0x0  }
0x20e: {  	s3 =	rddreg [dreg:$0x2];
	[bflag:$0x3] =	sbarrier.arrive $0xFFFF;
	s2 =	simm.s32 @!p0 $0x1C03  }
0x20f: {  	[timem:s3], [sflag:s2] =	dma.local @!p0 [hbm:s0], s1  }
0x210: {  	s0 =	simm.s32 @!p0 $0x3  }
0x211: {  	_ =	swait.ge @!p0 [sflag:s0], s1  }
0x212: {  	s1 =	ssub.s32 @!p0 $0x0, s1;
	[sflag:s0] =	ssyncset.done @!p0 $0x0  }
0x213: {  	[sflag:s0] =	ssyncadd.s32 @!p0 s1  }
0x214: {  	[bflag:$0x3] =	sbarrier.arrive $0xFFFF  }
0x215: {  	_ =	shalt  }

</sc_bundles>
